<compile_context>
chip_gen: v7x
topology: tpu7x:2x2x1
jax: 0.10.2.dev20260603
libtpu: 0.0.44.dev20260713+nightly
codegen_flags: <defaults>
</compile_context>

<pallas_src>
import functools

import jax
import jax.numpy as jnp
from jax import lax
from jax.experimental import pallas as pl
from jax.experimental.pallas import tpu as pltpu
from jax.experimental.pallas import tpu_sc as plsc

NC = 2
NS = 16
LANES = 16
CHUNK = 128


def _sc_mesh():
    return plsc.VectorSubcoreMesh(core_axis_name="c", subcore_axis_name="s")


def _zero_fill(ref, rows, width):
    def body(i, carry):
        for k in range(width // LANES):
            ref[i, pl.ds(k * LANES, LANES)] = jnp.zeros((LANES,), jnp.float32)
        return carry
    lax.fori_loop(0, rows, body, 0)


def _zero_shared_rows(fill_v, nfill, acc_s, base, rpt):
    nfull, rem = rpt // nfill, rpt % nfill
    for k in range(nfull):
        pltpu.sync_copy(fill_v, acc_s.at[pl.ds(base + nfill * k, nfill)])
    if rem:
        pltpu.sync_copy(fill_v.at[pl.ds(0, rem)],
                        acc_s.at[pl.ds(base + nfill * nfull, rem)])


def _make_deg_kernel(np_rows, ch_per_tile, rpt, width=16):
    @functools.partial(
        pl.kernel,
        out_type=jax.ShapeDtypeStruct((NC, np_rows, width), jnp.float32),
        mesh=_sc_mesh(),
        compiler_params=pltpu.CompilerParams(use_tc_tiling_on_sc=False),
        scratch_types=[
            pltpu.VMEM((ch_per_tile, CHUNK), jnp.int32),
            pltpu.VMEM((128, width), jnp.float32),
            pltpu.VMEM((128, width), jnp.float32),
            pltpu.VMEM_SHARED((np_rows, width), jnp.float32),
        ],
    )
    def deg_kernel(dst_hbm, ones_hbm, out_hbm, idx_v, fill_v, ones_v, acc_s):
        c = lax.axis_index("c")
        s = lax.axis_index("s")
        base = s * rpt
        _zero_fill(fill_v, 128, width)
        _zero_shared_rows(fill_v, 128, acc_s, base, rpt)
        pltpu.sync_copy(ones_hbm, ones_v)
        plsc.subcore_barrier()
        pltpu.sync_copy(
            dst_hbm.at[s].at[pl.ds(c * ch_per_tile, ch_per_tile)], idx_v)

        def step(j, carry):
            pltpu.sync_copy(ones_v, acc_s.at[idx_v.at[j]], add=True)
            return carry
        lax.fori_loop(0, ch_per_tile, step, 0)
        plsc.subcore_barrier()
        pltpu.sync_copy(acc_s.at[pl.ds(base, rpt)],
                        out_hbm.at[c].at[pl.ds(base, rpt)])

    return deg_kernel


def _make_agg_kernel(np_rows, nch, rpt, width):
    grp = 2
    assert nch % (2 * grp) == grp, "chunk count sized so the tail is one group"
    assert nch >= 3 * grp

    @functools.partial(
        pl.kernel,
        out_type=jax.ShapeDtypeStruct((NC, np_rows, width), jnp.float32),
        mesh=_sc_mesh(),
        compiler_params=pltpu.CompilerParams(use_tc_tiling_on_sc=False),
        scratch_types=[
            pltpu.VMEM((nch, CHUNK), jnp.int32),
            pltpu.VMEM((nch, CHUNK), jnp.int32),
            pltpu.VMEM((grp * 128, width), jnp.float32),
            pltpu.VMEM((grp * 128, width), jnp.float32),
            pltpu.VMEM_SHARED((np_rows, width), jnp.float32),
        ] + [pltpu.SemaphoreType.DMA] * 4,
    )
    def agg_kernel(src_hbm, dst_hbm, tab_hbm, out_hbm,
                   idxs_v, idxd_v, big_a, big_b, acc_s, ga, gb, sa, sb):
        c = lax.axis_index("c")
        s = lax.axis_index("s")
        tab = tab_hbm.at[c]
        base = s * rpt
        _zero_fill(big_a, grp * 128, width)
        _zero_shared_rows(big_a, grp * 128, acc_s, base, rpt)
        plsc.subcore_barrier()
        pltpu.sync_copy(src_hbm.at[s], idxs_v)
        pltpu.sync_copy(dst_hbm.at[s], idxd_v)

        def ggrp(j, big, sem):
            for o in range(grp):
                pltpu.async_copy(tab.at[idxs_v.at[j + o]],
                                 big.at[pl.ds(o * 128, 128)], sem)

        def gwaitgrp(big, sem):
            pltpu.make_async_copy(tab.at[pl.ds(0, grp * 128)], big,
                                  sem).wait()

        def scatgrp(j, big, sem):
            for o in range(grp):
                pltpu.async_copy(big.at[pl.ds(o * 128, 128)],
                                 acc_s.at[idxd_v.at[j + o]], sem, add=True)

        def swaitgrp(big, sem):
            pltpu.make_async_copy(big, acc_s.at[pl.ds(0, grp * 128)],
                                  sem).wait()

        ggrp(0, big_a, ga)

        def body(k, carry):
            j = 2 * grp * k
            ggrp(j + grp, big_b, gb)
            gwaitgrp(big_a, ga)
            scatgrp(j, big_a, sa)
            swaitgrp(big_a, sa)
            ggrp(j + 2 * grp, big_a, ga)
            gwaitgrp(big_b, gb)
            scatgrp(j + grp, big_b, sb)
            swaitgrp(big_b, sb)
            return carry
        lax.fori_loop(0, (nch - grp) // (2 * grp), body, 0)
        gwaitgrp(big_a, ga)
        scatgrp(nch - grp, big_a, sa)
        swaitgrp(big_a, sa)
        plsc.subcore_barrier()
        pltpu.sync_copy(acc_s.at[pl.ds(base, rpt)],
                        out_hbm.at[c].at[pl.ds(base, rpt)])

    return agg_kernel


def _make_tc_prep(q0, q, n, nch, deg_ch):
    del deg_ch

    def body(ei_ref, src_ref, dst_ref):
        tail = lax.broadcasted_iota(jnp.int32, (q - q0, CHUNK), 0) * CHUNK
        tail = tail + lax.broadcasted_iota(jnp.int32, (q - q0, CHUNK), 1)
        tail = jnp.where(tail < n, tail, n)
        src = jnp.concatenate([ei_ref[:q0], tail], axis=0)
        dst = jnp.concatenate([ei_ref[q0:], tail], axis=0)
        src_ref[...] = src.reshape(NS, nch, CHUNK)
        dst_ref[...] = dst.reshape(NS, nch, CHUNK)
    return body


def _dinv_from_deg(degt_ref):
    deg = degt_ref[0, :, 0:1] + degt_ref[1, :, 0:1]
    return lax.rsqrt(jnp.maximum(deg, 1e-12))


def _make_tc_prescale(n):
    def body(x_ref, w1_ref, degt_ref, xs_ref):
        dinv = _dinv_from_deg(degt_ref)
        xw = jnp.dot(x_ref[...], w1_ref[...],
                     preferred_element_type=jnp.float32)
        xw = xw * dinv[:n]
        h = xs_ref.shape[2]
        np_rows = xs_ref.shape[1]
        for cc in range(NC):
            xs_ref[cc, :n, :] = xw[:, cc * h:(cc + 1) * h]
            xs_ref[cc, n:, :] = jnp.zeros((np_rows - n, h), jnp.float32)
    return body


def _tc_layer2(agg_ref, degt_ref, w2_ref, b1_ref, ys_ref):
    dinv = _dinv_from_deg(degt_ref)
    h = agg_ref.shape[2]
    h1a = jnp.maximum(dinv * agg_ref[0] + b1_ref[:, :h], 0.0)
    h1b = jnp.maximum(dinv * agg_ref[1] + b1_ref[:, h:], 0.0)
    ys = (jnp.dot(h1a, w2_ref[:h], preferred_element_type=jnp.float32)
          + jnp.dot(h1b, w2_ref[h:],
                    preferred_element_type=jnp.float32)) * dinv
    h2 = ys_ref.shape[2]
    ys_ref[0] = ys[:, :h2]
    ys_ref[1] = ys[:, h2:]


def _make_tc_head(n):
    def body(agg2_ref, degt_ref, batch_ref, solv_ref, b2_ref,
             l1w_ref, l1bias_ref, l2w_ref, l2bias_ref,
             l3w_ref, l3bias_ref, hw1_ref, hb1_ref, hw2_ref, hb2_ref,
             out_ref):
        num_graphs = out_ref.shape[0]
        dinv = _dinv_from_deg(degt_ref)[:n]
        h2 = agg2_ref.shape[2]
        nodes_a = dinv * agg2_ref[0, :n, :]
        nodes_b = dinv * agg2_ref[1, :n, :]
        gids = lax.broadcasted_iota(jnp.int32, (num_graphs, n), 0)
        mask = (batch_ref[...] == gids).astype(jnp.float32)
        cnt = jnp.sum(mask, axis=1, keepdims=True)
        pooled_a = (jnp.dot(mask, nodes_a, preferred_element_type=jnp.float32)
                    + cnt * b2_ref[:, :h2])
        pooled_b = (jnp.dot(mask, nodes_b, preferred_element_type=jnp.float32)
                    + cnt * b2_ref[:, h2:])
        z = (jnp.dot(pooled_a, l1w_ref[:h2],
                     preferred_element_type=jnp.float32)
             + jnp.dot(pooled_b, l1w_ref[h2:2 * h2],
                       preferred_element_type=jnp.float32)
             + jnp.dot(solv_ref[...], l1w_ref[2 * h2:],
                       preferred_element_type=jnp.float32))
        z = jnp.maximum(z + l1bias_ref[...], 0.0)
        z = jnp.maximum(jnp.dot(z, l2w_ref[...],
                                preferred_element_type=jnp.float32)
                        + l2bias_ref[...], 0.0)
        z = jnp.maximum(jnp.dot(z, l3w_ref[...],
                                preferred_element_type=jnp.float32)
                        + l3bias_ref[...], 0.0)
        nh = out_ref.shape[1]
        for e in range(nh):
            hh = jnp.maximum(jnp.dot(z, hw1_ref[e],
                                     preferred_element_type=jnp.float32)
                             + hb1_ref[e:e + 1, :], 0.0)
            out_ref[:, e:e + 1] = (jnp.dot(hh, hw2_ref[e],
                                           preferred_element_type=jnp.float32)
                                   + hb2_ref[e:e + 1, :])
    return body


def kernel(x, edge_index, edge_attr, batch_index, solvent_descriptors,
           mol_fingerprints, W1, b1, W2, b2, lin1_W, lin1_b, lin2_W, lin2_b,
           lin3_W, lin3_b, heads_W1, heads_b1, heads_W2, heads_b2):
    n, din = x.shape
    e = edge_index.shape[1]
    g = solvent_descriptors.shape[0]
    d1 = W1.shape[1]
    d2 = W2.shape[1]
    nh = heads_W1.shape[0]

    rpt = -(-(n + 1) // (NS * 8)) * 8
    np_rows = rpt * NS

    q0 = -(-e // CHUNK)
    q = -(-(q0 * CHUNK + n) // CHUNK)
    while q % 64 != 32:
        q += 1
    nch = q // NS
    deg_ch = q // (NC * NS)

    if e == q0 * CHUNK:
        eif = edge_index.astype(jnp.int32).reshape(2 * q0, CHUNK)
    else:
        epad = jnp.full((2, q0 * CHUNK - e), jnp.int32(n))
        eip = jnp.concatenate([edge_index.astype(jnp.int32), epad], axis=1)
        eif = eip.reshape(2 * q0, CHUNK)

    srcp, dstp = pl.pallas_call(
        _make_tc_prep(q0, q, n, nch, deg_ch),
        out_shape=[jax.ShapeDtypeStruct((NS, nch, CHUNK), jnp.int32),
                   jax.ShapeDtypeStruct((NS, nch, CHUNK), jnp.int32)],
    )(eif)

    ones16 = jnp.ones((128, 16), jnp.float32)
    degt = _make_deg_kernel(np_rows, deg_ch, rpt, 16)(dstp, ones16)

    xs = pl.pallas_call(
        _make_tc_prescale(n),
        out_shape=jax.ShapeDtypeStruct((NC, np_rows, d1 // NC), jnp.float32),
    )(x, W1, degt)

    agg1 = _make_agg_kernel(np_rows, nch, rpt, d1 // NC)(srcp, dstp, xs)

    ys = pl.pallas_call(
        _tc_layer2,
        out_shape=jax.ShapeDtypeStruct((NC, np_rows, d2 // NC), jnp.float32),
    )(agg1, degt, W2, b1.reshape(1, d1))

    agg2 = _make_agg_kernel(np_rows, nch, rpt, d2 // NC)(srcp, dstp, ys)

    out = pl.pallas_call(
        _make_tc_head(n),
        out_shape=jax.ShapeDtypeStruct((g, nh), jnp.float32),
    )(agg2, degt, batch_index.astype(jnp.int32).reshape(1, n),
      solvent_descriptors, b2.reshape(1, d2),
      lin1_W, lin1_b.reshape(1, -1),
      lin2_W, lin2_b.reshape(1, -1), lin3_W, lin3_b.reshape(1, -1),
      heads_W1, heads_b1, heads_W2, heads_b2[:, 0].reshape(nh, 1))
    return out

# --- scband reference (transcript-rebuilt; emitter-appended) ---
"""Pipeline reference for scband-mt-gcn-90305982366368 (READ-ONLY COPY).

The authoritative reference and input builder live on the scoring server;
editing this copy changes nothing except your own understanding.
"""

import jax, jax.numpy as jnp
import numpy as np

N = 10000
E = 320000
G = 256
DIN = 131


def setup_inputs(seed: int = 0) -> dict:
    key = jax.random.key(seed)
    ks = jax.random.split(key, 16)
    inp = {}
    inp["x"] = jax.random.normal(ks[0], (N, DIN), dtype=jnp.float32)
    inp["edge_index"] = jax.random.randint(ks[1], (2, E), 0, N)
    inp["edge_attr"] = jax.random.normal(ks[2], (E, 4), dtype=jnp.float32)
    inp["batch_index"] = jnp.sort(jax.random.randint(ks[3], (N,), 0, G))
    inp["solvent_descriptors"] = jax.random.normal(ks[4], (G, 11), dtype=jnp.float32)
    inp["mol_fingerprints"] = jax.random.normal(ks[5], (G, 16), dtype=jnp.float32)
    inp["W1"] = jax.random.normal(ks[6], (DIN, 128), dtype=jnp.float32) * 0.05
    inp["b1"] = jnp.zeros((128,), dtype=jnp.float32)
    inp["W2"] = jax.random.normal(ks[7], (128, 64), dtype=jnp.float32) * 0.05
    inp["b2"] = jnp.zeros((64,), dtype=jnp.float32)
    inp["lin1_W"] = jax.random.normal(ks[8], (75, 2048), dtype=jnp.float32) * 0.05
    inp["lin1_b"] = jnp.zeros((2048,), dtype=jnp.float32)
    inp["lin2_W"] = jax.random.normal(ks[9], (2048, 1024), dtype=jnp.float32) * 0.02
    inp["lin2_b"] = jnp.zeros((1024,), dtype=jnp.float32)
    inp["lin3_W"] = jax.random.normal(ks[10], (1024, 128), dtype=jnp.float32) * 0.03
    inp["lin3_b"] = jnp.zeros((128,), dtype=jnp.float32)
    inp["heads_W1"] = jax.random.normal(ks[11], (6, 128, 32), dtype=jnp.float32) * 0.08
    inp["heads_b1"] = jnp.zeros((6, 32), dtype=jnp.float32)
    inp["heads_W2"] = jax.random.normal(ks[12], (6, 32, 1), dtype=jnp.float32) * 0.15
    inp["heads_b2"] = jnp.zeros((6, 1), dtype=jnp.float32)
    return inp


def _gcn_conv(x, src, dst, W, b, num_nodes):
    # symmetric normalized GCNConv with self-loops (PyG default)
    deg = jnp.zeros((num_nodes,), dtype=x.dtype).at[dst].add(1.0)
    dinv = jax.lax.rsqrt(jnp.maximum(deg, 1e-12))
    norm = dinv[src] * dinv[dst]
    xw = x @ W
    msg = xw[src] * norm[:, None]
    out = jnp.zeros((num_nodes, W.shape[1]), dtype=x.dtype).at[dst].add(msg)
    return out + b


def reference(x, edge_index, edge_attr, batch_index, solvent_descriptors, mol_fingerprints, W1, b1, W2, b2, lin1_W, lin1_b, lin2_W, lin2_b, lin3_W, lin3_b, heads_W1, heads_b1, heads_W2, heads_b2):
    num_nodes = x.shape[0]
    loop = jnp.arange(num_nodes, dtype=edge_index.dtype)
    src = jnp.concatenate([edge_index[0], loop])
    dst = jnp.concatenate([edge_index[1], loop])
    h = jax.nn.relu(_gcn_conv(x, src, dst, W1, b1, num_nodes))
    h = _gcn_conv(h, src, dst, W2, b2, num_nodes)
    # gsp = global sum pooling per graph
    pooled = jax.ops.segment_sum(h, batch_index, num_segments=G)
    z = jnp.concatenate([pooled, solvent_descriptors.reshape(G, 11)], axis=1)
    z = jax.nn.relu(z @ lin1_W + lin1_b)
    z = jax.nn.relu(z @ lin2_W + lin2_b)
    z = jax.nn.relu(z @ lin3_W + lin3_b)
    hh = jax.nn.relu(jnp.einsum('bd,edh->ebh', z, heads_W1) + heads_b1[:, None, :])
    heads_out = jnp.einsum('ebh,eho->ebo', hh, heads_W2) + heads_b2[:, None, :]
    return jnp.transpose(heads_out[..., 0], (1, 0))

if __name__ == "__main__":
    import jax
    _d = setup_inputs()
    print(jax.jit(kernel)(*tuple(_d.values())))

</pallas_src>

<mosaic_0001>
#map = affine_map<(d0, d1) -> (0, 0, 0)>
module attributes {stable_mosaic.version = 14 : i64} {
  func.func @agg_kernel(%arg0: i32, %arg1: i32, %arg2: memref<16x162x128xi32, #tpu.memory_space<hbm>>, %arg3: memref<16x162x128xi32, #tpu.memory_space<hbm>>, %arg4: memref<2x10112x32xf32, #tpu.memory_space<hbm>>, %arg5: memref<2x10112x32xf32, #tpu.memory_space<hbm>>, %arg6: memref<162x128xi32, #tpu.memory_space<vmem>>, %arg7: memref<162x128xi32, #tpu.memory_space<vmem>>, %arg8: memref<256x32xf32, #tpu.memory_space<vmem>>, %arg9: memref<256x32xf32, #tpu.memory_space<vmem>>, %arg10: memref<10112x32xf32, #tpu.memory_space<vmem_shared>>, %arg11: memref<!tpu.dma_semaphore, #tpu.memory_space<semaphore_mem>>, %arg12: memref<!tpu.dma_semaphore, #tpu.memory_space<semaphore_mem>>, %arg13: memref<!tpu.dma_semaphore, #tpu.memory_space<semaphore_mem>>, %arg14: memref<!tpu.dma_semaphore, #tpu.memory_space<semaphore_mem>>) attributes {dimension_semantics = [#tpu.dimension_semantics<core_parallel>, #tpu.dimension_semantics<subcore_parallel>], iteration_bounds = array<i64: 2, 16>, scalar_prefetch = 0 : i64, scratch_operands = 9 : i64, tpu.core_type = #tpu.core_type<sc_vector_subcore>, window_params = [{transform_indices = #map}, {transform_indices = #map}, {transform_indices = #map}, {transform_indices = #map}]} {
    %mul3A = arith.constant 632 : i32
    %mul3A_0 = arith.muli %arg1, %mul3A : i32
    %scan3A = arith.constant 0 : i32
    %scan3A_1 = arith.constant 0 : i32
    %scan3A_2 = arith.constant 256 : i32
    %scan3A_3 = arith.addi %scan3A_1, %scan3A_2 : i32
    %scan3A_4 = arith.constant 1 : i32
    scf.for %scan3A_84 = %scan3A_1 to %scan3A_3 step %scan3A_4  : i32 {
      %broadcast_in_dim3A = arith.constant 0.000000e+00 : f32
      %broadcast_in_dim3A_85 = vector.broadcast %broadcast_in_dim3A : f32 to vector<16xf32>
      %swap3A = arith.index_cast %scan3A_84 : i32 to index
      %swap3A_86 = arith.constant 0 : index
      %swap3A_87 = tpu.vector_load %arg8[%swap3A, %swap3A_86] {strides = array<i32>} : memref<256x32xf32, #tpu.memory_space<vmem>>, vector<1x16xf32>,
      %swap3A_88 = vector.shape_cast %swap3A_87 : vector<1x16xf32> to vector<16xf32>
      %swap3A_89 = vector.shape_cast %broadcast_in_dim3A_85 : vector<16xf32> to vector<1x16xf32>
      tpu.vector_store %arg8[%swap3A, %swap3A_86], %swap3A_89 {strides = array<i32>} : memref<256x32xf32, #tpu.memory_space<vmem>>, vector<1x16xf32>,
      %broadcast_in_dim3A_90 = arith.constant 0.000000e+00 : f32
      %broadcast_in_dim3A_91 = vector.broadcast %broadcast_in_dim3A_90 : f32 to vector<16xf32>
      %swap3A_92 = arith.index_cast %scan3A_84 : i32 to index
      %swap3A_93 = arith.constant 16 : index
      %swap3A_94 = tpu.vector_load %arg8[%swap3A_92, %swap3A_93] {strides = array<i32>} : memref<256x32xf32, #tpu.memory_space<vmem>>, vector<1x16xf32>,
      %swap3A_95 = vector.shape_cast %swap3A_94 : vector<1x16xf32> to vector<16xf32>
      %swap3A_96 = vector.shape_cast %broadcast_in_dim3A_91 : vector<16xf32> to vector<1x16xf32>
      tpu.vector_store %arg8[%swap3A_92, %swap3A_93], %swap3A_96 {strides = array<i32>} : memref<256x32xf32, #tpu.memory_space<vmem>>, vector<1x16xf32>,
    }
    %scan3A_5 = arith.constant 256 : i32
    %add3A = arith.constant 0 : i32
    %add3A_6 = arith.addi %mul3A_0, %add3A : i32
    "tpu.region"() ({
      %run_scoped3A = tpu.sem_alloc : memref<!tpu.dma_semaphore, #tpu.memory_space<semaphore_mem>>
      %dma_start3A_84 = arith.constant 0 : i32
      %dma_start3A_85 = tpu.memref_slice %arg10[%add3A_6, %dma_start3A_84] : memref<10112x32xf32, #tpu.memory_space<vmem_shared>> -> memref<256x32xf32, #tpu.memory_space<vmem_shared>>
      %dma_start3A_86 = arith.constant 0 : i32
      %dma_start3A_87 = tpu.memref_slice %arg10[%add3A_6, %dma_start3A_86] : memref<10112x32xf32, #tpu.memory_space<vmem_shared>> -> memref<256x32xf32, #tpu.memory_space<vmem_shared>>
      tpu.enqueue_dma source(%arg8 : memref<256x32xf32, #tpu.memory_space<vmem>>) target(%dma_start3A_87 : memref<256x32xf32, #tpu.memory_space<vmem_shared>>) target_semaphore(%run_scoped3A : memref<!tpu.dma_semaphore, #tpu.memory_space<semaphore_mem>>)
      %dma_wait3A_88 = arith.constant 0 : i32
      %dma_wait3A_89 = tpu.memref_slice %arg10[%add3A_6, %dma_wait3A_88] : memref<10112x32xf32, #tpu.memory_space<vmem_shared>> -> memref<256x32xf32, #tpu.memory_space<vmem_shared>>
      %dma_wait3A_90 = arith.constant 0 : i32
      %dma_wait3A_91 = tpu.memref_slice %arg10[%add3A_6, %dma_wait3A_90] : memref<10112x32xf32, #tpu.memory_space<vmem_shared>> -> memref<256x32xf32, #tpu.memory_space<vmem_shared>>
      tpu.wait_dma2 semaphore(%run_scoped3A : memref<!tpu.dma_semaphore, #tpu.memory_space<semaphore_mem>>) src(%arg8 : memref<256x32xf32, #tpu.memory_space<vmem>>) dst(%dma_wait3A_91 : memref<256x32xf32, #tpu.memory_space<vmem_shared>>)
      tpu.yield
    }) : () -> ()
    %add3A_7 = arith.constant 256 : i32
    %add3A_8 = arith.addi %mul3A_0, %add3A_7 : i32
    "tpu.region"() ({
      %run_scoped3A = tpu.sem_alloc : memref<!tpu.dma_semaphore, #tpu.memory_space<semaphore_mem>>
      %dma_start3A_84 = arith.constant 0 : i32
      %dma_start3A_85 = tpu.memref_slice %arg10[%add3A_8, %dma_start3A_84] : memref<10112x32xf32, #tpu.memory_space<vmem_shared>> -> memref<256x32xf32, #tpu.memory_space<vmem_shared>>
      %dma_start3A_86 = arith.constant 0 : i32
      %dma_start3A_87 = tpu.memref_slice %arg10[%add3A_8, %dma_start3A_86] : memref<10112x32xf32, #tpu.memory_space<vmem_shared>> -> memref<256x32xf32, #tpu.memory_space<vmem_shared>>
      tpu.enqueue_dma source(%arg8 : memref<256x32xf32, #tpu.memory_space<vmem>>) target(%dma_start3A_87 : memref<256x32xf32, #tpu.memory_space<vmem_shared>>) target_semaphore(%run_scoped3A : memref<!tpu.dma_semaphore, #tpu.memory_space<semaphore_mem>>)
      %dma_wait3A_88 = arith.constant 0 : i32
      %dma_wait3A_89 = tpu.memref_slice %arg10[%add3A_8, %dma_wait3A_88] : memref<10112x32xf32, #tpu.memory_space<vmem_shared>> -> memref<256x32xf32, #tpu.memory_space<vmem_shared>>
      %dma_wait3A_90 = arith.constant 0 : i32
      %dma_wait3A_91 = tpu.memref_slice %arg10[%add3A_8, %dma_wait3A_90] : memref<10112x32xf32, #tpu.memory_space<vmem_shared>> -> memref<256x32xf32, #tpu.memory_space<vmem_shared>>
      tpu.wait_dma2 semaphore(%run_scoped3A : memref<!tpu.dma_semaphore, #tpu.memory_space<semaphore_mem>>) src(%arg8 : memref<256x32xf32, #tpu.memory_space<vmem>>) dst(%dma_wait3A_91 : memref<256x32xf32, #tpu.memory_space<vmem_shared>>)
      tpu.yield
    }) : () -> ()
    %add3A_9 = arith.constant 512 : i32
    %add3A_10 = arith.addi %mul3A_0, %add3A_9 : i32
    "tpu.region"() ({
      %run_scoped3A = tpu.sem_alloc : memref<!tpu.dma_semaphore, #tpu.memory_space<semaphore_mem>>
      %dma_start3A_84 = arith.constant 0 : i32
      %dma_start3A_85 = arith.constant 0 : i32
      %dma_start3A_86 = tpu.memref_slice %arg8[%dma_start3A_84, %dma_start3A_85] : memref<256x32xf32, #tpu.memory_space<vmem>> -> memref<120x32xf32, #tpu.memory_space<vmem>>
      %dma_start3A_87 = arith.constant 0 : i32
      %dma_start3A_88 = tpu.memref_slice %arg10[%add3A_10, %dma_start3A_87] : memref<10112x32xf32, #tpu.memory_space<vmem_shared>> -> memref<120x32xf32, #tpu.memory_space<vmem_shared>>
      %dma_start3A_89 = arith.constant 0 : i32
      %dma_start3A_90 = tpu.memref_slice %arg10[%add3A_10, %dma_start3A_89] : memref<10112x32xf32, #tpu.memory_space<vmem_shared>> -> memref<120x32xf32, #tpu.memory_space<vmem_shared>>
      %dma_start3A_91 = arith.constant 0 : i32
      %dma_start3A_92 = arith.constant 0 : i32
      %dma_start3A_93 = tpu.memref_slice %arg8[%dma_start3A_91, %dma_start3A_92] : memref<256x32xf32, #tpu.memory_space<vmem>> -> memref<120x32xf32, #tpu.memory_space<vmem>>
      tpu.enqueue_dma source(%dma_start3A_93 : memref<120x32xf32, #tpu.memory_space<vmem>>) target(%dma_start3A_90 : memref<120x32xf32, #tpu.memory_space<vmem_shared>>) target_semaphore(%run_scoped3A : memref<!tpu.dma_semaphore, #tpu.memory_space<semaphore_mem>>)
      %dma_wait3A_94 = arith.constant 0 : i32
      %dma_wait3A_95 = arith.constant 0 : i32
      %dma_wait3A_96 = tpu.memref_slice %arg8[%dma_wait3A_94, %dma_wait3A_95] : memref<256x32xf32, #tpu.memory_space<vmem>> -> memref<120x32xf32, #tpu.memory_space<vmem>>
      %dma_wait3A_97 = arith.constant 0 : i32
      %dma_wait3A_98 = tpu.memref_slice %arg10[%add3A_10, %dma_wait3A_97] : memref<10112x32xf32, #tpu.memory_space<vmem_shared>> -> memref<120x32xf32, #tpu.memory_space<vmem_shared>>
      %dma_wait3A_99 = arith.constant 0 : i32
      %dma_wait3A_100 = tpu.memref_slice %arg10[%add3A_10, %dma_wait3A_99] : memref<10112x32xf32, #tpu.memory_space<vmem_shared>> -> memref<120x32xf32, #tpu.memory_space<vmem_shared>>
      %dma_wait3A_101 = arith.constant 0 : i32
      %dma_wait3A_102 = arith.constant 0 : i32
      %dma_wait3A_103 = tpu.memref_slice %arg8[%dma_wait3A_101, %dma_wait3A_102] : memref<256x32xf32, #tpu.memory_space<vmem>> -> memref<120x32xf32, #tpu.memory_space<vmem>>
      tpu.wait_dma2 semaphore(%run_scoped3A : memref<!tpu.dma_semaphore, #tpu.memory_space<semaphore_mem>>) src(%dma_wait3A_103 : memref<120x32xf32, #tpu.memory_space<vmem>>) dst(%dma_wait3A_100 : memref<120x32xf32, #tpu.memory_space<vmem_shared>>)
      tpu.yield
    }) : () -> ()
    %barrier3A = arith.constant 0 : index
    tpu.barrier barrier_id(%barrier3A)
    "tpu.region"() ({
      %run_scoped3A = tpu.sem_alloc : memref<!tpu.dma_semaphore, #tpu.memory_space<semaphore_mem>>
      %dma_start3A_84 = arith.constant 0 : i32
      %dma_start3A_85 = arith.constant 0 : i32
      %dma_start3A_86 = tpu.memref_slice %arg2[%arg1, %dma_start3A_84, %dma_start3A_85] : memref<16x162x128xi32, #tpu.memory_space<hbm>> -> memref<1x162x128xi32, #tpu.memory_space<hbm>>
      %dma_start3A_87 = tpu.memref_squeeze %dma_start3A_86 : memref<1x162x128xi32, #tpu.memory_space<hbm>> -> memref<162x128xi32, #tpu.memory_space<hbm>>
      %dma_start3A_88 = arith.constant 0 : i32
      %dma_start3A_89 = arith.constant 0 : i32
      %dma_start3A_90 = tpu.memref_slice %arg2[%arg1, %dma_start3A_88, %dma_start3A_89] : memref<16x162x128xi32, #tpu.memory_space<hbm>> -> memref<1x162x128xi32, #tpu.memory_space<hbm>>
      %dma_start3A_91 = tpu.memref_squeeze %dma_start3A_90 : memref<1x162x128xi32, #tpu.memory_space<hbm>> -> memref<162x128xi32, #tpu.memory_space<hbm>>
      tpu.enqueue_dma source(%dma_start3A_91 : memref<162x128xi32, #tpu.memory_space<hbm>>) target(%arg6 : memref<162x128xi32, #tpu.memory_space<vmem>>) target_semaphore(%run_scoped3A : memref<!tpu.dma_semaphore, #tpu.memory_space<semaphore_mem>>)
      %dma_wait3A_92 = arith.constant 0 : i32
      %dma_wait3A_93 = arith.constant 0 : i32
      %dma_wait3A_94 = tpu.memref_slice %arg2[%arg1, %dma_wait3A_92, %dma_wait3A_93] : memref<16x162x128xi32, #tpu.memory_space<hbm>> -> memref<1x162x128xi32, #tpu.memory_space<hbm>>
      %dma_wait3A_95 = tpu.memref_squeeze %dma_wait3A_94 : memref<1x162x128xi32, #tpu.memory_space<hbm>> -> memref<162x128xi32, #tpu.memory_space<hbm>>
      %dma_wait3A_96 = arith.constant 0 : i32
      %dma_wait3A_97 = arith.constant 0 : i32
      %dma_wait3A_98 = tpu.memref_slice %arg2[%arg1, %dma_wait3A_96, %dma_wait3A_97] : memref<16x162x128xi32, #tpu.memory_space<hbm>> -> memref<1x162x128xi32, #tpu.memory_space<hbm>>
      %dma_wait3A_99 = tpu.memref_squeeze %dma_wait3A_98 : memref<1x162x128xi32, #tpu.memory_space<hbm>> -> memref<162x128xi32, #tpu.memory_space<hbm>>
      tpu.wait_dma2 semaphore(%run_scoped3A : memref<!tpu.dma_semaphore, #tpu.memory_space<semaphore_mem>>) src(%dma_wait3A_99 : memref<162x128xi32, #tpu.memory_space<hbm>>) dst(%arg6 : memref<162x128xi32, #tpu.memory_space<vmem>>)
      tpu.yield
    }) : () -> ()
    "tpu.region"() ({
      %run_scoped3A = tpu.sem_alloc : memref<!tpu.dma_semaphore, #tpu.memory_space<semaphore_mem>>
      %dma_start3A_84 = arith.constant 0 : i32
      %dma_start3A_85 = arith.constant 0 : i32
      %dma_start3A_86 = tpu.memref_slice %arg3[%arg1, %dma_start3A_84, %dma_start3A_85] : memref<16x162x128xi32, #tpu.memory_space<hbm>> -> memref<1x162x128xi32, #tpu.memory_space<hbm>>
      %dma_start3A_87 = tpu.memref_squeeze %dma_start3A_86 : memref<1x162x128xi32, #tpu.memory_space<hbm>> -> memref<162x128xi32, #tpu.memory_space<hbm>>
      %dma_start3A_88 = arith.constant 0 : i32
      %dma_start3A_89 = arith.constant 0 : i32
      %dma_start3A_90 = tpu.memref_slice %arg3[%arg1, %dma_start3A_88, %dma_start3A_89] : memref<16x162x128xi32, #tpu.memory_space<hbm>> -> memref<1x162x128xi32, #tpu.memory_space<hbm>>
      %dma_start3A_91 = tpu.memref_squeeze %dma_start3A_90 : memref<1x162x128xi32, #tpu.memory_space<hbm>> -> memref<162x128xi32, #tpu.memory_space<hbm>>
      tpu.enqueue_dma source(%dma_start3A_91 : memref<162x128xi32, #tpu.memory_space<hbm>>) target(%arg7 : memref<162x128xi32, #tpu.memory_space<vmem>>) target_semaphore(%run_scoped3A : memref<!tpu.dma_semaphore, #tpu.memory_space<semaphore_mem>>)
      %dma_wait3A_92 = arith.constant 0 : i32
      %dma_wait3A_93 = arith.constant 0 : i32
      %dma_wait3A_94 = tpu.memref_slice %arg3[%arg1, %dma_wait3A_92, %dma_wait3A_93] : memref<16x162x128xi32, #tpu.memory_space<hbm>> -> memref<1x162x128xi32, #tpu.memory_space<hbm>>
      %dma_wait3A_95 = tpu.memref_squeeze %dma_wait3A_94 : memref<1x162x128xi32, #tpu.memory_space<hbm>> -> memref<162x128xi32, #tpu.memory_space<hbm>>
      %dma_wait3A_96 = arith.constant 0 : i32
      %dma_wait3A_97 = arith.constant 0 : i32
      %dma_wait3A_98 = tpu.memref_slice %arg3[%arg1, %dma_wait3A_96, %dma_wait3A_97] : memref<16x162x128xi32, #tpu.memory_space<hbm>> -> memref<1x162x128xi32, #tpu.memory_space<hbm>>
      %dma_wait3A_99 = tpu.memref_squeeze %dma_wait3A_98 : memref<1x162x128xi32, #tpu.memory_space<hbm>> -> memref<162x128xi32, #tpu.memory_space<hbm>>
      tpu.wait_dma2 semaphore(%run_scoped3A : memref<!tpu.dma_semaphore, #tpu.memory_space<semaphore_mem>>) src(%dma_wait3A_99 : memref<162x128xi32, #tpu.memory_space<hbm>>) dst(%arg7 : memref<162x128xi32, #tpu.memory_space<vmem>>)
      tpu.yield
    }) : () -> ()
    %dma_start3A = arith.constant 0 : i32
    %dma_start3A_11 = arith.constant 0 : i32
    %dma_start3A_12 = arith.constant 0 : i32
    %dma_start3A_13 = tpu.memref_slice %arg8[%dma_start3A_11, %dma_start3A_12] : memref<256x32xf32, #tpu.memory_space<vmem>> -> memref<128x32xf32, #tpu.memory_space<vmem>>
    %dma_start3A_14 = arith.constant 0 : i32
    %dma_start3A_15 = tpu.memref_slice %arg6[%dma_start3A, %dma_start3A_14] : memref<162x128xi32, #tpu.memory_space<vmem>> -> memref<1x128xi32, #tpu.memory_space<vmem>>
    %dma_start3A_16 = tpu.memref_squeeze %dma_start3A_15 : memref<1x128xi32, #tpu.memory_space<vmem>> -> memref<128xi32, #tpu.memory_space<vmem>>
    %dma_start3A_17 = arith.constant 0 : i32
    %dma_start3A_18 = arith.constant 0 : i32
    %dma_start3A_19 = tpu.memref_slice %arg4[%arg0, %dma_start3A_17, %dma_start3A_18] : memref<2x10112x32xf32, #tpu.memory_space<hbm>> -> memref<1x10112x32xf32, #tpu.memory_space<hbm>>
    %dma_start3A_20 = tpu.memref_squeeze %dma_start3A_19 : memref<1x10112x32xf32, #tpu.memory_space<hbm>> -> memref<10112x32xf32, #tpu.memory_space<hbm>>
    %dma_start3A_21 = arith.constant 0 : i32
    %dma_start3A_22 = arith.constant 0 : i32
    %dma_start3A_23 = tpu.memref_slice %dma_start3A_20[%dma_start3A_21, %dma_start3A_22] : memref<10112x32xf32, #tpu.memory_space<hbm>> -> memref<10112x32xf32, #tpu.memory_space<hbm>>
    tpu.enqueue_indirect_dma source(%dma_start3A_23 : memref<10112x32xf32, #tpu.memory_space<hbm>>) target(%dma_start3A_13 : memref<128x32xf32, #tpu.memory_space<vmem>>) offsets(%dma_start3A_16 : memref<128xi32, #tpu.memory_space<vmem>>) semaphore(%arg11 : memref<!tpu.dma_semaphore, #tpu.memory_space<semaphore_mem>>)
    %dma_start3A_24 = arith.constant 1 : i32
    %dma_start3A_25 = arith.constant 128 : i32
    %dma_start3A_26 = arith.constant 0 : i32
    %dma_start3A_27 = tpu.memref_slice %arg8[%dma_start3A_25, %dma_start3A_26] : memref<256x32xf32, #tpu.memory_space<vmem>> -> memref<128x32xf32, #tpu.memory_space<vmem>>
    %dma_start3A_28 = arith.constant 0 : i32
    %dma_start3A_29 = tpu.memref_slice %arg6[%dma_start3A_24, %dma_start3A_28] : memref<162x128xi32, #tpu.memory_space<vmem>> -> memref<1x128xi32, #tpu.memory_space<vmem>>
    %dma_start3A_30 = tpu.memref_squeeze %dma_start3A_29 : memref<1x128xi32, #tpu.memory_space<vmem>> -> memref<128xi32, #tpu.memory_space<vmem>>
    %dma_start3A_31 = arith.constant 0 : i32
    %dma_start3A_32 = arith.constant 0 : i32
    %dma_start3A_33 = tpu.memref_slice %arg4[%arg0, %dma_start3A_31, %dma_start3A_32] : memref<2x10112x32xf32, #tpu.memory_space<hbm>> -> memref<1x10112x32xf32, #tpu.memory_space<hbm>>
    %dma_start3A_34 = tpu.memref_squeeze %dma_start3A_33 : memref<1x10112x32xf32, #tpu.memory_space<hbm>> -> memref<10112x32xf32, #tpu.memory_space<hbm>>
    %dma_start3A_35 = arith.constant 0 : i32
    %dma_start3A_36 = arith.constant 0 : i32
    %dma_start3A_37 = tpu.memref_slice %dma_start3A_34[%dma_start3A_35, %dma_start3A_36] : memref<10112x32xf32, #tpu.memory_space<hbm>> -> memref<10112x32xf32, #tpu.memory_space<hbm>>
    tpu.enqueue_indirect_dma source(%dma_start3A_37 : memref<10112x32xf32, #tpu.memory_space<hbm>>) target(%dma_start3A_27 : memref<128x32xf32, #tpu.memory_space<vmem>>) offsets(%dma_start3A_30 : memref<128xi32, #tpu.memory_space<vmem>>) semaphore(%arg11 : memref<!tpu.dma_semaphore, #tpu.memory_space<semaphore_mem>>)
    %scan3A_38 = arith.constant 0 : i32
    %scan3A_39 = arith.constant 0 : i32
    %scan3A_40 = arith.constant 40 : i32
    %scan3A_41 = arith.addi %scan3A_39, %scan3A_40 : i32
    %scan3A_42 = arith.constant 1 : i32
    scf.for %scan3A_84 = %scan3A_39 to %scan3A_41 step %scan3A_42  : i32 {
      %mul3A_85 = arith.constant 4 : i32
      %mul3A_86 = arith.muli %mul3A_85, %scan3A_84 : i32
      %add3A_87 = arith.constant 2 : i32
      %add3A_88 = arith.addi %mul3A_86, %add3A_87 : i32
      %add3A_89 = arith.constant 0 : i32
      %add3A_90 = arith.addi %add3A_88, %add3A_89 : i32
      %dma_start3A_91 = arith.constant 0 : i32
      %dma_start3A_92 = arith.constant 0 : i32
      %dma_start3A_93 = tpu.memref_slice %arg9[%dma_start3A_91, %dma_start3A_92] : memref<256x32xf32, #tpu.memory_space<vmem>> -> memref<128x32xf32, #tpu.memory_space<vmem>>
      %dma_start3A_94 = arith.constant 0 : i32
      %dma_start3A_95 = tpu.memref_slice %arg6[%add3A_90, %dma_start3A_94] : memref<162x128xi32, #tpu.memory_space<vmem>> -> memref<1x128xi32, #tpu.memory_space<vmem>>
      %dma_start3A_96 = tpu.memref_squeeze %dma_start3A_95 : memref<1x128xi32, #tpu.memory_space<vmem>> -> memref<128xi32, #tpu.memory_space<vmem>>
      %dma_start3A_97 = arith.constant 0 : i32
      %dma_start3A_98 = arith.constant 0 : i32
      %dma_start3A_99 = tpu.memref_slice %arg4[%arg0, %dma_start3A_97, %dma_start3A_98] : memref<2x10112x32xf32, #tpu.memory_space<hbm>> -> memref<1x10112x32xf32, #tpu.memory_space<hbm>>
      %dma_start3A_100 = tpu.memref_squeeze %dma_start3A_99 : memref<1x10112x32xf32, #tpu.memory_space<hbm>> -> memref<10112x32xf32, #tpu.memory_space<hbm>>
      %dma_start3A_101 = arith.constant 0 : i32
      %dma_start3A_102 = arith.constant 0 : i32
      %dma_start3A_103 = tpu.memref_slice %dma_start3A_100[%dma_start3A_101, %dma_start3A_102] : memref<10112x32xf32, #tpu.memory_space<hbm>> -> memref<10112x32xf32, #tpu.memory_space<hbm>>
      tpu.enqueue_indirect_dma source(%dma_start3A_103 : memref<10112x32xf32, #tpu.memory_space<hbm>>) target(%dma_start3A_93 : memref<128x32xf32, #tpu.memory_space<vmem>>) offsets(%dma_start3A_96 : memref<128xi32, #tpu.memory_space<vmem>>) semaphore(%arg12 : memref<!tpu.dma_semaphore, #tpu.memory_space<semaphore_mem>>)
      %add3A_104 = arith.constant 1 : i32
      %add3A_105 = arith.addi %add3A_88, %add3A_104 : i32
      %dma_start3A_106 = arith.constant 128 : i32
      %dma_start3A_107 = arith.constant 0 : i32
      %dma_start3A_108 = tpu.memref_slice %arg9[%dma_start3A_106, %dma_start3A_107] : memref<256x32xf32, #tpu.memory_space<vmem>> -> memref<128x32xf32, #tpu.memory_space<vmem>>
      %dma_start3A_109 = arith.constant 0 : i32
      %dma_start3A_110 = tpu.memref_slice %arg6[%add3A_105, %dma_start3A_109] : memref<162x128xi32, #tpu.memory_space<vmem>> -> memref<1x128xi32, #tpu.memory_space<vmem>>
      %dma_start3A_111 = tpu.memref_squeeze %dma_start3A_110 : memref<1x128xi32, #tpu.memory_space<vmem>> -> memref<128xi32, #tpu.memory_space<vmem>>
      %dma_start3A_112 = arith.constant 0 : i32
      %dma_start3A_113 = arith.constant 0 : i32
      %dma_start3A_114 = tpu.memref_slice %arg4[%arg0, %dma_start3A_112, %dma_start3A_113] : memref<2x10112x32xf32, #tpu.memory_space<hbm>> -> memref<1x10112x32xf32, #tpu.memory_space<hbm>>
      %dma_start3A_115 = tpu.memref_squeeze %dma_start3A_114 : memref<1x10112x32xf32, #tpu.memory_space<hbm>> -> memref<10112x32xf32, #tpu.memory_space<hbm>>
      %dma_start3A_116 = arith.constant 0 : i32
      %dma_start3A_117 = arith.constant 0 : i32
      %dma_start3A_118 = tpu.memref_slice %dma_start3A_115[%dma_start3A_116, %dma_start3A_117] : memref<10112x32xf32, #tpu.memory_space<hbm>> -> memref<10112x32xf32, #tpu.memory_space<hbm>>
      tpu.enqueue_indirect_dma source(%dma_start3A_118 : memref<10112x32xf32, #tpu.memory_space<hbm>>) target(%dma_start3A_108 : memref<128x32xf32, #tpu.memory_space<vmem>>) offsets(%dma_start3A_111 : memref<128xi32, #tpu.memory_space<vmem>>) semaphore(%arg12 : memref<!tpu.dma_semaphore, #tpu.memory_space<semaphore_mem>>)
      %dma_wait3A_119 = arith.constant 0 : i32
      %dma_wait3A_120 = arith.constant 0 : i32
      %dma_wait3A_121 = tpu.memref_slice %arg4[%arg0, %dma_wait3A_119, %dma_wait3A_120] : memref<2x10112x32xf32, #tpu.memory_space<hbm>> -> memref<1x10112x32xf32, #tpu.memory_space<hbm>>
      %dma_wait3A_122 = tpu.memref_squeeze %dma_wait3A_121 : memref<1x10112x32xf32, #tpu.memory_space<hbm>> -> memref<10112x32xf32, #tpu.memory_space<hbm>>
      %dma_wait3A_123 = arith.constant 0 : i32
      %dma_wait3A_124 = arith.constant 0 : i32
      %dma_wait3A_125 = tpu.memref_slice %dma_wait3A_122[%dma_wait3A_123, %dma_wait3A_124] : memref<10112x32xf32, #tpu.memory_space<hbm>> -> memref<256x32xf32, #tpu.memory_space<hbm>>
      %dma_wait3A_126 = arith.constant 0 : i32
      %dma_wait3A_127 = arith.constant 0 : i32
      %dma_wait3A_128 = tpu.memref_slice %arg4[%arg0, %dma_wait3A_126, %dma_wait3A_127] : memref<2x10112x32xf32, #tpu.memory_space<hbm>> -> memref<1x10112x32xf32, #tpu.memory_space<hbm>>
      %dma_wait3A_129 = tpu.memref_squeeze %dma_wait3A_128 : memref<1x10112x32xf32, #tpu.memory_space<hbm>> -> memref<10112x32xf32, #tpu.memory_space<hbm>>
      %dma_wait3A_130 = arith.constant 0 : i32
      %dma_wait3A_131 = arith.constant 0 : i32
      %dma_wait3A_132 = tpu.memref_slice %dma_wait3A_129[%dma_wait3A_130, %dma_wait3A_131] : memref<10112x32xf32, #tpu.memory_space<hbm>> -> memref<256x32xf32, #tpu.memory_space<hbm>>
      tpu.wait_dma2 semaphore(%arg11 : memref<!tpu.dma_semaphore, #tpu.memory_space<semaphore_mem>>) src(%dma_wait3A_132 : memref<256x32xf32, #tpu.memory_space<hbm>>) dst(%arg8 : memref<256x32xf32, #tpu.memory_space<vmem>>)
      %add3A_133 = arith.constant 0 : i32
      %add3A_134 = arith.addi %mul3A_86, %add3A_133 : i32
      %dma_start3A_135 = arith.constant 0 : i32
      %dma_start3A_136 = arith.constant 0 : i32
      %dma_start3A_137 = tpu.memref_slice %arg8[%dma_start3A_135, %dma_start3A_136] : memref<256x32xf32, #tpu.memory_space<vmem>> -> memref<128x32xf32, #tpu.memory_space<vmem>>
      %dma_start3A_138 = arith.constant 0 : i32
      %dma_start3A_139 = tpu.memref_slice %arg7[%add3A_134, %dma_start3A_138] : memref<162x128xi32, #tpu.memory_space<vmem>> -> memref<1x128xi32, #tpu.memory_space<vmem>>
      %dma_start3A_140 = tpu.memref_squeeze %dma_start3A_139 : memref<1x128xi32, #tpu.memory_space<vmem>> -> memref<128xi32, #tpu.memory_space<vmem>>
      %dma_start3A_141 = arith.constant 0 : i32
      %dma_start3A_142 = arith.constant 0 : i32
      %dma_start3A_143 = tpu.memref_slice %arg10[%dma_start3A_141, %dma_start3A_142] : memref<10112x32xf32, #tpu.memory_space<vmem_shared>> -> memref<10112x32xf32, #tpu.memory_space<vmem_shared>>
      tpu.enqueue_indirect_dma source(%dma_start3A_137 : memref<128x32xf32, #tpu.memory_space<vmem>>) target(%dma_start3A_143 : memref<10112x32xf32, #tpu.memory_space<vmem_shared>>) offsets(%dma_start3A_140 : memref<128xi32, #tpu.memory_space<vmem>>) semaphore(%arg13 : memref<!tpu.dma_semaphore, #tpu.memory_space<semaphore_mem>>) {add = true}
      %add3A_144 = arith.constant 1 : i32
      %add3A_145 = arith.addi %mul3A_86, %add3A_144 : i32
      %dma_start3A_146 = arith.constant 128 : i32
      %dma_start3A_147 = arith.constant 0 : i32
      %dma_start3A_148 = tpu.memref_slice %arg8[%dma_start3A_146, %dma_start3A_147] : memref<256x32xf32, #tpu.memory_space<vmem>> -> memref<128x32xf32, #tpu.memory_space<vmem>>
      %dma_start3A_149 = arith.constant 0 : i32
      %dma_start3A_150 = tpu.memref_slice %arg7[%add3A_145, %dma_start3A_149] : memref<162x128xi32, #tpu.memory_space<vmem>> -> memref<1x128xi32, #tpu.memory_space<vmem>>
      %dma_start3A_151 = tpu.memref_squeeze %dma_start3A_150 : memref<1x128xi32, #tpu.memory_space<vmem>> -> memref<128xi32, #tpu.memory_space<vmem>>
      %dma_start3A_152 = arith.constant 0 : i32
      %dma_start3A_153 = arith.constant 0 : i32
      %dma_start3A_154 = tpu.memref_slice %arg10[%dma_start3A_152, %dma_start3A_153] : memref<10112x32xf32, #tpu.memory_space<vmem_shared>> -> memref<10112x32xf32, #tpu.memory_space<vmem_shared>>
      tpu.enqueue_indirect_dma source(%dma_start3A_148 : memref<128x32xf32, #tpu.memory_space<vmem>>) target(%dma_start3A_154 : memref<10112x32xf32, #tpu.memory_space<vmem_shared>>) offsets(%dma_start3A_151 : memref<128xi32, #tpu.memory_space<vmem>>) semaphore(%arg13 : memref<!tpu.dma_semaphore, #tpu.memory_space<semaphore_mem>>) {add = true}
      %dma_wait3A_155 = arith.constant 0 : i32
      %dma_wait3A_156 = arith.constant 0 : i32
      %dma_wait3A_157 = tpu.memref_slice %arg10[%dma_wait3A_155, %dma_wait3A_156] : memref<10112x32xf32, #tpu.memory_space<vmem_shared>> -> memref<256x32xf32, #tpu.memory_space<vmem_shared>>
      %dma_wait3A_158 = arith.constant 0 : i32
      %dma_wait3A_159 = arith.constant 0 : i32
      %dma_wait3A_160 = tpu.memref_slice %arg10[%dma_wait3A_158, %dma_wait3A_159] : memref<10112x32xf32, #tpu.memory_space<vmem_shared>> -> memref<256x32xf32, #tpu.memory_space<vmem_shared>>
      tpu.wait_dma2 semaphore(%arg13 : memref<!tpu.dma_semaphore, #tpu.memory_space<semaphore_mem>>) src(%arg8 : memref<256x32xf32, #tpu.memory_space<vmem>>) dst(%dma_wait3A_160 : memref<256x32xf32, #tpu.memory_space<vmem_shared>>)
      %add3A_161 = arith.constant 4 : i32
      %add3A_162 = arith.addi %mul3A_86, %add3A_161 : i32
      %add3A_163 = arith.constant 0 : i32
      %add3A_164 = arith.addi %add3A_162, %add3A_163 : i32
      %dma_start3A_165 = arith.constant 0 : i32
      %dma_start3A_166 = arith.constant 0 : i32
      %dma_start3A_167 = tpu.memref_slice %arg8[%dma_start3A_165, %dma_start3A_166] : memref<256x32xf32, #tpu.memory_space<vmem>> -> memref<128x32xf32, #tpu.memory_space<vmem>>
      %dma_start3A_168 = arith.constant 0 : i32
      %dma_start3A_169 = tpu.memref_slice %arg6[%add3A_164, %dma_start3A_168] : memref<162x128xi32, #tpu.memory_space<vmem>> -> memref<1x128xi32, #tpu.memory_space<vmem>>
      %dma_start3A_170 = tpu.memref_squeeze %dma_start3A_169 : memref<1x128xi32, #tpu.memory_space<vmem>> -> memref<128xi32, #tpu.memory_space<vmem>>
      %dma_start3A_171 = arith.constant 0 : i32
      %dma_start3A_172 = arith.constant 0 : i32
      %dma_start3A_173 = tpu.memref_slice %arg4[%arg0, %dma_start3A_171, %dma_start3A_172] : memref<2x10112x32xf32, #tpu.memory_space<hbm>> -> memref<1x10112x32xf32, #tpu.memory_space<hbm>>
      %dma_start3A_174 = tpu.memref_squeeze %dma_start3A_173 : memref<1x10112x32xf32, #tpu.memory_space<hbm>> -> memref<10112x32xf32, #tpu.memory_space<hbm>>
      %dma_start3A_175 = arith.constant 0 : i32
      %dma_start3A_176 = arith.constant 0 : i32
      %dma_start3A_177 = tpu.memref_slice %dma_start3A_174[%dma_start3A_175, %dma_start3A_176] : memref<10112x32xf32, #tpu.memory_space<hbm>> -> memref<10112x32xf32, #tpu.memory_space<hbm>>
      tpu.enqueue_indirect_dma source(%dma_start3A_177 : memref<10112x32xf32, #tpu.memory_space<hbm>>) target(%dma_start3A_167 : memref<128x32xf32, #tpu.memory_space<vmem>>) offsets(%dma_start3A_170 : memref<128xi32, #tpu.memory_space<vmem>>) semaphore(%arg11 : memref<!tpu.dma_semaphore, #tpu.memory_space<semaphore_mem>>)
      %add3A_178 = arith.constant 1 : i32
      %add3A_179 = arith.addi %add3A_162, %add3A_178 : i32
      %dma_start3A_180 = arith.constant 128 : i32
      %dma_start3A_181 = arith.constant 0 : i32
      %dma_start3A_182 = tpu.memref_slice %arg8[%dma_start3A_180, %dma_start3A_181] : memref<256x32xf32, #tpu.memory_space<vmem>> -> memref<128x32xf32, #tpu.memory_space<vmem>>
      %dma_start3A_183 = arith.constant 0 : i32
      %dma_start3A_184 = tpu.memref_slice %arg6[%add3A_179, %dma_start3A_183] : memref<162x128xi32, #tpu.memory_space<vmem>> -> memref<1x128xi32, #tpu.memory_space<vmem>>
      %dma_start3A_185 = tpu.memref_squeeze %dma_start3A_184 : memref<1x128xi32, #tpu.memory_space<vmem>> -> memref<128xi32, #tpu.memory_space<vmem>>
      %dma_start3A_186 = arith.constant 0 : i32
      %dma_start3A_187 = arith.constant 0 : i32
      %dma_start3A_188 = tpu.memref_slice %arg4[%arg0, %dma_start3A_186, %dma_start3A_187] : memref<2x10112x32xf32, #tpu.memory_space<hbm>> -> memref<1x10112x32xf32, #tpu.memory_space<hbm>>
      %dma_start3A_189 = tpu.memref_squeeze %dma_start3A_188 : memref<1x10112x32xf32, #tpu.memory_space<hbm>> -> memref<10112x32xf32, #tpu.memory_space<hbm>>
      %dma_start3A_190 = arith.constant 0 : i32
      %dma_start3A_191 = arith.constant 0 : i32
      %dma_start3A_192 = tpu.memref_slice %dma_start3A_189[%dma_start3A_190, %dma_start3A_191] : memref<10112x32xf32, #tpu.memory_space<hbm>> -> memref<10112x32xf32, #tpu.memory_space<hbm>>
      tpu.enqueue_indirect_dma source(%dma_start3A_192 : memref<10112x32xf32, #tpu.memory_space<hbm>>) target(%dma_start3A_182 : memref<128x32xf32, #tpu.memory_space<vmem>>) offsets(%dma_start3A_185 : memref<128xi32, #tpu.memory_space<vmem>>) semaphore(%arg11 : memref<!tpu.dma_semaphore, #tpu.memory_space<semaphore_mem>>)
      %dma_wait3A_193 = arith.constant 0 : i32
      %dma_wait3A_194 = arith.constant 0 : i32
      %dma_wait3A_195 = tpu.memref_slice %arg4[%arg0, %dma_wait3A_193, %dma_wait3A_194] : memref<2x10112x32xf32, #tpu.memory_space<hbm>> -> memref<1x10112x32xf32, #tpu.memory_space<hbm>>
      %dma_wait3A_196 = tpu.memref_squeeze %dma_wait3A_195 : memref<1x10112x32xf32, #tpu.memory_space<hbm>> -> memref<10112x32xf32, #tpu.memory_space<hbm>>
      %dma_wait3A_197 = arith.constant 0 : i32
      %dma_wait3A_198 = arith.constant 0 : i32
      %dma_wait3A_199 = tpu.memref_slice %dma_wait3A_196[%dma_wait3A_197, %dma_wait3A_198] : memref<10112x32xf32, #tpu.memory_space<hbm>> -> memref<256x32xf32, #tpu.memory_space<hbm>>
      %dma_wait3A_200 = arith.constant 0 : i32
      %dma_wait3A_201 = arith.constant 0 : i32
      %dma_wait3A_202 = tpu.memref_slice %arg4[%arg0, %dma_wait3A_200, %dma_wait3A_201] : memref<2x10112x32xf32, #tpu.memory_space<hbm>> -> memref<1x10112x32xf32, #tpu.memory_space<hbm>>
      %dma_wait3A_203 = tpu.memref_squeeze %dma_wait3A_202 : memref<1x10112x32xf32, #tpu.memory_space<hbm>> -> memref<10112x32xf32, #tpu.memory_space<hbm>>
      %dma_wait3A_204 = arith.constant 0 : i32
      %dma_wait3A_205 = arith.constant 0 : i32
      %dma_wait3A_206 = tpu.memref_slice %dma_wait3A_203[%dma_wait3A_204, %dma_wait3A_205] : memref<10112x32xf32, #tpu.memory_space<hbm>> -> memref<256x32xf32, #tpu.memory_space<hbm>>
      tpu.wait_dma2 semaphore(%arg12 : memref<!tpu.dma_semaphore, #tpu.memory_space<semaphore_mem>>) src(%dma_wait3A_206 : memref<256x32xf32, #tpu.memory_space<hbm>>) dst(%arg9 : memref<256x32xf32, #tpu.memory_space<vmem>>)
      %add3A_207 = arith.constant 2 : i32
      %add3A_208 = arith.addi %mul3A_86, %add3A_207 : i32
      %add3A_209 = arith.constant 0 : i32
      %add3A_210 = arith.addi %add3A_208, %add3A_209 : i32
      %dma_start3A_211 = arith.constant 0 : i32
      %dma_start3A_212 = arith.constant 0 : i32
      %dma_start3A_213 = tpu.memref_slice %arg9[%dma_start3A_211, %dma_start3A_212] : memref<256x32xf32, #tpu.memory_space<vmem>> -> memref<128x32xf32, #tpu.memory_space<vmem>>
      %dma_start3A_214 = arith.constant 0 : i32
      %dma_start3A_215 = tpu.memref_slice %arg7[%add3A_210, %dma_start3A_214] : memref<162x128xi32, #tpu.memory_space<vmem>> -> memref<1x128xi32, #tpu.memory_space<vmem>>
      %dma_start3A_216 = tpu.memref_squeeze %dma_start3A_215 : memref<1x128xi32, #tpu.memory_space<vmem>> -> memref<128xi32, #tpu.memory_space<vmem>>
      %dma_start3A_217 = arith.constant 0 : i32
      %dma_start3A_218 = arith.constant 0 : i32
      %dma_start3A_219 = tpu.memref_slice %arg10[%dma_start3A_217, %dma_start3A_218] : memref<10112x32xf32, #tpu.memory_space<vmem_shared>> -> memref<10112x32xf32, #tpu.memory_space<vmem_shared>>
      tpu.enqueue_indirect_dma source(%dma_start3A_213 : memref<128x32xf32, #tpu.memory_space<vmem>>) target(%dma_start3A_219 : memref<10112x32xf32, #tpu.memory_space<vmem_shared>>) offsets(%dma_start3A_216 : memref<128xi32, #tpu.memory_space<vmem>>) semaphore(%arg14 : memref<!tpu.dma_semaphore, #tpu.memory_space<semaphore_mem>>) {add = true}
      %add3A_220 = arith.constant 1 : i32
      %add3A_221 = arith.addi %add3A_208, %add3A_220 : i32
      %dma_start3A_222 = arith.constant 128 : i32
      %dma_start3A_223 = arith.constant 0 : i32
      %dma_start3A_224 = tpu.memref_slice %arg9[%dma_start3A_222, %dma_start3A_223] : memref<256x32xf32, #tpu.memory_space<vmem>> -> memref<128x32xf32, #tpu.memory_space<vmem>>
      %dma_start3A_225 = arith.constant 0 : i32
      %dma_start3A_226 = tpu.memref_slice %arg7[%add3A_221, %dma_start3A_225] : memref<162x128xi32, #tpu.memory_space<vmem>> -> memref<1x128xi32, #tpu.memory_space<vmem>>
      %dma_start3A_227 = tpu.memref_squeeze %dma_start3A_226 : memref<1x128xi32, #tpu.memory_space<vmem>> -> memref<128xi32, #tpu.memory_space<vmem>>
      %dma_start3A_228 = arith.constant 0 : i32
      %dma_start3A_229 = arith.constant 0 : i32
      %dma_start3A_230 = tpu.memref_slice %arg10[%dma_start3A_228, %dma_start3A_229] : memref<10112x32xf32, #tpu.memory_space<vmem_shared>> -> memref<10112x32xf32, #tpu.memory_space<vmem_shared>>
      tpu.enqueue_indirect_dma source(%dma_start3A_224 : memref<128x32xf32, #tpu.memory_space<vmem>>) target(%dma_start3A_230 : memref<10112x32xf32, #tpu.memory_space<vmem_shared>>) offsets(%dma_start3A_227 : memref<128xi32, #tpu.memory_space<vmem>>) semaphore(%arg14 : memref<!tpu.dma_semaphore, #tpu.memory_space<semaphore_mem>>) {add = true}
      %dma_wait3A_231 = arith.constant 0 : i32
      %dma_wait3A_232 = arith.constant 0 : i32
      %dma_wait3A_233 = tpu.memref_slice %arg10[%dma_wait3A_231, %dma_wait3A_232] : memref<10112x32xf32, #tpu.memory_space<vmem_shared>> -> memref<256x32xf32, #tpu.memory_space<vmem_shared>>
      %dma_wait3A_234 = arith.constant 0 : i32
      %dma_wait3A_235 = arith.constant 0 : i32
      %dma_wait3A_236 = tpu.memref_slice %arg10[%dma_wait3A_234, %dma_wait3A_235] : memref<10112x32xf32, #tpu.memory_space<vmem_shared>> -> memref<256x32xf32, #tpu.memory_space<vmem_shared>>
      tpu.wait_dma2 semaphore(%arg14 : memref<!tpu.dma_semaphore, #tpu.memory_space<semaphore_mem>>) src(%arg9 : memref<256x32xf32, #tpu.memory_space<vmem>>) dst(%dma_wait3A_236 : memref<256x32xf32, #tpu.memory_space<vmem_shared>>)
    }
    %scan3A_43 = arith.constant 40 : i32
    %dma_wait3A = arith.constant 0 : i32
    %dma_wait3A_44 = arith.constant 0 : i32
    %dma_wait3A_45 = tpu.memref_slice %arg4[%arg0, %dma_wait3A, %dma_wait3A_44] : memref<2x10112x32xf32, #tpu.memory_space<hbm>> -> memref<1x10112x32xf32, #tpu.memory_space<hbm>>
    %dma_wait3A_46 = tpu.memref_squeeze %dma_wait3A_45 : memref<1x10112x32xf32, #tpu.memory_space<hbm>> -> memref<10112x32xf32, #tpu.memory_space<hbm>>
    %dma_wait3A_47 = arith.constant 0 : i32
    %dma_wait3A_48 = arith.constant 0 : i32
    %dma_wait3A_49 = tpu.memref_slice %dma_wait3A_46[%dma_wait3A_47, %dma_wait3A_48] : memref<10112x32xf32, #tpu.memory_space<hbm>> -> memref<256x32xf32, #tpu.memory_space<hbm>>
    %dma_wait3A_50 = arith.constant 0 : i32
    %dma_wait3A_51 = arith.constant 0 : i32
    %dma_wait3A_52 = tpu.memref_slice %arg4[%arg0, %dma_wait3A_50, %dma_wait3A_51] : memref<2x10112x32xf32, #tpu.memory_space<hbm>> -> memref<1x10112x32xf32, #tpu.memory_space<hbm>>
    %dma_wait3A_53 = tpu.memref_squeeze %dma_wait3A_52 : memref<1x10112x32xf32, #tpu.memory_space<hbm>> -> memref<10112x32xf32, #tpu.memory_space<hbm>>
    %dma_wait3A_54 = arith.constant 0 : i32
    %dma_wait3A_55 = arith.constant 0 : i32
    %dma_wait3A_56 = tpu.memref_slice %dma_wait3A_53[%dma_wait3A_54, %dma_wait3A_55] : memref<10112x32xf32, #tpu.memory_space<hbm>> -> memref<256x32xf32, #tpu.memory_space<hbm>>
    tpu.wait_dma2 semaphore(%arg11 : memref<!tpu.dma_semaphore, #tpu.memory_space<semaphore_mem>>) src(%dma_wait3A_56 : memref<256x32xf32, #tpu.memory_space<hbm>>) dst(%arg8 : memref<256x32xf32, #tpu.memory_space<vmem>>)
    %dma_start3A_57 = arith.constant 160 : i32
    %dma_start3A_58 = arith.constant 0 : i32
    %dma_start3A_59 = arith.constant 0 : i32
    %dma_start3A_60 = tpu.memref_slice %arg8[%dma_start3A_58, %dma_start3A_59] : memref<256x32xf32, #tpu.memory_space<vmem>> -> memref<128x32xf32, #tpu.memory_space<vmem>>
    %dma_start3A_61 = arith.constant 0 : i32
    %dma_start3A_62 = tpu.memref_slice %arg7[%dma_start3A_57, %dma_start3A_61] : memref<162x128xi32, #tpu.memory_space<vmem>> -> memref<1x128xi32, #tpu.memory_space<vmem>>
    %dma_start3A_63 = tpu.memref_squeeze %dma_start3A_62 : memref<1x128xi32, #tpu.memory_space<vmem>> -> memref<128xi32, #tpu.memory_space<vmem>>
    %dma_start3A_64 = arith.constant 0 : i32
    %dma_start3A_65 = arith.constant 0 : i32
    %dma_start3A_66 = tpu.memref_slice %arg10[%dma_start3A_64, %dma_start3A_65] : memref<10112x32xf32, #tpu.memory_space<vmem_shared>> -> memref<10112x32xf32, #tpu.memory_space<vmem_shared>>
    tpu.enqueue_indirect_dma source(%dma_start3A_60 : memref<128x32xf32, #tpu.memory_space<vmem>>) target(%dma_start3A_66 : memref<10112x32xf32, #tpu.memory_space<vmem_shared>>) offsets(%dma_start3A_63 : memref<128xi32, #tpu.memory_space<vmem>>) semaphore(%arg13 : memref<!tpu.dma_semaphore, #tpu.memory_space<semaphore_mem>>) {add = true}
    %dma_start3A_67 = arith.constant 161 : i32
    %dma_start3A_68 = arith.constant 128 : i32
    %dma_start3A_69 = arith.constant 0 : i32
    %dma_start3A_70 = tpu.memref_slice %arg8[%dma_start3A_68, %dma_start3A_69] : memref<256x32xf32, #tpu.memory_space<vmem>> -> memref<128x32xf32, #tpu.memory_space<vmem>>
    %dma_start3A_71 = arith.constant 0 : i32
    %dma_start3A_72 = tpu.memref_slice %arg7[%dma_start3A_67, %dma_start3A_71] : memref<162x128xi32, #tpu.memory_space<vmem>> -> memref<1x128xi32, #tpu.memory_space<vmem>>
    %dma_start3A_73 = tpu.memref_squeeze %dma_start3A_72 : memref<1x128xi32, #tpu.memory_space<vmem>> -> memref<128xi32, #tpu.memory_space<vmem>>
    %dma_start3A_74 = arith.constant 0 : i32
    %dma_start3A_75 = arith.constant 0 : i32
    %dma_start3A_76 = tpu.memref_slice %arg10[%dma_start3A_74, %dma_start3A_75] : memref<10112x32xf32, #tpu.memory_space<vmem_shared>> -> memref<10112x32xf32, #tpu.memory_space<vmem_shared>>
    tpu.enqueue_indirect_dma source(%dma_start3A_70 : memref<128x32xf32, #tpu.memory_space<vmem>>) target(%dma_start3A_76 : memref<10112x32xf32, #tpu.memory_space<vmem_shared>>) offsets(%dma_start3A_73 : memref<128xi32, #tpu.memory_space<vmem>>) semaphore(%arg13 : memref<!tpu.dma_semaphore, #tpu.memory_space<semaphore_mem>>) {add = true}
    %dma_wait3A_77 = arith.constant 0 : i32
    %dma_wait3A_78 = arith.constant 0 : i32
    %dma_wait3A_79 = tpu.memref_slice %arg10[%dma_wait3A_77, %dma_wait3A_78] : memref<10112x32xf32, #tpu.memory_space<vmem_shared>> -> memref<256x32xf32, #tpu.memory_space<vmem_shared>>
    %dma_wait3A_80 = arith.constant 0 : i32
    %dma_wait3A_81 = arith.constant 0 : i32
    %dma_wait3A_82 = tpu.memref_slice %arg10[%dma_wait3A_80, %dma_wait3A_81] : memref<10112x32xf32, #tpu.memory_space<vmem_shared>> -> memref<256x32xf32, #tpu.memory_space<vmem_shared>>
    tpu.wait_dma2 semaphore(%arg13 : memref<!tpu.dma_semaphore, #tpu.memory_space<semaphore_mem>>) src(%arg8 : memref<256x32xf32, #tpu.memory_space<vmem>>) dst(%dma_wait3A_82 : memref<256x32xf32, #tpu.memory_space<vmem_shared>>)
    %barrier3A_83 = arith.constant 0 : index
    tpu.barrier barrier_id(%barrier3A_83)
    "tpu.region"() ({
      %run_scoped3A = tpu.sem_alloc : memref<!tpu.dma_semaphore, #tpu.memory_space<semaphore_mem>>
      %dma_start3A_84 = arith.constant 0 : i32
      %dma_start3A_85 = arith.constant 0 : i32
      %dma_start3A_86 = tpu.memref_slice %arg5[%arg0, %dma_start3A_84, %dma_start3A_85] : memref<2x10112x32xf32, #tpu.memory_space<hbm>> -> memref<1x10112x32xf32, #tpu.memory_space<hbm>>
      %dma_start3A_87 = tpu.memref_squeeze %dma_start3A_86 : memref<1x10112x32xf32, #tpu.memory_space<hbm>> -> memref<10112x32xf32, #tpu.memory_space<hbm>>
      %dma_start3A_88 = arith.constant 0 : i32
      %dma_start3A_89 = tpu.memref_slice %dma_start3A_87[%mul3A_0, %dma_start3A_88] : memref<10112x32xf32, #tpu.memory_space<hbm>> -> memref<632x32xf32, #tpu.memory_space<hbm>>
      %dma_start3A_90 = arith.constant 0 : i32
      %dma_start3A_91 = tpu.memref_slice %arg10[%mul3A_0, %dma_start3A_90] : memref<10112x32xf32, #tpu.memory_space<vmem_shared>> -> memref<632x32xf32, #tpu.memory_space<vmem_shared>>
      tpu.enqueue_dma source(%dma_start3A_91 : memref<632x32xf32, #tpu.memory_space<vmem_shared>>) target(%dma_start3A_89 : memref<632x32xf32, #tpu.memory_space<hbm>>) target_semaphore(%run_scoped3A : memref<!tpu.dma_semaphore, #tpu.memory_space<semaphore_mem>>)
      %dma_wait3A_92 = arith.constant 0 : i32
      %dma_wait3A_93 = arith.constant 0 : i32
      %dma_wait3A_94 = tpu.memref_slice %arg5[%arg0, %dma_wait3A_92, %dma_wait3A_93] : memref<2x10112x32xf32, #tpu.memory_space<hbm>> -> memref<1x10112x32xf32, #tpu.memory_space<hbm>>
      %dma_wait3A_95 = tpu.memref_squeeze %dma_wait3A_94 : memref<1x10112x32xf32, #tpu.memory_space<hbm>> -> memref<10112x32xf32, #tpu.memory_space<hbm>>
      %dma_wait3A_96 = arith.constant 0 : i32
      %dma_wait3A_97 = tpu.memref_slice %dma_wait3A_95[%mul3A_0, %dma_wait3A_96] : memref<10112x32xf32, #tpu.memory_space<hbm>> -> memref<632x32xf32, #tpu.memory_space<hbm>>
      %dma_wait3A_98 = arith.constant 0 : i32
      %dma_wait3A_99 = tpu.memref_slice %arg10[%mul3A_0, %dma_wait3A_98] : memref<10112x32xf32, #tpu.memory_space<vmem_shared>> -> memref<632x32xf32, #tpu.memory_space<vmem_shared>>
      tpu.wait_dma2 semaphore(%run_scoped3A : memref<!tpu.dma_semaphore, #tpu.memory_space<semaphore_mem>>) src(%dma_wait3A_99 : memref<632x32xf32, #tpu.memory_space<vmem_shared>>) dst(%dma_wait3A_97 : memref<632x32xf32, #tpu.memory_space<hbm>>)
      tpu.yield
    }) : () -> ()
    return
  }
}

#map = affine_map<(d0, d1) -> (0, 0, 0)>
module attributes {stable_mosaic.version = 14 : i64} {
  func.func @agg_kernel(%arg0: i32, %arg1: i32, %arg2: memref<16x162x128xi32, #tpu.memory_space<hbm>>, %arg3: memref<16x162x128xi32, #tpu.memory_space<hbm>>, %arg4: memref<2x10112x64xf32, #tpu.memory_space<hbm>>, %arg5: memref<2x10112x64xf32, #tpu.memory_space<hbm>>, %arg6: memref<162x128xi32, #tpu.memory_space<vmem>>, %arg7: memref<162x128xi32, #tpu.memory_space<vmem>>, %arg8: memref<256x64xf32, #tpu.memory_space<vmem>>, %arg9: memref<256x64xf32, #tpu.memory_space<vmem>>, %arg10: memref<10112x64xf32, #tpu.memory_space<vmem_shared>>, %arg11: memref<!tpu.dma_semaphore, #tpu.memory_space<semaphore_mem>>, %arg12: memref<!tpu.dma_semaphore, #tpu.memory_space<semaphore_mem>>, %arg13: memref<!tpu.dma_semaphore, #tpu.memory_space<semaphore_mem>>, %arg14: memref<!tpu.dma_semaphore, #tpu.memory_space<semaphore_mem>>) attributes {dimension_semantics = [#tpu.dimension_semantics<core_parallel>, #tpu.dimension_semantics<subcore_parallel>], iteration_bounds = array<i64: 2, 16>, scalar_prefetch = 0 : i64, scratch_operands = 9 : i64, tpu.core_type = #tpu.core_type<sc_vector_subcore>, window_params = [{transform_indices = #map}, {transform_indices = #map}, {transform_indices = #map}, {transform_indices = #map}]} {
    %mul3A = arith.constant 632 : i32
    %mul3A_0 = arith.muli %arg1, %mul3A : i32
    %scan3A = arith.constant 0 : i32
    %scan3A_1 = arith.constant 0 : i32
    %scan3A_2 = arith.constant 256 : i32
    %scan3A_3 = arith.addi %scan3A_1, %scan3A_2 : i32
    %scan3A_4 = arith.constant 1 : i32
    scf.for %scan3A_84 = %scan3A_1 to %scan3A_3 step %scan3A_4  : i32 {
      %broadcast_in_dim3A = arith.constant 0.000000e+00 : f32
      %broadcast_in_dim3A_85 = vector.broadcast %broadcast_in_dim3A : f32 to vector<16xf32>
      %swap3A = arith.index_cast %scan3A_84 : i32 to index
      %swap3A_86 = arith.constant 0 : index
      %swap3A_87 = tpu.vector_load %arg8[%swap3A, %swap3A_86] {strides = array<i32>} : memref<256x64xf32, #tpu.memory_space<vmem>>, vector<1x16xf32>,
      %swap3A_88 = vector.shape_cast %swap3A_87 : vector<1x16xf32> to vector<16xf32>
      %swap3A_89 = vector.shape_cast %broadcast_in_dim3A_85 : vector<16xf32> to vector<1x16xf32>
      tpu.vector_store %arg8[%swap3A, %swap3A_86], %swap3A_89 {strides = array<i32>} : memref<256x64xf32, #tpu.memory_space<vmem>>, vector<1x16xf32>,
      %broadcast_in_dim3A_90 = arith.constant 0.000000e+00 : f32
      %broadcast_in_dim3A_91 = vector.broadcast %broadcast_in_dim3A_90 : f32 to vector<16xf32>
      %swap3A_92 = arith.index_cast %scan3A_84 : i32 to index
      %swap3A_93 = arith.constant 16 : index
      %swap3A_94 = tpu.vector_load %arg8[%swap3A_92, %swap3A_93] {strides = array<i32>} : memref<256x64xf32, #tpu.memory_space<vmem>>, vector<1x16xf32>,
      %swap3A_95 = vector.shape_cast %swap3A_94 : vector<1x16xf32> to vector<16xf32>
      %swap3A_96 = vector.shape_cast %broadcast_in_dim3A_91 : vector<16xf32> to vector<1x16xf32>
      tpu.vector_store %arg8[%swap3A_92, %swap3A_93], %swap3A_96 {strides = array<i32>} : memref<256x64xf32, #tpu.memory_space<vmem>>, vector<1x16xf32>,
      %broadcast_in_dim3A_97 = arith.constant 0.000000e+00 : f32
      %broadcast_in_dim3A_98 = vector.broadcast %broadcast_in_dim3A_97 : f32 to vector<16xf32>
      %swap3A_99 = arith.index_cast %scan3A_84 : i32 to index
      %swap3A_100 = arith.constant 32 : index
      %swap3A_101 = tpu.vector_load %arg8[%swap3A_99, %swap3A_100] {strides = array<i32>} : memref<256x64xf32, #tpu.memory_space<vmem>>, vector<1x16xf32>,
      %swap3A_102 = vector.shape_cast %swap3A_101 : vector<1x16xf32> to vector<16xf32>
      %swap3A_103 = vector.shape_cast %broadcast_in_dim3A_98 : vector<16xf32> to vector<1x16xf32>
      tpu.vector_store %arg8[%swap3A_99, %swap3A_100], %swap3A_103 {strides = array<i32>} : memref<256x64xf32, #tpu.memory_space<vmem>>, vector<1x16xf32>,
      %broadcast_in_dim3A_104 = arith.constant 0.000000e+00 : f32
      %broadcast_in_dim3A_105 = vector.broadcast %broadcast_in_dim3A_104 : f32 to vector<16xf32>
      %swap3A_106 = arith.index_cast %scan3A_84 : i32 to index
      %swap3A_107 = arith.constant 48 : index
      %swap3A_108 = tpu.vector_load %arg8[%swap3A_106, %swap3A_107] {strides = array<i32>} : memref<256x64xf32, #tpu.memory_space<vmem>>, vector<1x16xf32>,
      %swap3A_109 = vector.shape_cast %swap3A_108 : vector<1x16xf32> to vector<16xf32>
      %swap3A_110 = vector.shape_cast %broadcast_in_dim3A_105 : vector<16xf32> to vector<1x16xf32>
      tpu.vector_store %arg8[%swap3A_106, %swap3A_107], %swap3A_110 {strides = array<i32>} : memref<256x64xf32, #tpu.memory_space<vmem>>, vector<1x16xf32>,
    }
    %scan3A_5 = arith.constant 256 : i32
    %add3A = arith.constant 0 : i32
    %add3A_6 = arith.addi %mul3A_0, %add3A : i32
    "tpu.region"() ({
      %run_scoped3A = tpu.sem_alloc : memref<!tpu.dma_semaphore, #tpu.memory_space<semaphore_mem>>
      %dma_start3A_84 = arith.constant 0 : i32
      %dma_start3A_85 = tpu.memref_slice %arg10[%add3A_6, %dma_start3A_84] : memref<10112x64xf32, #tpu.memory_space<vmem_shared>> -> memref<256x64xf32, #tpu.memory_space<vmem_shared>>
      %dma_start3A_86 = arith.constant 0 : i32
      %dma_start3A_87 = tpu.memref_slice %arg10[%add3A_6, %dma_start3A_86] : memref<10112x64xf32, #tpu.memory_space<vmem_shared>> -> memref<256x64xf32, #tpu.memory_space<vmem_shared>>
      tpu.enqueue_dma source(%arg8 : memref<256x64xf32, #tpu.memory_space<vmem>>) target(%dma_start3A_87 : memref<256x64xf32, #tpu.memory_space<vmem_shared>>) target_semaphore(%run_scoped3A : memref<!tpu.dma_semaphore, #tpu.memory_space<semaphore_mem>>)
      %dma_wait3A_88 = arith.constant 0 : i32
      %dma_wait3A_89 = tpu.memref_slice %arg10[%add3A_6, %dma_wait3A_88] : memref<10112x64xf32, #tpu.memory_space<vmem_shared>> -> memref<256x64xf32, #tpu.memory_space<vmem_shared>>
      %dma_wait3A_90 = arith.constant 0 : i32
      %dma_wait3A_91 = tpu.memref_slice %arg10[%add3A_6, %dma_wait3A_90] : memref<10112x64xf32, #tpu.memory_space<vmem_shared>> -> memref<256x64xf32, #tpu.memory_space<vmem_shared>>
      tpu.wait_dma2 semaphore(%run_scoped3A : memref<!tpu.dma_semaphore, #tpu.memory_space<semaphore_mem>>) src(%arg8 : memref<256x64xf32, #tpu.memory_space<vmem>>) dst(%dma_wait3A_91 : memref<256x64xf32, #tpu.memory_space<vmem_shared>>)
      tpu.yield
    }) : () -> ()
    %add3A_7 = arith.constant 256 : i32
    %add3A_8 = arith.addi %mul3A_0, %add3A_7 : i32
    "tpu.region"() ({
      %run_scoped3A = tpu.sem_alloc : memref<!tpu.dma_semaphore, #tpu.memory_space<semaphore_mem>>
      %dma_start3A_84 = arith.constant 0 : i32
      %dma_start3A_85 = tpu.memref_slice %arg10[%add3A_8, %dma_start3A_84] : memref<10112x64xf32, #tpu.memory_space<vmem_shared>> -> memref<256x64xf32, #tpu.memory_space<vmem_shared>>
      %dma_start3A_86 = arith.constant 0 : i32
      %dma_start3A_87 = tpu.memref_slice %arg10[%add3A_8, %dma_start3A_86] : memref<10112x64xf32, #tpu.memory_space<vmem_shared>> -> memref<256x64xf32, #tpu.memory_space<vmem_shared>>
      tpu.enqueue_dma source(%arg8 : memref<256x64xf32, #tpu.memory_space<vmem>>) target(%dma_start3A_87 : memref<256x64xf32, #tpu.memory_space<vmem_shared>>) target_semaphore(%run_scoped3A : memref<!tpu.dma_semaphore, #tpu.memory_space<semaphore_mem>>)
      %dma_wait3A_88 = arith.constant 0 : i32
      %dma_wait3A_89 = tpu.memref_slice %arg10[%add3A_8, %dma_wait3A_88] : memref<10112x64xf32, #tpu.memory_space<vmem_shared>> -> memref<256x64xf32, #tpu.memory_space<vmem_shared>>
      %dma_wait3A_90 = arith.constant 0 : i32
      %dma_wait3A_91 = tpu.memref_slice %arg10[%add3A_8, %dma_wait3A_90] : memref<10112x64xf32, #tpu.memory_space<vmem_shared>> -> memref<256x64xf32, #tpu.memory_space<vmem_shared>>
      tpu.wait_dma2 semaphore(%run_scoped3A : memref<!tpu.dma_semaphore, #tpu.memory_space<semaphore_mem>>) src(%arg8 : memref<256x64xf32, #tpu.memory_space<vmem>>) dst(%dma_wait3A_91 : memref<256x64xf32, #tpu.memory_space<vmem_shared>>)
      tpu.yield
    }) : () -> ()
    %add3A_9 = arith.constant 512 : i32
    %add3A_10 = arith.addi %mul3A_0, %add3A_9 : i32
    "tpu.region"() ({
      %run_scoped3A = tpu.sem_alloc : memref<!tpu.dma_semaphore, #tpu.memory_space<semaphore_mem>>
      %dma_start3A_84 = arith.constant 0 : i32
      %dma_start3A_85 = arith.constant 0 : i32
      %dma_start3A_86 = tpu.memref_slice %arg8[%dma_start3A_84, %dma_start3A_85] : memref<256x64xf32, #tpu.memory_space<vmem>> -> memref<120x64xf32, #tpu.memory_space<vmem>>
      %dma_start3A_87 = arith.constant 0 : i32
      %dma_start3A_88 = tpu.memref_slice %arg10[%add3A_10, %dma_start3A_87] : memref<10112x64xf32, #tpu.memory_space<vmem_shared>> -> memref<120x64xf32, #tpu.memory_space<vmem_shared>>
      %dma_start3A_89 = arith.constant 0 : i32
      %dma_start3A_90 = tpu.memref_slice %arg10[%add3A_10, %dma_start3A_89] : memref<10112x64xf32, #tpu.memory_space<vmem_shared>> -> memref<120x64xf32, #tpu.memory_space<vmem_shared>>
      %dma_start3A_91 = arith.constant 0 : i32
      %dma_start3A_92 = arith.constant 0 : i32
      %dma_start3A_93 = tpu.memref_slice %arg8[%dma_start3A_91, %dma_start3A_92] : memref<256x64xf32, #tpu.memory_space<vmem>> -> memref<120x64xf32, #tpu.memory_space<vmem>>
      tpu.enqueue_dma source(%dma_start3A_93 : memref<120x64xf32, #tpu.memory_space<vmem>>) target(%dma_start3A_90 : memref<120x64xf32, #tpu.memory_space<vmem_shared>>) target_semaphore(%run_scoped3A : memref<!tpu.dma_semaphore, #tpu.memory_space<semaphore_mem>>)
      %dma_wait3A_94 = arith.constant 0 : i32
      %dma_wait3A_95 = arith.constant 0 : i32
      %dma_wait3A_96 = tpu.memref_slice %arg8[%dma_wait3A_94, %dma_wait3A_95] : memref<256x64xf32, #tpu.memory_space<vmem>> -> memref<120x64xf32, #tpu.memory_space<vmem>>
      %dma_wait3A_97 = arith.constant 0 : i32
      %dma_wait3A_98 = tpu.memref_slice %arg10[%add3A_10, %dma_wait3A_97] : memref<10112x64xf32, #tpu.memory_space<vmem_shared>> -> memref<120x64xf32, #tpu.memory_space<vmem_shared>>
      %dma_wait3A_99 = arith.constant 0 : i32
      %dma_wait3A_100 = tpu.memref_slice %arg10[%add3A_10, %dma_wait3A_99] : memref<10112x64xf32, #tpu.memory_space<vmem_shared>> -> memref<120x64xf32, #tpu.memory_space<vmem_shared>>
      %dma_wait3A_101 = arith.constant 0 : i32
      %dma_wait3A_102 = arith.constant 0 : i32
      %dma_wait3A_103 = tpu.memref_slice %arg8[%dma_wait3A_101, %dma_wait3A_102] : memref<256x64xf32, #tpu.memory_space<vmem>> -> memref<120x64xf32, #tpu.memory_space<vmem>>
      tpu.wait_dma2 semaphore(%run_scoped3A : memref<!tpu.dma_semaphore, #tpu.memory_space<semaphore_mem>>) src(%dma_wait3A_103 : memref<120x64xf32, #tpu.memory_space<vmem>>) dst(%dma_wait3A_100 : memref<120x64xf32, #tpu.memory_space<vmem_shared>>)
      tpu.yield
    }) : () -> ()
    %barrier3A = arith.constant 0 : index
    tpu.barrier barrier_id(%barrier3A)
    "tpu.region"() ({
      %run_scoped3A = tpu.sem_alloc : memref<!tpu.dma_semaphore, #tpu.memory_space<semaphore_mem>>
      %dma_start3A_84 = arith.constant 0 : i32
      %dma_start3A_85 = arith.constant 0 : i32
      %dma_start3A_86 = tpu.memref_slice %arg2[%arg1, %dma_start3A_84, %dma_start3A_85] : memref<16x162x128xi32, #tpu.memory_space<hbm>> -> memref<1x162x128xi32, #tpu.memory_space<hbm>>
      %dma_start3A_87 = tpu.memref_squeeze %dma_start3A_86 : memref<1x162x128xi32, #tpu.memory_space<hbm>> -> memref<162x128xi32, #tpu.memory_space<hbm>>
      %dma_start3A_88 = arith.constant 0 : i32
      %dma_start3A_89 = arith.constant 0 : i32
      %dma_start3A_90 = tpu.memref_slice %arg2[%arg1, %dma_start3A_88, %dma_start3A_89] : memref<16x162x128xi32, #tpu.memory_space<hbm>> -> memref<1x162x128xi32, #tpu.memory_space<hbm>>
      %dma_start3A_91 = tpu.memref_squeeze %dma_start3A_90 : memref<1x162x128xi32, #tpu.memory_space<hbm>> -> memref<162x128xi32, #tpu.memory_space<hbm>>
      tpu.enqueue_dma source(%dma_start3A_91 : memref<162x128xi32, #tpu.memory_space<hbm>>) target(%arg6 : memref<162x128xi32, #tpu.memory_space<vmem>>) target_semaphore(%run_scoped3A : memref<!tpu.dma_semaphore, #tpu.memory_space<semaphore_mem>>)
      %dma_wait3A_92 = arith.constant 0 : i32
      %dma_wait3A_93 = arith.constant 0 : i32
      %dma_wait3A_94 = tpu.memref_slice %arg2[%arg1, %dma_wait3A_92, %dma_wait3A_93] : memref<16x162x128xi32, #tpu.memory_space<hbm>> -> memref<1x162x128xi32, #tpu.memory_space<hbm>>
      %dma_wait3A_95 = tpu.memref_squeeze %dma_wait3A_94 : memref<1x162x128xi32, #tpu.memory_space<hbm>> -> memref<162x128xi32, #tpu.memory_space<hbm>>
      %dma_wait3A_96 = arith.constant 0 : i32
      %dma_wait3A_97 = arith.constant 0 : i32
      %dma_wait3A_98 = tpu.memref_slice %arg2[%arg1, %dma_wait3A_96, %dma_wait3A_97] : memref<16x162x128xi32, #tpu.memory_space<hbm>> -> memref<1x162x128xi32, #tpu.memory_space<hbm>>
      %dma_wait3A_99 = tpu.memref_squeeze %dma_wait3A_98 : memref<1x162x128xi32, #tpu.memory_space<hbm>> -> memref<162x128xi32, #tpu.memory_space<hbm>>
      tpu.wait_dma2 semaphore(%run_scoped3A : memref<!tpu.dma_semaphore, #tpu.memory_space<semaphore_mem>>) src(%dma_wait3A_99 : memref<162x128xi32, #tpu.memory_space<hbm>>) dst(%arg6 : memref<162x128xi32, #tpu.memory_space<vmem>>)
      tpu.yield
    }) : () -> ()
    "tpu.region"() ({
      %run_scoped3A = tpu.sem_alloc : memref<!tpu.dma_semaphore, #tpu.memory_space<semaphore_mem>>
      %dma_start3A_84 = arith.constant 0 : i32
      %dma_start3A_85 = arith.constant 0 : i32
      %dma_start3A_86 = tpu.memref_slice %arg3[%arg1, %dma_start3A_84, %dma_start3A_85] : memref<16x162x128xi32, #tpu.memory_space<hbm>> -> memref<1x162x128xi32, #tpu.memory_space<hbm>>
      %dma_start3A_87 = tpu.memref_squeeze %dma_start3A_86 : memref<1x162x128xi32, #tpu.memory_space<hbm>> -> memref<162x128xi32, #tpu.memory_space<hbm>>
      %dma_start3A_88 = arith.constant 0 : i32
      %dma_start3A_89 = arith.constant 0 : i32
      %dma_start3A_90 = tpu.memref_slice %arg3[%arg1, %dma_start3A_88, %dma_start3A_89] : memref<16x162x128xi32, #tpu.memory_space<hbm>> -> memref<1x162x128xi32, #tpu.memory_space<hbm>>
      %dma_start3A_91 = tpu.memref_squeeze %dma_start3A_90 : memref<1x162x128xi32, #tpu.memory_space<hbm>> -> memref<162x128xi32, #tpu.memory_space<hbm>>
      tpu.enqueue_dma source(%dma_start3A_91 : memref<162x128xi32, #tpu.memory_space<hbm>>) target(%arg7 : memref<162x128xi32, #tpu.memory_space<vmem>>) target_semaphore(%run_scoped3A : memref<!tpu.dma_semaphore, #tpu.memory_space<semaphore_mem>>)
      %dma_wait3A_92 = arith.constant 0 : i32
      %dma_wait3A_93 = arith.constant 0 : i32
      %dma_wait3A_94 = tpu.memref_slice %arg3[%arg1, %dma_wait3A_92, %dma_wait3A_93] : memref<16x162x128xi32, #tpu.memory_space<hbm>> -> memref<1x162x128xi32, #tpu.memory_space<hbm>>
      %dma_wait3A_95 = tpu.memref_squeeze %dma_wait3A_94 : memref<1x162x128xi32, #tpu.memory_space<hbm>> -> memref<162x128xi32, #tpu.memory_space<hbm>>
      %dma_wait3A_96 = arith.constant 0 : i32
      %dma_wait3A_97 = arith.constant 0 : i32
      %dma_wait3A_98 = tpu.memref_slice %arg3[%arg1, %dma_wait3A_96, %dma_wait3A_97] : memref<16x162x128xi32, #tpu.memory_space<hbm>> -> memref<1x162x128xi32, #tpu.memory_space<hbm>>
      %dma_wait3A_99 = tpu.memref_squeeze %dma_wait3A_98 : memref<1x162x128xi32, #tpu.memory_space<hbm>> -> memref<162x128xi32, #tpu.memory_space<hbm>>
      tpu.wait_dma2 semaphore(%run_scoped3A : memref<!tpu.dma_semaphore, #tpu.memory_space<semaphore_mem>>) src(%dma_wait3A_99 : memref<162x128xi32, #tpu.memory_space<hbm>>) dst(%arg7 : memref<162x128xi32, #tpu.memory_space<vmem>>)
      tpu.yield
    }) : () -> ()
    %dma_start3A = arith.constant 0 : i32
    %dma_start3A_11 = arith.constant 0 : i32
    %dma_start3A_12 = arith.constant 0 : i32
    %dma_start3A_13 = tpu.memref_slice %arg8[%dma_start3A_11, %dma_start3A_12] : memref<256x64xf32, #tpu.memory_space<vmem>> -> memref<128x64xf32, #tpu.memory_space<vmem>>
    %dma_start3A_14 = arith.constant 0 : i32
    %dma_start3A_15 = tpu.memref_slice %arg6[%dma_start3A, %dma_start3A_14] : memref<162x128xi32, #tpu.memory_space<vmem>> -> memref<1x128xi32, #tpu.memory_space<vmem>>
    %dma_start3A_16 = tpu.memref_squeeze %dma_start3A_15 : memref<1x128xi32, #tpu.memory_space<vmem>> -> memref<128xi32, #tpu.memory_space<vmem>>
    %dma_start3A_17 = arith.constant 0 : i32
    %dma_start3A_18 = arith.constant 0 : i32
    %dma_start3A_19 = tpu.memref_slice %arg4[%arg0, %dma_start3A_17, %dma_start3A_18] : memref<2x10112x64xf32, #tpu.memory_space<hbm>> -> memref<1x10112x64xf32, #tpu.memory_space<hbm>>
    %dma_start3A_20 = tpu.memref_squeeze %dma_start3A_19 : memref<1x10112x64xf32, #tpu.memory_space<hbm>> -> memref<10112x64xf32, #tpu.memory_space<hbm>>
    %dma_start3A_21 = arith.constant 0 : i32
    %dma_start3A_22 = arith.constant 0 : i32
    %dma_start3A_23 = tpu.memref_slice %dma_start3A_20[%dma_start3A_21, %dma_start3A_22] : memref<10112x64xf32, #tpu.memory_space<hbm>> -> memref<10112x64xf32, #tpu.memory_space<hbm>>
    tpu.enqueue_indirect_dma source(%dma_start3A_23 : memref<10112x64xf32, #tpu.memory_space<hbm>>) target(%dma_start3A_13 : memref<128x64xf32, #tpu.memory_space<vmem>>) offsets(%dma_start3A_16 : memref<128xi32, #tpu.memory_space<vmem>>) semaphore(%arg11 : memref<!tpu.dma_semaphore, #tpu.memory_space<semaphore_mem>>)
    %dma_start3A_24 = arith.constant 1 : i32
    %dma_start3A_25 = arith.constant 128 : i32
    %dma_start3A_26 = arith.constant 0 : i32
    %dma_start3A_27 = tpu.memref_slice %arg8[%dma_start3A_25, %dma_start3A_26] : memref<256x64xf32, #tpu.memory_space<vmem>> -> memref<128x64xf32, #tpu.memory_space<vmem>>
    %dma_start3A_28 = arith.constant 0 : i32
    %dma_start3A_29 = tpu.memref_slice %arg6[%dma_start3A_24, %dma_start3A_28] : memref<162x128xi32, #tpu.memory_space<vmem>> -> memref<1x128xi32, #tpu.memory_space<vmem>>
    %dma_start3A_30 = tpu.memref_squeeze %dma_start3A_29 : memref<1x128xi32, #tpu.memory_space<vmem>> -> memref<128xi32, #tpu.memory_space<vmem>>
    %dma_start3A_31 = arith.constant 0 : i32
    %dma_start3A_32 = arith.constant 0 : i32
    %dma_start3A_33 = tpu.memref_slice %arg4[%arg0, %dma_start3A_31, %dma_start3A_32] : memref<2x10112x64xf32, #tpu.memory_space<hbm>> -> memref<1x10112x64xf32, #tpu.memory_space<hbm>>
    %dma_start3A_34 = tpu.memref_squeeze %dma_start3A_33 : memref<1x10112x64xf32, #tpu.memory_space<hbm>> -> memref<10112x64xf32, #tpu.memory_space<hbm>>
    %dma_start3A_35 = arith.constant 0 : i32
    %dma_start3A_36 = arith.constant 0 : i32
    %dma_start3A_37 = tpu.memref_slice %dma_start3A_34[%dma_start3A_35, %dma_start3A_36] : memref<10112x64xf32, #tpu.memory_space<hbm>> -> memref<10112x64xf32, #tpu.memory_space<hbm>>
    tpu.enqueue_indirect_dma source(%dma_start3A_37 : memref<10112x64xf32, #tpu.memory_space<hbm>>) target(%dma_start3A_27 : memref<128x64xf32, #tpu.memory_space<vmem>>) offsets(%dma_start3A_30 : memref<128xi32, #tpu.memory_space<vmem>>) semaphore(%arg11 : memref<!tpu.dma_semaphore, #tpu.memory_space<semaphore_mem>>)
    %scan3A_38 = arith.constant 0 : i32
    %scan3A_39 = arith.constant 0 : i32
    %scan3A_40 = arith.constant 40 : i32
    %scan3A_41 = arith.addi %scan3A_39, %scan3A_40 : i32
    %scan3A_42 = arith.constant 1 : i32
    scf.for %scan3A_84 = %scan3A_39 to %scan3A_41 step %scan3A_42  : i32 {
      %mul3A_85 = arith.constant 4 : i32
      %mul3A_86 = arith.muli %mul3A_85, %scan3A_84 : i32
      %add3A_87 = arith.constant 2 : i32
      %add3A_88 = arith.addi %mul3A_86, %add3A_87 : i32
      %add3A_89 = arith.constant 0 : i32
      %add3A_90 = arith.addi %add3A_88, %add3A_89 : i32
      %dma_start3A_91 = arith.constant 0 : i32
      %dma_start3A_92 = arith.constant 0 : i32
      %dma_start3A_93 = tpu.memref_slice %arg9[%dma_start3A_91, %dma_start3A_92] : memref<256x64xf32, #tpu.memory_space<vmem>> -> memref<128x64xf32, #tpu.memory_space<vmem>>
      %dma_start3A_94 = arith.constant 0 : i32
      %dma_start3A_95 = tpu.memref_slice %arg6[%add3A_90, %dma_start3A_94] : memref<162x128xi32, #tpu.memory_space<vmem>> -> memref<1x128xi32, #tpu.memory_space<vmem>>
      %dma_start3A_96 = tpu.memref_squeeze %dma_start3A_95 : memref<1x128xi32, #tpu.memory_space<vmem>> -> memref<128xi32, #tpu.memory_space<vmem>>
      %dma_start3A_97 = arith.constant 0 : i32
      %dma_start3A_98 = arith.constant 0 : i32
      %dma_start3A_99 = tpu.memref_slice %arg4[%arg0, %dma_start3A_97, %dma_start3A_98] : memref<2x10112x64xf32, #tpu.memory_space<hbm>> -> memref<1x10112x64xf32, #tpu.memory_space<hbm>>
      %dma_start3A_100 = tpu.memref_squeeze %dma_start3A_99 : memref<1x10112x64xf32, #tpu.memory_space<hbm>> -> memref<10112x64xf32, #tpu.memory_space<hbm>>
      %dma_start3A_101 = arith.constant 0 : i32
      %dma_start3A_102 = arith.constant 0 : i32
      %dma_start3A_103 = tpu.memref_slice %dma_start3A_100[%dma_start3A_101, %dma_start3A_102] : memref<10112x64xf32, #tpu.memory_space<hbm>> -> memref<10112x64xf32, #tpu.memory_space<hbm>>
      tpu.enqueue_indirect_dma source(%dma_start3A_103 : memref<10112x64xf32, #tpu.memory_space<hbm>>) target(%dma_start3A_93 : memref<128x64xf32, #tpu.memory_space<vmem>>) offsets(%dma_start3A_96 : memref<128xi32, #tpu.memory_space<vmem>>) semaphore(%arg12 : memref<!tpu.dma_semaphore, #tpu.memory_space<semaphore_mem>>)
      %add3A_104 = arith.constant 1 : i32
      %add3A_105 = arith.addi %add3A_88, %add3A_104 : i32
      %dma_start3A_106 = arith.constant 128 : i32
      %dma_start3A_107 = arith.constant 0 : i32
      %dma_start3A_108 = tpu.memref_slice %arg9[%dma_start3A_106, %dma_start3A_107] : memref<256x64xf32, #tpu.memory_space<vmem>> -> memref<128x64xf32, #tpu.memory_space<vmem>>
      %dma_start3A_109 = arith.constant 0 : i32
      %dma_start3A_110 = tpu.memref_slice %arg6[%add3A_105, %dma_start3A_109] : memref<162x128xi32, #tpu.memory_space<vmem>> -> memref<1x128xi32, #tpu.memory_space<vmem>>
      %dma_start3A_111 = tpu.memref_squeeze %dma_start3A_110 : memref<1x128xi32, #tpu.memory_space<vmem>> -> memref<128xi32, #tpu.memory_space<vmem>>
      %dma_start3A_112 = arith.constant 0 : i32
      %dma_start3A_113 = arith.constant 0 : i32
      %dma_start3A_114 = tpu.memref_slice %arg4[%arg0, %dma_start3A_112, %dma_start3A_113] : memref<2x10112x64xf32, #tpu.memory_space<hbm>> -> memref<1x10112x64xf32, #tpu.memory_space<hbm>>
      %dma_start3A_115 = tpu.memref_squeeze %dma_start3A_114 : memref<1x10112x64xf32, #tpu.memory_space<hbm>> -> memref<10112x64xf32, #tpu.memory_space<hbm>>
      %dma_start3A_116 = arith.constant 0 : i32
      %dma_start3A_117 = arith.constant 0 : i32
      %dma_start3A_118 = tpu.memref_slice %dma_start3A_115[%dma_start3A_116, %dma_start3A_117] : memref<10112x64xf32, #tpu.memory_space<hbm>> -> memref<10112x64xf32, #tpu.memory_space<hbm>>
      tpu.enqueue_indirect_dma source(%dma_start3A_118 : memref<10112x64xf32, #tpu.memory_space<hbm>>) target(%dma_start3A_108 : memref<128x64xf32, #tpu.memory_space<vmem>>) offsets(%dma_start3A_111 : memref<128xi32, #tpu.memory_space<vmem>>) semaphore(%arg12 : memref<!tpu.dma_semaphore, #tpu.memory_space<semaphore_mem>>)
      %dma_wait3A_119 = arith.constant 0 : i32
      %dma_wait3A_120 = arith.constant 0 : i32
      %dma_wait3A_121 = tpu.memref_slice %arg4[%arg0, %dma_wait3A_119, %dma_wait3A_120] : memref<2x10112x64xf32, #tpu.memory_space<hbm>> -> memref<1x10112x64xf32, #tpu.memory_space<hbm>>
      %dma_wait3A_122 = tpu.memref_squeeze %dma_wait3A_121 : memref<1x10112x64xf32, #tpu.memory_space<hbm>> -> memref<10112x64xf32, #tpu.memory_space<hbm>>
      %dma_wait3A_123 = arith.constant 0 : i32
      %dma_wait3A_124 = arith.constant 0 : i32
      %dma_wait3A_125 = tpu.memref_slice %dma_wait3A_122[%dma_wait3A_123, %dma_wait3A_124] : memref<10112x64xf32, #tpu.memory_space<hbm>> -> memref<256x64xf32, #tpu.memory_space<hbm>>
      %dma_wait3A_126 = arith.constant 0 : i32
      %dma_wait3A_127 = arith.constant 0 : i32
      %dma_wait3A_128 = tpu.memref_slice %arg4[%arg0, %dma_wait3A_126, %dma_wait3A_127] : memref<2x10112x64xf32, #tpu.memory_space<hbm>> -> memref<1x10112x64xf32, #tpu.memory_space<hbm>>
      %dma_wait3A_129 = tpu.memref_squeeze %dma_wait3A_128 : memref<1x10112x64xf32, #tpu.memory_space<hbm>> -> memref<10112x64xf32, #tpu.memory_space<hbm>>
      %dma_wait3A_130 = arith.constant 0 : i32
      %dma_wait3A_131 = arith.constant 0 : i32
      %dma_wait3A_132 = tpu.memref_slice %dma_wait3A_129[%dma_wait3A_130, %dma_wait3A_131] : memref<10112x64xf32, #tpu.memory_space<hbm>> -> memref<256x64xf32, #tpu.memory_space<hbm>>
      tpu.wait_dma2 semaphore(%arg11 : memref<!tpu.dma_semaphore, #tpu.memory_space<semaphore_mem>>) src(%dma_wait3A_132 : memref<256x64xf32, #tpu.memory_space<hbm>>) dst(%arg8 : memref<256x64xf32, #tpu.memory_space<vmem>>)
      %add3A_133 = arith.constant 0 : i32
      %add3A_134 = arith.addi %mul3A_86, %add3A_133 : i32
      %dma_start3A_135 = arith.constant 0 : i32
      %dma_start3A_136 = arith.constant 0 : i32
      %dma_start3A_137 = tpu.memref_slice %arg8[%dma_start3A_135, %dma_start3A_136] : memref<256x64xf32, #tpu.memory_space<vmem>> -> memref<128x64xf32, #tpu.memory_space<vmem>>
      %dma_start3A_138 = arith.constant 0 : i32
      %dma_start3A_139 = tpu.memref_slice %arg7[%add3A_134, %dma_start3A_138] : memref<162x128xi32, #tpu.memory_space<vmem>> -> memref<1x128xi32, #tpu.memory_space<vmem>>
      %dma_start3A_140 = tpu.memref_squeeze %dma_start3A_139 : memref<1x128xi32, #tpu.memory_space<vmem>> -> memref<128xi32, #tpu.memory_space<vmem>>
      %dma_start3A_141 = arith.constant 0 : i32
      %dma_start3A_142 = arith.constant 0 : i32
      %dma_start3A_143 = tpu.memref_slice %arg10[%dma_start3A_141, %dma_start3A_142] : memref<10112x64xf32, #tpu.memory_space<vmem_shared>> -> memref<10112x64xf32, #tpu.memory_space<vmem_shared>>
      tpu.enqueue_indirect_dma source(%dma_start3A_137 : memref<128x64xf32, #tpu.memory_space<vmem>>) target(%dma_start3A_143 : memref<10112x64xf32, #tpu.memory_space<vmem_shared>>) offsets(%dma_start3A_140 : memref<128xi32, #tpu.memory_space<vmem>>) semaphore(%arg13 : memref<!tpu.dma_semaphore, #tpu.memory_space<semaphore_mem>>) {add = true}
      %add3A_144 = arith.constant 1 : i32
      %add3A_145 = arith.addi %mul3A_86, %add3A_144 : i32
      %dma_start3A_146 = arith.constant 128 : i32
      %dma_start3A_147 = arith.constant 0 : i32
      %dma_start3A_148 = tpu.memref_slice %arg8[%dma_start3A_146, %dma_start3A_147] : memref<256x64xf32, #tpu.memory_space<vmem>> -> memref<128x64xf32, #tpu.memory_space<vmem>>
      %dma_start3A_149 = arith.constant 0 : i32
      %dma_start3A_150 = tpu.memref_slice %arg7[%add3A_145, %dma_start3A_149] : memref<162x128xi32, #tpu.memory_space<vmem>> -> memref<1x128xi32, #tpu.memory_space<vmem>>
      %dma_start3A_151 = tpu.memref_squeeze %dma_start3A_150 : memref<1x128xi32, #tpu.memory_space<vmem>> -> memref<128xi32, #tpu.memory_space<vmem>>
      %dma_start3A_152 = arith.constant 0 : i32
      %dma_start3A_153 = arith.constant 0 : i32
      %dma_start3A_154 = tpu.memref_slice %arg10[%dma_start3A_152, %dma_start3A_153] : memref<10112x64xf32, #tpu.memory_space<vmem_shared>> -> memref<10112x64xf32, #tpu.memory_space<vmem_shared>>
      tpu.enqueue_indirect_dma source(%dma_start3A_148 : memref<128x64xf32, #tpu.memory_space<vmem>>) target(%dma_start3A_154 : memref<10112x64xf32, #tpu.memory_space<vmem_shared>>) offsets(%dma_start3A_151 : memref<128xi32, #tpu.memory_space<vmem>>) semaphore(%arg13 : memref<!tpu.dma_semaphore, #tpu.memory_space<semaphore_mem>>) {add = true}
      %dma_wait3A_155 = arith.constant 0 : i32
      %dma_wait3A_156 = arith.constant 0 : i32
      %dma_wait3A_157 = tpu.memref_slice %arg10[%dma_wait3A_155, %dma_wait3A_156] : memref<10112x64xf32, #tpu.memory_space<vmem_shared>> -> memref<256x64xf32, #tpu.memory_space<vmem_shared>>
      %dma_wait3A_158 = arith.constant 0 : i32
      %dma_wait3A_159 = arith.constant 0 : i32
      %dma_wait3A_160 = tpu.memref_slice %arg10[%dma_wait3A_158, %dma_wait3A_159] : memref<10112x64xf32, #tpu.memory_space<vmem_shared>> -> memref<256x64xf32, #tpu.memory_space<vmem_shared>>
      tpu.wait_dma2 semaphore(%arg13 : memref<!tpu.dma_semaphore, #tpu.memory_space<semaphore_mem>>) src(%arg8 : memref<256x64xf32, #tpu.memory_space<vmem>>) dst(%dma_wait3A_160 : memref<256x64xf32, #tpu.memory_space<vmem_shared>>)
      %add3A_161 = arith.constant 4 : i32
      %add3A_162 = arith.addi %mul3A_86, %add3A_161 : i32
      %add3A_163 = arith.constant 0 : i32
      %add3A_164 = arith.addi %add3A_162, %add3A_163 : i32
      %dma_start3A_165 = arith.constant 0 : i32
      %dma_start3A_166 = arith.constant 0 : i32
      %dma_start3A_167 = tpu.memref_slice %arg8[%dma_start3A_165, %dma_start3A_166] : memref<256x64xf32, #tpu.memory_space<vmem>> -> memref<128x64xf32, #tpu.memory_space<vmem>>
      %dma_start3A_168 = arith.constant 0 : i32
      %dma_start3A_169 = tpu.memref_slice %arg6[%add3A_164, %dma_start3A_168] : memref<162x128xi32, #tpu.memory_space<vmem>> -> memref<1x128xi32, #tpu.memory_space<vmem>>
      %dma_start3A_170 = tpu.memref_squeeze %dma_start3A_169 : memref<1x128xi32, #tpu.memory_space<vmem>> -> memref<128xi32, #tpu.memory_space<vmem>>
      %dma_start3A_171 = arith.constant 0 : i32
      %dma_start3A_172 = arith.constant 0 : i32
      %dma_start3A_173 = tpu.memref_slice %arg4[%arg0, %dma_start3A_171, %dma_start3A_172] : memref<2x10112x64xf32, #tpu.memory_space<hbm>> -> memref<1x10112x64xf32, #tpu.memory_space<hbm>>
      %dma_start3A_174 = tpu.memref_squeeze %dma_start3A_173 : memref<1x10112x64xf32, #tpu.memory_space<hbm>> -> memref<10112x64xf32, #tpu.memory_space<hbm>>
      %dma_start3A_175 = arith.constant 0 : i32
      %dma_start3A_176 = arith.constant 0 : i32
      %dma_start3A_177 = tpu.memref_slice %dma_start3A_174[%dma_start3A_175, %dma_start3A_176] : memref<10112x64xf32, #tpu.memory_space<hbm>> -> memref<10112x64xf32, #tpu.memory_space<hbm>>
      tpu.enqueue_indirect_dma source(%dma_start3A_177 : memref<10112x64xf32, #tpu.memory_space<hbm>>) target(%dma_start3A_167 : memref<128x64xf32, #tpu.memory_space<vmem>>) offsets(%dma_start3A_170 : memref<128xi32, #tpu.memory_space<vmem>>) semaphore(%arg11 : memref<!tpu.dma_semaphore, #tpu.memory_space<semaphore_mem>>)
      %add3A_178 = arith.constant 1 : i32
      %add3A_179 = arith.addi %add3A_162, %add3A_178 : i32
      %dma_start3A_180 = arith.constant 128 : i32
      %dma_start3A_181 = arith.constant 0 : i32
      %dma_start3A_182 = tpu.memref_slice %arg8[%dma_start3A_180, %dma_start3A_181] : memref<256x64xf32, #tpu.memory_space<vmem>> -> memref<128x64xf32, #tpu.memory_space<vmem>>
      %dma_start3A_183 = arith.constant 0 : i32
      %dma_start3A_184 = tpu.memref_slice %arg6[%add3A_179, %dma_start3A_183] : memref<162x128xi32, #tpu.memory_space<vmem>> -> memref<1x128xi32, #tpu.memory_space<vmem>>
      %dma_start3A_185 = tpu.memref_squeeze %dma_start3A_184 : memref<1x128xi32, #tpu.memory_space<vmem>> -> memref<128xi32, #tpu.memory_space<vmem>>
      %dma_start3A_186 = arith.constant 0 : i32
      %dma_start3A_187 = arith.constant 0 : i32
      %dma_start3A_188 = tpu.memref_slice %arg4[%arg0, %dma_start3A_186, %dma_start3A_187] : memref<2x10112x64xf32, #tpu.memory_space<hbm>> -> memref<1x10112x64xf32, #tpu.memory_space<hbm>>
      %dma_start3A_189 = tpu.memref_squeeze %dma_start3A_188 : memref<1x10112x64xf32, #tpu.memory_space<hbm>> -> memref<10112x64xf32, #tpu.memory_space<hbm>>
      %dma_start3A_190 = arith.constant 0 : i32
      %dma_start3A_191 = arith.constant 0 : i32
      %dma_start3A_192 = tpu.memref_slice %dma_start3A_189[%dma_start3A_190, %dma_start3A_191] : memref<10112x64xf32, #tpu.memory_space<hbm>> -> memref<10112x64xf32, #tpu.memory_space<hbm>>
      tpu.enqueue_indirect_dma source(%dma_start3A_192 : memref<10112x64xf32, #tpu.memory_space<hbm>>) target(%dma_start3A_182 : memref<128x64xf32, #tpu.memory_space<vmem>>) offsets(%dma_start3A_185 : memref<128xi32, #tpu.memory_space<vmem>>) semaphore(%arg11 : memref<!tpu.dma_semaphore, #tpu.memory_space<semaphore_mem>>)
      %dma_wait3A_193 = arith.constant 0 : i32
      %dma_wait3A_194 = arith.constant 0 : i32
      %dma_wait3A_195 = tpu.memref_slice %arg4[%arg0, %dma_wait3A_193, %dma_wait3A_194] : memref<2x10112x64xf32, #tpu.memory_space<hbm>> -> memref<1x10112x64xf32, #tpu.memory_space<hbm>>
      %dma_wait3A_196 = tpu.memref_squeeze %dma_wait3A_195 : memref<1x10112x64xf32, #tpu.memory_space<hbm>> -> memref<10112x64xf32, #tpu.memory_space<hbm>>
      %dma_wait3A_197 = arith.constant 0 : i32
      %dma_wait3A_198 = arith.constant 0 : i32
      %dma_wait3A_199 = tpu.memref_slice %dma_wait3A_196[%dma_wait3A_197, %dma_wait3A_198] : memref<10112x64xf32, #tpu.memory_space<hbm>> -> memref<256x64xf32, #tpu.memory_space<hbm>>
      %dma_wait3A_200 = arith.constant 0 : i32
      %dma_wait3A_201 = arith.constant 0 : i32
      %dma_wait3A_202 = tpu.memref_slice %arg4[%arg0, %dma_wait3A_200, %dma_wait3A_201] : memref<2x10112x64xf32, #tpu.memory_space<hbm>> -> memref<1x10112x64xf32, #tpu.memory_space<hbm>>
      %dma_wait3A_203 = tpu.memref_squeeze %dma_wait3A_202 : memref<1x10112x64xf32, #tpu.memory_space<hbm>> -> memref<10112x64xf32, #tpu.memory_space<hbm>>
      %dma_wait3A_204 = arith.constant 0 : i32
      %dma_wait3A_205 = arith.constant 0 : i32
      %dma_wait3A_206 = tpu.memref_slice %dma_wait3A_203[%dma_wait3A_204, %dma_wait3A_205] : memref<10112x64xf32, #tpu.memory_space<hbm>> -> memref<256x64xf32, #tpu.memory_space<hbm>>
      tpu.wait_dma2 semaphore(%arg12 : memref<!tpu.dma_semaphore, #tpu.memory_space<semaphore_mem>>) src(%dma_wait3A_206 : memref<256x64xf32, #tpu.memory_space<hbm>>) dst(%arg9 : memref<256x64xf32, #tpu.memory_space<vmem>>)
      %add3A_207 = arith.constant 2 : i32
      %add3A_208 = arith.addi %mul3A_86, %add3A_207 : i32
      %add3A_209 = arith.constant 0 : i32
      %add3A_210 = arith.addi %add3A_208, %add3A_209 : i32
      %dma_start3A_211 = arith.constant 0 : i32
      %dma_start3A_212 = arith.constant 0 : i32
      %dma_start3A_213 = tpu.memref_slice %arg9[%dma_start3A_211, %dma_start3A_212] : memref<256x64xf32, #tpu.memory_space<vmem>> -> memref<128x64xf32, #tpu.memory_space<vmem>>
      %dma_start3A_214 = arith.constant 0 : i32
      %dma_start3A_215 = tpu.memref_slice %arg7[%add3A_210, %dma_start3A_214] : memref<162x128xi32, #tpu.memory_space<vmem>> -> memref<1x128xi32, #tpu.memory_space<vmem>>
      %dma_start3A_216 = tpu.memref_squeeze %dma_start3A_215 : memref<1x128xi32, #tpu.memory_space<vmem>> -> memref<128xi32, #tpu.memory_space<vmem>>
      %dma_start3A_217 = arith.constant 0 : i32
      %dma_start3A_218 = arith.constant 0 : i32
      %dma_start3A_219 = tpu.memref_slice %arg10[%dma_start3A_217, %dma_start3A_218] : memref<10112x64xf32, #tpu.memory_space<vmem_shared>> -> memref<10112x64xf32, #tpu.memory_space<vmem_shared>>
      tpu.enqueue_indirect_dma source(%dma_start3A_213 : memref<128x64xf32, #tpu.memory_space<vmem>>) target(%dma_start3A_219 : memref<10112x64xf32, #tpu.memory_space<vmem_shared>>) offsets(%dma_start3A_216 : memref<128xi32, #tpu.memory_space<vmem>>) semaphore(%arg14 : memref<!tpu.dma_semaphore, #tpu.memory_space<semaphore_mem>>) {add = true}
      %add3A_220 = arith.constant 1 : i32
      %add3A_221 = arith.addi %add3A_208, %add3A_220 : i32
      %dma_start3A_222 = arith.constant 128 : i32
      %dma_start3A_223 = arith.constant 0 : i32
      %dma_start3A_224 = tpu.memref_slice %arg9[%dma_start3A_222, %dma_start3A_223] : memref<256x64xf32, #tpu.memory_space<vmem>> -> memref<128x64xf32, #tpu.memory_space<vmem>>
      %dma_start3A_225 = arith.constant 0 : i32
      %dma_start3A_226 = tpu.memref_slice %arg7[%add3A_221, %dma_start3A_225] : memref<162x128xi32, #tpu.memory_space<vmem>> -> memref<1x128xi32, #tpu.memory_space<vmem>>
      %dma_start3A_227 = tpu.memref_squeeze %dma_start3A_226 : memref<1x128xi32, #tpu.memory_space<vmem>> -> memref<128xi32, #tpu.memory_space<vmem>>
      %dma_start3A_228 = arith.constant 0 : i32
      %dma_start3A_229 = arith.constant 0 : i32
      %dma_start3A_230 = tpu.memref_slice %arg10[%dma_start3A_228, %dma_start3A_229] : memref<10112x64xf32, #tpu.memory_space<vmem_shared>> -> memref<10112x64xf32, #tpu.memory_space<vmem_shared>>
      tpu.enqueue_indirect_dma source(%dma_start3A_224 : memref<128x64xf32, #tpu.memory_space<vmem>>) target(%dma_start3A_230 : memref<10112x64xf32, #tpu.memory_space<vmem_shared>>) offsets(%dma_start3A_227 : memref<128xi32, #tpu.memory_space<vmem>>) semaphore(%arg14 : memref<!tpu.dma_semaphore, #tpu.memory_space<semaphore_mem>>) {add = true}
      %dma_wait3A_231 = arith.constant 0 : i32
      %dma_wait3A_232 = arith.constant 0 : i32
      %dma_wait3A_233 = tpu.memref_slice %arg10[%dma_wait3A_231, %dma_wait3A_232] : memref<10112x64xf32, #tpu.memory_space<vmem_shared>> -> memref<256x64xf32, #tpu.memory_space<vmem_shared>>
      %dma_wait3A_234 = arith.constant 0 : i32
      %dma_wait3A_235 = arith.constant 0 : i32
      %dma_wait3A_236 = tpu.memref_slice %arg10[%dma_wait3A_234, %dma_wait3A_235] : memref<10112x64xf32, #tpu.memory_space<vmem_shared>> -> memref<256x64xf32, #tpu.memory_space<vmem_shared>>
      tpu.wait_dma2 semaphore(%arg14 : memref<!tpu.dma_semaphore, #tpu.memory_space<semaphore_mem>>) src(%arg9 : memref<256x64xf32, #tpu.memory_space<vmem>>) dst(%dma_wait3A_236 : memref<256x64xf32, #tpu.memory_space<vmem_shared>>)
    }
    %scan3A_43 = arith.constant 40 : i32
    %dma_wait3A = arith.constant 0 : i32
    %dma_wait3A_44 = arith.constant 0 : i32
    %dma_wait3A_45 = tpu.memref_slice %arg4[%arg0, %dma_wait3A, %dma_wait3A_44] : memref<2x10112x64xf32, #tpu.memory_space<hbm>> -> memref<1x10112x64xf32, #tpu.memory_space<hbm>>
    %dma_wait3A_46 = tpu.memref_squeeze %dma_wait3A_45 : memref<1x10112x64xf32, #tpu.memory_space<hbm>> -> memref<10112x64xf32, #tpu.memory_space<hbm>>
    %dma_wait3A_47 = arith.constant 0 : i32
    %dma_wait3A_48 = arith.constant 0 : i32
    %dma_wait3A_49 = tpu.memref_slice %dma_wait3A_46[%dma_wait3A_47, %dma_wait3A_48] : memref<10112x64xf32, #tpu.memory_space<hbm>> -> memref<256x64xf32, #tpu.memory_space<hbm>>
    %dma_wait3A_50 = arith.constant 0 : i32
    %dma_wait3A_51 = arith.constant 0 : i32
    %dma_wait3A_52 = tpu.memref_slice %arg4[%arg0, %dma_wait3A_50, %dma_wait3A_51] : memref<2x10112x64xf32, #tpu.memory_space<hbm>> -> memref<1x10112x64xf32, #tpu.memory_space<hbm>>
    %dma_wait3A_53 = tpu.memref_squeeze %dma_wait3A_52 : memref<1x10112x64xf32, #tpu.memory_space<hbm>> -> memref<10112x64xf32, #tpu.memory_space<hbm>>
    %dma_wait3A_54 = arith.constant 0 : i32
    %dma_wait3A_55 = arith.constant 0 : i32
    %dma_wait3A_56 = tpu.memref_slice %dma_wait3A_53[%dma_wait3A_54, %dma_wait3A_55] : memref<10112x64xf32, #tpu.memory_space<hbm>> -> memref<256x64xf32, #tpu.memory_space<hbm>>
    tpu.wait_dma2 semaphore(%arg11 : memref<!tpu.dma_semaphore, #tpu.memory_space<semaphore_mem>>) src(%dma_wait3A_56 : memref<256x64xf32, #tpu.memory_space<hbm>>) dst(%arg8 : memref<256x64xf32, #tpu.memory_space<vmem>>)
    %dma_start3A_57 = arith.constant 160 : i32
    %dma_start3A_58 = arith.constant 0 : i32
    %dma_start3A_59 = arith.constant 0 : i32
    %dma_start3A_60 = tpu.memref_slice %arg8[%dma_start3A_58, %dma_start3A_59] : memref<256x64xf32, #tpu.memory_space<vmem>> -> memref<128x64xf32, #tpu.memory_space<vmem>>
    %dma_start3A_61 = arith.constant 0 : i32
    %dma_start3A_62 = tpu.memref_slice %arg7[%dma_start3A_57, %dma_start3A_61] : memref<162x128xi32, #tpu.memory_space<vmem>> -> memref<1x128xi32, #tpu.memory_space<vmem>>
    %dma_start3A_63 = tpu.memref_squeeze %dma_start3A_62 : memref<1x128xi32, #tpu.memory_space<vmem>> -> memref<128xi32, #tpu.memory_space<vmem>>
    %dma_start3A_64 = arith.constant 0 : i32
    %dma_start3A_65 = arith.constant 0 : i32
    %dma_start3A_66 = tpu.memref_slice %arg10[%dma_start3A_64, %dma_start3A_65] : memref<10112x64xf32, #tpu.memory_space<vmem_shared>> -> memref<10112x64xf32, #tpu.memory_space<vmem_shared>>
    tpu.enqueue_indirect_dma source(%dma_start3A_60 : memref<128x64xf32, #tpu.memory_space<vmem>>) target(%dma_start3A_66 : memref<10112x64xf32, #tpu.memory_space<vmem_shared>>) offsets(%dma_start3A_63 : memref<128xi32, #tpu.memory_space<vmem>>) semaphore(%arg13 : memref<!tpu.dma_semaphore, #tpu.memory_space<semaphore_mem>>) {add = true}
    %dma_start3A_67 = arith.constant 161 : i32
    %dma_start3A_68 = arith.constant 128 : i32
    %dma_start3A_69 = arith.constant 0 : i32
    %dma_start3A_70 = tpu.memref_slice %arg8[%dma_start3A_68, %dma_start3A_69] : memref<256x64xf32, #tpu.memory_space<vmem>> -> memref<128x64xf32, #tpu.memory_space<vmem>>
    %dma_start3A_71 = arith.constant 0 : i32
    %dma_start3A_72 = tpu.memref_slice %arg7[%dma_start3A_67, %dma_start3A_71] : memref<162x128xi32, #tpu.memory_space<vmem>> -> memref<1x128xi32, #tpu.memory_space<vmem>>
    %dma_start3A_73 = tpu.memref_squeeze %dma_start3A_72 : memref<1x128xi32, #tpu.memory_space<vmem>> -> memref<128xi32, #tpu.memory_space<vmem>>
    %dma_start3A_74 = arith.constant 0 : i32
    %dma_start3A_75 = arith.constant 0 : i32
    %dma_start3A_76 = tpu.memref_slice %arg10[%dma_start3A_74, %dma_start3A_75] : memref<10112x64xf32, #tpu.memory_space<vmem_shared>> -> memref<10112x64xf32, #tpu.memory_space<vmem_shared>>
    tpu.enqueue_indirect_dma source(%dma_start3A_70 : memref<128x64xf32, #tpu.memory_space<vmem>>) target(%dma_start3A_76 : memref<10112x64xf32, #tpu.memory_space<vmem_shared>>) offsets(%dma_start3A_73 : memref<128xi32, #tpu.memory_space<vmem>>) semaphore(%arg13 : memref<!tpu.dma_semaphore, #tpu.memory_space<semaphore_mem>>) {add = true}
    %dma_wait3A_77 = arith.constant 0 : i32
    %dma_wait3A_78 = arith.constant 0 : i32
    %dma_wait3A_79 = tpu.memref_slice %arg10[%dma_wait3A_77, %dma_wait3A_78] : memref<10112x64xf32, #tpu.memory_space<vmem_shared>> -> memref<256x64xf32, #tpu.memory_space<vmem_shared>>
    %dma_wait3A_80 = arith.constant 0 : i32
    %dma_wait3A_81 = arith.constant 0 : i32
    %dma_wait3A_82 = tpu.memref_slice %arg10[%dma_wait3A_80, %dma_wait3A_81] : memref<10112x64xf32, #tpu.memory_space<vmem_shared>> -> memref<256x64xf32, #tpu.memory_space<vmem_shared>>
    tpu.wait_dma2 semaphore(%arg13 : memref<!tpu.dma_semaphore, #tpu.memory_space<semaphore_mem>>) src(%arg8 : memref<256x64xf32, #tpu.memory_space<vmem>>) dst(%dma_wait3A_82 : memref<256x64xf32, #tpu.memory_space<vmem_shared>>)
    %barrier3A_83 = arith.constant 0 : index
    tpu.barrier barrier_id(%barrier3A_83)
    "tpu.region"() ({
      %run_scoped3A = tpu.sem_alloc : memref<!tpu.dma_semaphore, #tpu.memory_space<semaphore_mem>>
      %dma_start3A_84 = arith.constant 0 : i32
      %dma_start3A_85 = arith.constant 0 : i32
      %dma_start3A_86 = tpu.memref_slice %arg5[%arg0, %dma_start3A_84, %dma_start3A_85] : memref<2x10112x64xf32, #tpu.memory_space<hbm>> -> memref<1x10112x64xf32, #tpu.memory_space<hbm>>
      %dma_start3A_87 = tpu.memref_squeeze %dma_start3A_86 : memref<1x10112x64xf32, #tpu.memory_space<hbm>> -> memref<10112x64xf32, #tpu.memory_space<hbm>>
      %dma_start3A_88 = arith.constant 0 : i32
      %dma_start3A_89 = tpu.memref_slice %dma_start3A_87[%mul3A_0, %dma_start3A_88] : memref<10112x64xf32, #tpu.memory_space<hbm>> -> memref<632x64xf32, #tpu.memory_space<hbm>>
      %dma_start3A_90 = arith.constant 0 : i32
      %dma_start3A_91 = tpu.memref_slice %arg10[%mul3A_0, %dma_start3A_90] : memref<10112x64xf32, #tpu.memory_space<vmem_shared>> -> memref<632x64xf32, #tpu.memory_space<vmem_shared>>
      tpu.enqueue_dma source(%dma_start3A_91 : memref<632x64xf32, #tpu.memory_space<vmem_shared>>) target(%dma_start3A_89 : memref<632x64xf32, #tpu.memory_space<hbm>>) target_semaphore(%run_scoped3A : memref<!tpu.dma_semaphore, #tpu.memory_space<semaphore_mem>>)
      %dma_wait3A_92 = arith.constant 0 : i32
      %dma_wait3A_93 = arith.constant 0 : i32
      %dma_wait3A_94 = tpu.memref_slice %arg5[%arg0, %dma_wait3A_92, %dma_wait3A_93] : memref<2x10112x64xf32, #tpu.memory_space<hbm>> -> memref<1x10112x64xf32, #tpu.memory_space<hbm>>
      %dma_wait3A_95 = tpu.memref_squeeze %dma_wait3A_94 : memref<1x10112x64xf32, #tpu.memory_space<hbm>> -> memref<10112x64xf32, #tpu.memory_space<hbm>>
      %dma_wait3A_96 = arith.constant 0 : i32
      %dma_wait3A_97 = tpu.memref_slice %dma_wait3A_95[%mul3A_0, %dma_wait3A_96] : memref<10112x64xf32, #tpu.memory_space<hbm>> -> memref<632x64xf32, #tpu.memory_space<hbm>>
      %dma_wait3A_98 = arith.constant 0 : i32
      %dma_wait3A_99 = tpu.memref_slice %arg10[%mul3A_0, %dma_wait3A_98] : memref<10112x64xf32, #tpu.memory_space<vmem_shared>> -> memref<632x64xf32, #tpu.memory_space<vmem_shared>>
      tpu.wait_dma2 semaphore(%run_scoped3A : memref<!tpu.dma_semaphore, #tpu.memory_space<semaphore_mem>>) src(%dma_wait3A_99 : memref<632x64xf32, #tpu.memory_space<vmem_shared>>) dst(%dma_wait3A_97 : memref<632x64xf32, #tpu.memory_space<hbm>>)
      tpu.yield
    }) : () -> ()
    return
  }
}

#map = affine_map<(d0, d1) -> (0, 0, 0)>
#map1 = affine_map<(d0, d1) -> (0, 0)>
module attributes {stable_mosaic.version = 14 : i64} {
  func.func @deg_kernel(%arg0: i32, %arg1: i32, %arg2: memref<16x162x128xi32, #tpu.memory_space<hbm>>, %arg3: memref<128x16xf32, #tpu.memory_space<hbm>>, %arg4: memref<2x10112x16xf32, #tpu.memory_space<hbm>>, %arg5: memref<81x128xi32, #tpu.memory_space<vmem>>, %arg6: memref<128x16xf32, #tpu.memory_space<vmem>>, %arg7: memref<128x16xf32, #tpu.memory_space<vmem>>, %arg8: memref<10112x16xf32, #tpu.memory_space<vmem_shared>>) attributes {dimension_semantics = [#tpu.dimension_semantics<core_parallel>, #tpu.dimension_semantics<subcore_parallel>], iteration_bounds = array<i64: 2, 16>, scalar_prefetch = 0 : i64, scratch_operands = 4 : i64, tpu.core_type = #tpu.core_type<sc_vector_subcore>, window_params = [{transform_indices = #map}, {transform_indices = #map1}, {transform_indices = #map}]} {
    %mul3A = arith.constant 632 : i32
    %mul3A_0 = arith.muli %arg1, %mul3A : i32
    %scan3A = arith.constant 0 : i32
    %scan3A_1 = arith.constant 0 : i32
    %scan3A_2 = arith.constant 128 : i32
    %scan3A_3 = arith.addi %scan3A_1, %scan3A_2 : i32
    %scan3A_4 = arith.constant 1 : i32
    scf.for %scan3A_24 = %scan3A_1 to %scan3A_3 step %scan3A_4  : i32 {
      %broadcast_in_dim3A = arith.constant 0.000000e+00 : f32
      %broadcast_in_dim3A_25 = vector.broadcast %broadcast_in_dim3A : f32 to vector<16xf32>
      %swap3A = arith.index_cast %scan3A_24 : i32 to index
      %swap3A_26 = arith.constant 0 : index
      %swap3A_27 = tpu.vector_load %arg6[%swap3A, %swap3A_26] {strides = array<i32>} : memref<128x16xf32, #tpu.memory_space<vmem>>, vector<1x16xf32>,
      %swap3A_28 = vector.shape_cast %swap3A_27 : vector<1x16xf32> to vector<16xf32>
      %swap3A_29 = vector.shape_cast %broadcast_in_dim3A_25 : vector<16xf32> to vector<1x16xf32>
      tpu.vector_store %arg6[%swap3A, %swap3A_26], %swap3A_29 {strides = array<i32>} : memref<128x16xf32, #tpu.memory_space<vmem>>, vector<1x16xf32>,
    }
    %scan3A_5 = arith.constant 128 : i32
    %add3A = arith.constant 0 : i32
    %add3A_6 = arith.addi %mul3A_0, %add3A : i32
    "tpu.region"() ({
      %run_scoped3A = tpu.sem_alloc : memref<!tpu.dma_semaphore, #tpu.memory_space<semaphore_mem>>
      %dma_start3A = arith.constant 0 : i32
      %dma_start3A_24 = tpu.memref_slice %arg8[%add3A_6, %dma_start3A] : memref<10112x16xf32, #tpu.memory_space<vmem_shared>> -> memref<128x16xf32, #tpu.memory_space<vmem_shared>>
      %dma_start3A_25 = arith.constant 0 : i32
      %dma_start3A_26 = tpu.memref_slice %arg8[%add3A_6, %dma_start3A_25] : memref<10112x16xf32, #tpu.memory_space<vmem_shared>> -> memref<128x16xf32, #tpu.memory_space<vmem_shared>>
      tpu.enqueue_dma source(%arg6 : memref<128x16xf32, #tpu.memory_space<vmem>>) target(%dma_start3A_26 : memref<128x16xf32, #tpu.memory_space<vmem_shared>>) target_semaphore(%run_scoped3A : memref<!tpu.dma_semaphore, #tpu.memory_space<semaphore_mem>>)
      %dma_wait3A = arith.constant 0 : i32
      %dma_wait3A_27 = tpu.memref_slice %arg8[%add3A_6, %dma_wait3A] : memref<10112x16xf32, #tpu.memory_space<vmem_shared>> -> memref<128x16xf32, #tpu.memory_space<vmem_shared>>
      %dma_wait3A_28 = arith.constant 0 : i32
      %dma_wait3A_29 = tpu.memref_slice %arg8[%add3A_6, %dma_wait3A_28] : memref<10112x16xf32, #tpu.memory_space<vmem_shared>> -> memref<128x16xf32, #tpu.memory_space<vmem_shared>>
      tpu.wait_dma2 semaphore(%run_scoped3A : memref<!tpu.dma_semaphore, #tpu.memory_space<semaphore_mem>>) src(%arg6 : memref<128x16xf32, #tpu.memory_space<vmem>>) dst(%dma_wait3A_29 : memref<128x16xf32, #tpu.memory_space<vmem_shared>>)
      tpu.yield
    }) : () -> ()
    %add3A_7 = arith.constant 128 : i32
    %add3A_8 = arith.addi %mul3A_0, %add3A_7 : i32
    "tpu.region"() ({
      %run_scoped3A = tpu.sem_alloc : memref<!tpu.dma_semaphore, #tpu.memory_space<semaphore_mem>>
      %dma_start3A = arith.constant 0 : i32
      %dma_start3A_24 = tpu.memref_slice %arg8[%add3A_8, %dma_start3A] : memref<10112x16xf32, #tpu.memory_space<vmem_shared>> -> memref<128x16xf32, #tpu.memory_space<vmem_shared>>
      %dma_start3A_25 = arith.constant 0 : i32
      %dma_start3A_26 = tpu.memref_slice %arg8[%add3A_8, %dma_start3A_25] : memref<10112x16xf32, #tpu.memory_space<vmem_shared>> -> memref<128x16xf32, #tpu.memory_space<vmem_shared>>
      tpu.enqueue_dma source(%arg6 : memref<128x16xf32, #tpu.memory_space<vmem>>) target(%dma_start3A_26 : memref<128x16xf32, #tpu.memory_space<vmem_shared>>) target_semaphore(%run_scoped3A : memref<!tpu.dma_semaphore, #tpu.memory_space<semaphore_mem>>)
      %dma_wait3A = arith.constant 0 : i32
      %dma_wait3A_27 = tpu.memref_slice %arg8[%add3A_8, %dma_wait3A] : memref<10112x16xf32, #tpu.memory_space<vmem_shared>> -> memref<128x16xf32, #tpu.memory_space<vmem_shared>>
      %dma_wait3A_28 = arith.constant 0 : i32
      %dma_wait3A_29 = tpu.memref_slice %arg8[%add3A_8, %dma_wait3A_28] : memref<10112x16xf32, #tpu.memory_space<vmem_shared>> -> memref<128x16xf32, #tpu.memory_space<vmem_shared>>
      tpu.wait_dma2 semaphore(%run_scoped3A : memref<!tpu.dma_semaphore, #tpu.memory_space<semaphore_mem>>) src(%arg6 : memref<128x16xf32, #tpu.memory_space<vmem>>) dst(%dma_wait3A_29 : memref<128x16xf32, #tpu.memory_space<vmem_shared>>)
      tpu.yield
    }) : () -> ()
    %add3A_9 = arith.constant 256 : i32
    %add3A_10 = arith.addi %mul3A_0, %add3A_9 : i32
    "tpu.region"() ({
      %run_scoped3A = tpu.sem_alloc : memref<!tpu.dma_semaphore, #tpu.memory_space<semaphore_mem>>
      %dma_start3A = arith.constant 0 : i32
      %dma_start3A_24 = tpu.memref_slice %arg8[%add3A_10, %dma_start3A] : memref<10112x16xf32, #tpu.memory_space<vmem_shared>> -> memref<128x16xf32, #tpu.memory_space<vmem_shared>>
      %dma_start3A_25 = arith.constant 0 : i32
      %dma_start3A_26 = tpu.memref_slice %arg8[%add3A_10, %dma_start3A_25] : memref<10112x16xf32, #tpu.memory_space<vmem_shared>> -> memref<128x16xf32, #tpu.memory_space<vmem_shared>>
      tpu.enqueue_dma source(%arg6 : memref<128x16xf32, #tpu.memory_space<vmem>>) target(%dma_start3A_26 : memref<128x16xf32, #tpu.memory_space<vmem_shared>>) target_semaphore(%run_scoped3A : memref<!tpu.dma_semaphore, #tpu.memory_space<semaphore_mem>>)
      %dma_wait3A = arith.constant 0 : i32
      %dma_wait3A_27 = tpu.memref_slice %arg8[%add3A_10, %dma_wait3A] : memref<10112x16xf32, #tpu.memory_space<vmem_shared>> -> memref<128x16xf32, #tpu.memory_space<vmem_shared>>
      %dma_wait3A_28 = arith.constant 0 : i32
      %dma_wait3A_29 = tpu.memref_slice %arg8[%add3A_10, %dma_wait3A_28] : memref<10112x16xf32, #tpu.memory_space<vmem_shared>> -> memref<128x16xf32, #tpu.memory_space<vmem_shared>>
      tpu.wait_dma2 semaphore(%run_scoped3A : memref<!tpu.dma_semaphore, #tpu.memory_space<semaphore_mem>>) src(%arg6 : memref<128x16xf32, #tpu.memory_space<vmem>>) dst(%dma_wait3A_29 : memref<128x16xf32, #tpu.memory_space<vmem_shared>>)
      tpu.yield
    }) : () -> ()
    %add3A_11 = arith.constant 384 : i32
    %add3A_12 = arith.addi %mul3A_0, %add3A_11 : i32
    "tpu.region"() ({
      %run_scoped3A = tpu.sem_alloc : memref<!tpu.dma_semaphore, #tpu.memory_space<semaphore_mem>>
      %dma_start3A = arith.constant 0 : i32
      %dma_start3A_24 = tpu.memref_slice %arg8[%add3A_12, %dma_start3A] : memref<10112x16xf32, #tpu.memory_space<vmem_shared>> -> memref<128x16xf32, #tpu.memory_space<vmem_shared>>
      %dma_start3A_25 = arith.constant 0 : i32
      %dma_start3A_26 = tpu.memref_slice %arg8[%add3A_12, %dma_start3A_25] : memref<10112x16xf32, #tpu.memory_space<vmem_shared>> -> memref<128x16xf32, #tpu.memory_space<vmem_shared>>
      tpu.enqueue_dma source(%arg6 : memref<128x16xf32, #tpu.memory_space<vmem>>) target(%dma_start3A_26 : memref<128x16xf32, #tpu.memory_space<vmem_shared>>) target_semaphore(%run_scoped3A : memref<!tpu.dma_semaphore, #tpu.memory_space<semaphore_mem>>)
      %dma_wait3A = arith.constant 0 : i32
      %dma_wait3A_27 = tpu.memref_slice %arg8[%add3A_12, %dma_wait3A] : memref<10112x16xf32, #tpu.memory_space<vmem_shared>> -> memref<128x16xf32, #tpu.memory_space<vmem_shared>>
      %dma_wait3A_28 = arith.constant 0 : i32
      %dma_wait3A_29 = tpu.memref_slice %arg8[%add3A_12, %dma_wait3A_28] : memref<10112x16xf32, #tpu.memory_space<vmem_shared>> -> memref<128x16xf32, #tpu.memory_space<vmem_shared>>
      tpu.wait_dma2 semaphore(%run_scoped3A : memref<!tpu.dma_semaphore, #tpu.memory_space<semaphore_mem>>) src(%arg6 : memref<128x16xf32, #tpu.memory_space<vmem>>) dst(%dma_wait3A_29 : memref<128x16xf32, #tpu.memory_space<vmem_shared>>)
      tpu.yield
    }) : () -> ()
    %add3A_13 = arith.constant 512 : i32
    %add3A_14 = arith.addi %mul3A_0, %add3A_13 : i32
    "tpu.region"() ({
      %run_scoped3A = tpu.sem_alloc : memref<!tpu.dma_semaphore, #tpu.memory_space<semaphore_mem>>
      %dma_start3A = arith.constant 0 : i32
      %dma_start3A_24 = arith.constant 0 : i32
      %dma_start3A_25 = tpu.memref_slice %arg6[%dma_start3A, %dma_start3A_24] : memref<128x16xf32, #tpu.memory_space<vmem>> -> memref<120x16xf32, #tpu.memory_space<vmem>>
      %dma_start3A_26 = arith.constant 0 : i32
      %dma_start3A_27 = tpu.memref_slice %arg8[%add3A_14, %dma_start3A_26] : memref<10112x16xf32, #tpu.memory_space<vmem_shared>> -> memref<120x16xf32, #tpu.memory_space<vmem_shared>>
      %dma_start3A_28 = arith.constant 0 : i32
      %dma_start3A_29 = tpu.memref_slice %arg8[%add3A_14, %dma_start3A_28] : memref<10112x16xf32, #tpu.memory_space<vmem_shared>> -> memref<120x16xf32, #tpu.memory_space<vmem_shared>>
      %dma_start3A_30 = arith.constant 0 : i32
      %dma_start3A_31 = arith.constant 0 : i32
      %dma_start3A_32 = tpu.memref_slice %arg6[%dma_start3A_30, %dma_start3A_31] : memref<128x16xf32, #tpu.memory_space<vmem>> -> memref<120x16xf32, #tpu.memory_space<vmem>>
      tpu.enqueue_dma source(%dma_start3A_32 : memref<120x16xf32, #tpu.memory_space<vmem>>) target(%dma_start3A_29 : memref<120x16xf32, #tpu.memory_space<vmem_shared>>) target_semaphore(%run_scoped3A : memref<!tpu.dma_semaphore, #tpu.memory_space<semaphore_mem>>)
      %dma_wait3A = arith.constant 0 : i32
      %dma_wait3A_33 = arith.constant 0 : i32
      %dma_wait3A_34 = tpu.memref_slice %arg6[%dma_wait3A, %dma_wait3A_33] : memref<128x16xf32, #tpu.memory_space<vmem>> -> memref<120x16xf32, #tpu.memory_space<vmem>>
      %dma_wait3A_35 = arith.constant 0 : i32
      %dma_wait3A_36 = tpu.memref_slice %arg8[%add3A_14, %dma_wait3A_35] : memref<10112x16xf32, #tpu.memory_space<vmem_shared>> -> memref<120x16xf32, #tpu.memory_space<vmem_shared>>
      %dma_wait3A_37 = arith.constant 0 : i32
      %dma_wait3A_38 = tpu.memref_slice %arg8[%add3A_14, %dma_wait3A_37] : memref<10112x16xf32, #tpu.memory_space<vmem_shared>> -> memref<120x16xf32, #tpu.memory_space<vmem_shared>>
      %dma_wait3A_39 = arith.constant 0 : i32
      %dma_wait3A_40 = arith.constant 0 : i32
      %dma_wait3A_41 = tpu.memref_slice %arg6[%dma_wait3A_39, %dma_wait3A_40] : memref<128x16xf32, #tpu.memory_space<vmem>> -> memref<120x16xf32, #tpu.memory_space<vmem>>
      tpu.wait_dma2 semaphore(%run_scoped3A : memref<!tpu.dma_semaphore, #tpu.memory_space<semaphore_mem>>) src(%dma_wait3A_41 : memref<120x16xf32, #tpu.memory_space<vmem>>) dst(%dma_wait3A_38 : memref<120x16xf32, #tpu.memory_space<vmem_shared>>)
      tpu.yield
    }) : () -> ()
    "tpu.region"() ({
      %run_scoped3A = tpu.sem_alloc : memref<!tpu.dma_semaphore, #tpu.memory_space<semaphore_mem>>
      tpu.enqueue_dma source(%arg3 : memref<128x16xf32, #tpu.memory_space<hbm>>) target(%arg7 : memref<128x16xf32, #tpu.memory_space<vmem>>) target_semaphore(%run_scoped3A : memref<!tpu.dma_semaphore, #tpu.memory_space<semaphore_mem>>)
      tpu.wait_dma2 semaphore(%run_scoped3A : memref<!tpu.dma_semaphore, #tpu.memory_space<semaphore_mem>>) src(%arg3 : memref<128x16xf32, #tpu.memory_space<hbm>>) dst(%arg7 : memref<128x16xf32, #tpu.memory_space<vmem>>)
      tpu.yield
    }) : () -> ()
    %barrier3A = arith.constant 0 : index
    tpu.barrier barrier_id(%barrier3A)
    %mul3A_15 = arith.constant 81 : i32
    %mul3A_16 = arith.muli %arg0, %mul3A_15 : i32
    "tpu.region"() ({
      %run_scoped3A = tpu.sem_alloc : memref<!tpu.dma_semaphore, #tpu.memory_space<semaphore_mem>>
      %dma_start3A = arith.constant 0 : i32
      %dma_start3A_24 = arith.constant 0 : i32
      %dma_start3A_25 = tpu.memref_slice %arg2[%arg1, %dma_start3A, %dma_start3A_24] : memref<16x162x128xi32, #tpu.memory_space<hbm>> -> memref<1x162x128xi32, #tpu.memory_space<hbm>>
      %dma_start3A_26 = tpu.memref_squeeze %dma_start3A_25 : memref<1x162x128xi32, #tpu.memory_space<hbm>> -> memref<162x128xi32, #tpu.memory_space<hbm>>
      %dma_start3A_27 = arith.constant 0 : i32
      %dma_start3A_28 = tpu.memref_slice %dma_start3A_26[%mul3A_16, %dma_start3A_27] : memref<162x128xi32, #tpu.memory_space<hbm>> -> memref<81x128xi32, #tpu.memory_space<hbm>>
      %dma_start3A_29 = arith.constant 0 : i32
      %dma_start3A_30 = arith.constant 0 : i32
      %dma_start3A_31 = tpu.memref_slice %arg2[%arg1, %dma_start3A_29, %dma_start3A_30] : memref<16x162x128xi32, #tpu.memory_space<hbm>> -> memref<1x162x128xi32, #tpu.memory_space<hbm>>
      %dma_start3A_32 = tpu.memref_squeeze %dma_start3A_31 : memref<1x162x128xi32, #tpu.memory_space<hbm>> -> memref<162x128xi32, #tpu.memory_space<hbm>>
      %dma_start3A_33 = arith.constant 0 : i32
      %dma_start3A_34 = tpu.memref_slice %dma_start3A_32[%mul3A_16, %dma_start3A_33] : memref<162x128xi32, #tpu.memory_space<hbm>> -> memref<81x128xi32, #tpu.memory_space<hbm>>
      tpu.enqueue_dma source(%dma_start3A_34 : memref<81x128xi32, #tpu.memory_space<hbm>>) target(%arg5 : memref<81x128xi32, #tpu.memory_space<vmem>>) target_semaphore(%run_scoped3A : memref<!tpu.dma_semaphore, #tpu.memory_space<semaphore_mem>>)
      %dma_wait3A = arith.constant 0 : i32
      %dma_wait3A_35 = arith.constant 0 : i32
      %dma_wait3A_36 = tpu.memref_slice %arg2[%arg1, %dma_wait3A, %dma_wait3A_35] : memref<16x162x128xi32, #tpu.memory_space<hbm>> -> memref<1x162x128xi32, #tpu.memory_space<hbm>>
      %dma_wait3A_37 = tpu.memref_squeeze %dma_wait3A_36 : memref<1x162x128xi32, #tpu.memory_space<hbm>> -> memref<162x128xi32, #tpu.memory_space<hbm>>
      %dma_wait3A_38 = arith.constant 0 : i32
      %dma_wait3A_39 = tpu.memref_slice %dma_wait3A_37[%mul3A_16, %dma_wait3A_38] : memref<162x128xi32, #tpu.memory_space<hbm>> -> memref<81x128xi32, #tpu.memory_space<hbm>>
      %dma_wait3A_40 = arith.constant 0 : i32
      %dma_wait3A_41 = arith.constant 0 : i32
      %dma_wait3A_42 = tpu.memref_slice %arg2[%arg1, %dma_wait3A_40, %dma_wait3A_41] : memref<16x162x128xi32, #tpu.memory_space<hbm>> -> memref<1x162x128xi32, #tpu.memory_space<hbm>>
      %dma_wait3A_43 = tpu.memref_squeeze %dma_wait3A_42 : memref<1x162x128xi32, #tpu.memory_space<hbm>> -> memref<162x128xi32, #tpu.memory_space<hbm>>
      %dma_wait3A_44 = arith.constant 0 : i32
      %dma_wait3A_45 = tpu.memref_slice %dma_wait3A_43[%mul3A_16, %dma_wait3A_44] : memref<162x128xi32, #tpu.memory_space<hbm>> -> memref<81x128xi32, #tpu.memory_space<hbm>>
      tpu.wait_dma2 semaphore(%run_scoped3A : memref<!tpu.dma_semaphore, #tpu.memory_space<semaphore_mem>>) src(%dma_wait3A_45 : memref<81x128xi32, #tpu.memory_space<hbm>>) dst(%arg5 : memref<81x128xi32, #tpu.memory_space<vmem>>)
      tpu.yield
    }) : () -> ()
    %scan3A_17 = arith.constant 0 : i32
    %scan3A_18 = arith.constant 0 : i32
    %scan3A_19 = arith.constant 81 : i32
    %scan3A_20 = arith.addi %scan3A_18, %scan3A_19 : i32
    %scan3A_21 = arith.constant 1 : i32
    scf.for %scan3A_24 = %scan3A_18 to %scan3A_20 step %scan3A_21  : i32 {
      "tpu.region"() ({
        %run_scoped3A = tpu.sem_alloc : memref<!tpu.dma_semaphore, #tpu.memory_space<semaphore_mem>>
        %dma_start3A = arith.constant 0 : i32
        %dma_start3A_25 = tpu.memref_slice %arg5[%scan3A_24, %dma_start3A] : memref<81x128xi32, #tpu.memory_space<vmem>> -> memref<1x128xi32, #tpu.memory_space<vmem>>
        %dma_start3A_26 = tpu.memref_squeeze %dma_start3A_25 : memref<1x128xi32, #tpu.memory_space<vmem>> -> memref<128xi32, #tpu.memory_space<vmem>>
        %dma_start3A_27 = arith.constant 0 : i32
        %dma_start3A_28 = arith.constant 0 : i32
        %dma_start3A_29 = tpu.memref_slice %arg8[%dma_start3A_27, %dma_start3A_28] : memref<10112x16xf32, #tpu.memory_space<vmem_shared>> -> memref<10112x16xf32, #tpu.memory_space<vmem_shared>>
        tpu.enqueue_indirect_dma source(%arg7 : memref<128x16xf32, #tpu.memory_space<vmem>>) target(%dma_start3A_29 : memref<10112x16xf32, #tpu.memory_space<vmem_shared>>) offsets(%dma_start3A_26 : memref<128xi32, #tpu.memory_space<vmem>>) semaphore(%run_scoped3A : memref<!tpu.dma_semaphore, #tpu.memory_space<semaphore_mem>>) {add = true}
        %dma_wait3A = arith.constant 0 : i32
        %dma_wait3A_30 = tpu.memref_slice %arg5[%scan3A_24, %dma_wait3A] : memref<81x128xi32, #tpu.memory_space<vmem>> -> memref<1x128xi32, #tpu.memory_space<vmem>>
        %dma_wait3A_31 = tpu.memref_squeeze %dma_wait3A_30 : memref<1x128xi32, #tpu.memory_space<vmem>> -> memref<128xi32, #tpu.memory_space<vmem>>
        %dma_wait3A_32 = arith.constant 0 : i32
        %dma_wait3A_33 = arith.constant 0 : i32
        %dma_wait3A_34 = tpu.memref_slice %arg8[%dma_wait3A_32, %dma_wait3A_33] : memref<10112x16xf32, #tpu.memory_space<vmem_shared>> -> memref<10112x16xf32, #tpu.memory_space<vmem_shared>>
        tpu.wait_indirect_dma semaphore(%run_scoped3A : memref<!tpu.dma_semaphore, #tpu.memory_space<semaphore_mem>>) src(%arg7 : memref<128x16xf32, #tpu.memory_space<vmem>>) dst(%dma_wait3A_34 : memref<10112x16xf32, #tpu.memory_space<vmem_shared>>)
        tpu.yield
      }) : () -> ()
    }
    %scan3A_22 = arith.constant 81 : i32
    %barrier3A_23 = arith.constant 0 : index
    tpu.barrier barrier_id(%barrier3A_23)
    "tpu.region"() ({
      %run_scoped3A = tpu.sem_alloc : memref<!tpu.dma_semaphore, #tpu.memory_space<semaphore_mem>>
      %dma_start3A = arith.constant 0 : i32
      %dma_start3A_24 = arith.constant 0 : i32
      %dma_start3A_25 = tpu.memref_slice %arg4[%arg0, %dma_start3A, %dma_start3A_24] : memref<2x10112x16xf32, #tpu.memory_space<hbm>> -> memref<1x10112x16xf32, #tpu.memory_space<hbm>>
      %dma_start3A_26 = tpu.memref_squeeze %dma_start3A_25 : memref<1x10112x16xf32, #tpu.memory_space<hbm>> -> memref<10112x16xf32, #tpu.memory_space<hbm>>
      %dma_start3A_27 = arith.constant 0 : i32
      %dma_start3A_28 = tpu.memref_slice %dma_start3A_26[%mul3A_0, %dma_start3A_27] : memref<10112x16xf32, #tpu.memory_space<hbm>> -> memref<632x16xf32, #tpu.memory_space<hbm>>
      %dma_start3A_29 = arith.constant 0 : i32
      %dma_start3A_30 = tpu.memref_slice %arg8[%mul3A_0, %dma_start3A_29] : memref<10112x16xf32, #tpu.memory_space<vmem_shared>> -> memref<632x16xf32, #tpu.memory_space<vmem_shared>>
      tpu.enqueue_dma source(%dma_start3A_30 : memref<632x16xf32, #tpu.memory_space<vmem_shared>>) target(%dma_start3A_28 : memref<632x16xf32, #tpu.memory_space<hbm>>) target_semaphore(%run_scoped3A : memref<!tpu.dma_semaphore, #tpu.memory_space<semaphore_mem>>)
      %dma_wait3A = arith.constant 0 : i32
      %dma_wait3A_31 = arith.constant 0 : i32
      %dma_wait3A_32 = tpu.memref_slice %arg4[%arg0, %dma_wait3A, %dma_wait3A_31] : memref<2x10112x16xf32, #tpu.memory_space<hbm>> -> memref<1x10112x16xf32, #tpu.memory_space<hbm>>
      %dma_wait3A_33 = tpu.memref_squeeze %dma_wait3A_32 : memref<1x10112x16xf32, #tpu.memory_space<hbm>> -> memref<10112x16xf32, #tpu.memory_space<hbm>>
      %dma_wait3A_34 = arith.constant 0 : i32
      %dma_wait3A_35 = tpu.memref_slice %dma_wait3A_33[%mul3A_0, %dma_wait3A_34] : memref<10112x16xf32, #tpu.memory_space<hbm>> -> memref<632x16xf32, #tpu.memory_space<hbm>>
      %dma_wait3A_36 = arith.constant 0 : i32
      %dma_wait3A_37 = tpu.memref_slice %arg8[%mul3A_0, %dma_wait3A_36] : memref<10112x16xf32, #tpu.memory_space<vmem_shared>> -> memref<632x16xf32, #tpu.memory_space<vmem_shared>>
      tpu.wait_dma2 semaphore(%run_scoped3A : memref<!tpu.dma_semaphore, #tpu.memory_space<semaphore_mem>>) src(%dma_wait3A_37 : memref<632x16xf32, #tpu.memory_space<vmem_shared>>) dst(%dma_wait3A_35 : memref<632x16xf32, #tpu.memory_space<hbm>>)
      tpu.yield
    }) : () -> ()
    return
  }
}

module attributes {stable_mosaic.version = 14 : i64} {
  func.func @body(%arg0: memref<5000x128xi32, #tpu.memory_space<vmem>>, %arg1: memref<16x162x128xi32, #tpu.memory_space<vmem>>, %arg2: memref<16x162x128xi32, #tpu.memory_space<vmem>>) attributes {dimension_semantics = [], scalar_prefetch = 0 : i64, scratch_operands = 0 : i64, tpu.core_type = #tpu.core_type<tc>} {
    %iota3A = tpu.iota {dimensions = array<i32: 0>} : vector<92x128xi32>
    %mul3A = arith.constant 128 : i32
    %mul3A_0 = vector.broadcast %mul3A : i32 to vector<92x128xi32>
    %mul3A_1 = arith.muli %iota3A, %mul3A_0 : vector<92x128xi32>
    %iota3A_2 = tpu.iota {dimensions = array<i32: 1>} : vector<92x128xi32>
    %add3A = arith.addi %mul3A_1, %iota3A_2 : vector<92x128xi32>
    %lt3A = arith.constant 10000 : i32
    %lt3A_3 = vector.broadcast %lt3A : i32 to vector<92x128xi32>
    %lt3A_4 = arith.cmpi slt, %add3A, %lt3A_3 : vector<92x128xi32>
    %jit3A = arith.constant 10000 : i32
    %broadcast_in_dim3A = vector.broadcast %jit3A : i32 to vector<92x128xi32>
    %select_n3A = arith.select %lt3A_4, %add3A, %broadcast_in_dim3A : vector<92x128xi1>, vector<92x128xi32>
    %get3A = arith.constant 0 : index
    %get3A_5 = arith.constant 0 : index
    %get3A_6 = vector.load %arg0[%get3A, %get3A_5] : memref<5000x128xi32, #tpu.memory_space<vmem>>, vector<2500x128xi32>
    %concatenate3A = tpu.concatenate %get3A_6, %select_n3A in 0 : vector<2500x128xi32>, vector<92x128xi32> -> vector<2592x128xi32>
    %get3A_7 = arith.constant 2500 : index
    %get3A_8 = arith.constant 0 : index
    %get3A_9 = vector.load %arg0[%get3A_7, %get3A_8] : memref<5000x128xi32, #tpu.memory_space<vmem>>, vector<2500x128xi32>
    %concatenate3A_10 = tpu.concatenate %get3A_9, %select_n3A in 0 : vector<2500x128xi32>, vector<92x128xi32> -> vector<2592x128xi32>
    %reshape3A = vector.shape_cast %concatenate3A : vector<2592x128xi32> to vector<16x162x128xi32>
    %swap3A = arith.constant 0 : index
    %swap3A_11 = arith.constant 0 : index
    %swap3A_12 = arith.constant 0 : index
    %swap3A_13 = vector.load %arg1[%swap3A, %swap3A_11, %swap3A_12] : memref<16x162x128xi32, #tpu.memory_space<vmem>>, vector<16x162x128xi32>
    tpu.vector_store %arg1[%swap3A, %swap3A_11, %swap3A_12], %reshape3A {strides = array<i32>} : memref<16x162x128xi32, #tpu.memory_space<vmem>>, vector<16x162x128xi32>,
    %reshape3A_14 = vector.shape_cast %concatenate3A_10 : vector<2592x128xi32> to vector<16x162x128xi32>
    %swap3A_15 = arith.constant 0 : index
    %swap3A_16 = arith.constant 0 : index
    %swap3A_17 = arith.constant 0 : index
    %swap3A_18 = vector.load %arg2[%swap3A_15, %swap3A_16, %swap3A_17] : memref<16x162x128xi32, #tpu.memory_space<vmem>>, vector<16x162x128xi32>
    tpu.vector_store %arg2[%swap3A_15, %swap3A_16, %swap3A_17], %reshape3A_14 {strides = array<i32>} : memref<16x162x128xi32, #tpu.memory_space<vmem>>, vector<16x162x128xi32>,
    return
  }
}

module attributes {stable_mosaic.version = 14 : i64} {
  func.func @body(%arg0: memref<10000x131xf32, #tpu.memory_space<vmem>>, %arg1: memref<131x128xf32, #tpu.memory_space<vmem>>, %arg2: memref<2x10112x16xf32, #tpu.memory_space<vmem>>, %arg3: memref<2x10112x64xf32, #tpu.memory_space<vmem>>) attributes {dimension_semantics = [], scalar_prefetch = 0 : i64, scratch_operands = 0 : i64, tpu.core_type = #tpu.core_type<tc>} {
    %get3A = arith.constant 0 : index
    %get3A_0 = arith.constant 0 : index
    %get3A_1 = arith.constant 0 : index
    %get3A_2 = vector.load %arg2[%get3A, %get3A_0, %get3A_1] : memref<2x10112x16xf32, #tpu.memory_space<vmem>>, vector<1x10112x1xf32>
    %get3A_3 = vector.shape_cast %get3A_2 : vector<1x10112x1xf32> to vector<10112x1xf32>
    %get3A_4 = arith.constant 1 : index
    %get3A_5 = arith.constant 0 : index
    %get3A_6 = arith.constant 0 : index
    %get3A_7 = vector.load %arg2[%get3A_4, %get3A_5, %get3A_6] : memref<2x10112x16xf32, #tpu.memory_space<vmem>>, vector<1x10112x1xf32>
    %get3A_8 = vector.shape_cast %get3A_7 : vector<1x10112x1xf32> to vector<10112x1xf32>
    %add3A = arith.addf %get3A_3, %get3A_8 : vector<10112x1xf32>
    %max3A = arith.constant 9.99999996E-13 : f32
    %max3A_9 = vector.broadcast %max3A : f32 to vector<10112x1xf32>
    %max3A_10 = arith.maximumf %add3A, %max3A_9 : vector<10112x1xf32>
    %rsqrt3A = math.rsqrt %max3A_10 : vector<10112x1xf32>
    %get3A_11 = arith.constant 0 : index
    %get3A_12 = arith.constant 0 : index
    %get3A_13 = vector.load %arg0[%get3A_11, %get3A_12] : memref<10000x131xf32, #tpu.memory_space<vmem>>, vector<10000x131xf32>
    %get3A_14 = arith.constant 0 : index
    %get3A_15 = arith.constant 0 : index
    %get3A_16 = vector.load %arg1[%get3A_14, %get3A_15] : memref<131x128xf32, #tpu.memory_space<vmem>>, vector<131x128xf32>
    %dot_general3A = arith.constant dense<0.000000e+00> : vector<10000x128xf32>
    %dot_general3A_17 = tpu.matmul %get3A_13, %get3A_16, %dot_general3A {dimension_numbers = #tpu.dot_dimension_numbers<[1], [0], [0], [1], [0, 0, 1, 1], [], []>, transpose_lhs_hint = false} : vector<10000x131xf32>, vector<131x128xf32>, vector<10000x128xf32> -> vector<10000x128xf32>
    %slice3A = vector.extract_strided_slice %rsqrt3A {offsets = [0, 0], sizes = [10000, 1], strides = [1, 1]} : vector<10112x1xf32> to vector<10000x1xf32>
    %mul3A = vector.broadcast %slice3A : vector<10000x1xf32> to vector<10000x128xf32>
    %mul3A_18 = arith.mulf %dot_general3A_17, %mul3A : vector<10000x128xf32>
    %slice3A_19 = vector.extract_strided_slice %mul3A_18 {offsets = [0, 0], sizes = [10000, 64], strides = [1, 1]} : vector<10000x128xf32> to vector<10000x64xf32>
    %swap3A = arith.constant 0 : index
    %swap3A_20 = arith.constant 0 : index
    %swap3A_21 = arith.constant 0 : index
    %swap3A_22 = vector.load %arg3[%swap3A, %swap3A_20, %swap3A_21] : memref<2x10112x64xf32, #tpu.memory_space<vmem>>, vector<1x10000x64xf32>
    %swap3A_23 = vector.shape_cast %swap3A_22 : vector<1x10000x64xf32> to vector<10000x64xf32>
    %swap3A_24 = vector.shape_cast %slice3A_19 : vector<10000x64xf32> to vector<1x10000x64xf32>
    tpu.vector_store %arg3[%swap3A, %swap3A_20, %swap3A_21], %swap3A_24 {strides = array<i32>} : memref<2x10112x64xf32, #tpu.memory_space<vmem>>, vector<1x10000x64xf32>,
    %broadcast_in_dim3A = arith.constant 0.000000e+00 : f32
    %broadcast_in_dim3A_25 = vector.broadcast %broadcast_in_dim3A : f32 to vector<112x64xf32>
    %swap3A_26 = arith.constant 0 : index
    %swap3A_27 = arith.constant 10000 : index
    %swap3A_28 = arith.constant 0 : index
    %swap3A_29 = vector.load %arg3[%swap3A_26, %swap3A_27, %swap3A_28] : memref<2x10112x64xf32, #tpu.memory_space<vmem>>, vector<1x112x64xf32>
    %swap3A_30 = vector.shape_cast %swap3A_29 : vector<1x112x64xf32> to vector<112x64xf32>
    %swap3A_31 = vector.shape_cast %broadcast_in_dim3A_25 : vector<112x64xf32> to vector<1x112x64xf32>
    tpu.vector_store %arg3[%swap3A_26, %swap3A_27, %swap3A_28], %swap3A_31 {strides = array<i32>} : memref<2x10112x64xf32, #tpu.memory_space<vmem>>, vector<1x112x64xf32>,
    %slice3A_32 = vector.extract_strided_slice %mul3A_18 {offsets = [0, 64], sizes = [10000, 64], strides = [1, 1]} : vector<10000x128xf32> to vector<10000x64xf32>
    %swap3A_33 = arith.constant 1 : index
    %swap3A_34 = arith.constant 0 : index
    %swap3A_35 = arith.constant 0 : index
    %swap3A_36 = vector.load %arg3[%swap3A_33, %swap3A_34, %swap3A_35] : memref<2x10112x64xf32, #tpu.memory_space<vmem>>, vector<1x10000x64xf32>
    %swap3A_37 = vector.shape_cast %swap3A_36 : vector<1x10000x64xf32> to vector<10000x64xf32>
    %swap3A_38 = vector.shape_cast %slice3A_32 : vector<10000x64xf32> to vector<1x10000x64xf32>
    tpu.vector_store %arg3[%swap3A_33, %swap3A_34, %swap3A_35], %swap3A_38 {strides = array<i32>} : memref<2x10112x64xf32, #tpu.memory_space<vmem>>, vector<1x10000x64xf32>,
    %broadcast_in_dim3A_39 = arith.constant 0.000000e+00 : f32
    %broadcast_in_dim3A_40 = vector.broadcast %broadcast_in_dim3A_39 : f32 to vector<112x64xf32>
    %swap3A_41 = arith.constant 1 : index
    %swap3A_42 = arith.constant 10000 : index
    %swap3A_43 = arith.constant 0 : index
    %swap3A_44 = vector.load %arg3[%swap3A_41, %swap3A_42, %swap3A_43] : memref<2x10112x64xf32, #tpu.memory_space<vmem>>, vector<1x112x64xf32>
    %swap3A_45 = vector.shape_cast %swap3A_44 : vector<1x112x64xf32> to vector<112x64xf32>
    %swap3A_46 = vector.shape_cast %broadcast_in_dim3A_40 : vector<112x64xf32> to vector<1x112x64xf32>
    tpu.vector_store %arg3[%swap3A_41, %swap3A_42, %swap3A_43], %swap3A_46 {strides = array<i32>} : memref<2x10112x64xf32, #tpu.memory_space<vmem>>, vector<1x112x64xf32>,
    return
  }
}

module attributes {stable_mosaic.version = 14 : i64} {
  func.func @_tc_layer2(%arg0: memref<2x10112x64xf32, #tpu.memory_space<vmem>>, %arg1: memref<2x10112x16xf32, #tpu.memory_space<vmem>>, %arg2: memref<128x64xf32, #tpu.memory_space<vmem>>, %arg3: memref<1x128xf32, #tpu.memory_space<vmem>>, %arg4: memref<2x10112x32xf32, #tpu.memory_space<vmem>>) attributes {dimension_semantics = [], scalar_prefetch = 0 : i64, scratch_operands = 0 : i64, tpu.core_type = #tpu.core_type<tc>} {
    %get3A = arith.constant 0 : index
    %get3A_0 = arith.constant 0 : index
    %get3A_1 = arith.constant 0 : index
    %get3A_2 = vector.load %arg1[%get3A, %get3A_0, %get3A_1] : memref<2x10112x16xf32, #tpu.memory_space<vmem>>, vector<1x10112x1xf32>
    %get3A_3 = vector.shape_cast %get3A_2 : vector<1x10112x1xf32> to vector<10112x1xf32>
    %get3A_4 = arith.constant 1 : index
    %get3A_5 = arith.constant 0 : index
    %get3A_6 = arith.constant 0 : index
    %get3A_7 = vector.load %arg1[%get3A_4, %get3A_5, %get3A_6] : memref<2x10112x16xf32, #tpu.memory_space<vmem>>, vector<1x10112x1xf32>
    %get3A_8 = vector.shape_cast %get3A_7 : vector<1x10112x1xf32> to vector<10112x1xf32>
    %add3A = arith.addf %get3A_3, %get3A_8 : vector<10112x1xf32>
    %max3A = arith.constant 9.99999996E-13 : f32
    %max3A_9 = vector.broadcast %max3A : f32 to vector<10112x1xf32>
    %max3A_10 = arith.maximumf %add3A, %max3A_9 : vector<10112x1xf32>
    %rsqrt3A = math.rsqrt %max3A_10 : vector<10112x1xf32>
    %get3A_11 = arith.constant 0 : index
    %get3A_12 = arith.constant 0 : index
    %get3A_13 = arith.constant 0 : index
    %get3A_14 = vector.load %arg0[%get3A_11, %get3A_12, %get3A_13] : memref<2x10112x64xf32, #tpu.memory_space<vmem>>, vector<1x10112x64xf32>
    %get3A_15 = vector.shape_cast %get3A_14 : vector<1x10112x64xf32> to vector<10112x64xf32>
    %mul3A = vector.broadcast %rsqrt3A : vector<10112x1xf32> to vector<10112x64xf32>
    %mul3A_16 = arith.mulf %mul3A, %get3A_15 : vector<10112x64xf32>
    %get3A_17 = arith.constant 0 : index
    %get3A_18 = arith.constant 0 : index
    %get3A_19 = vector.load %arg3[%get3A_17, %get3A_18] : memref<1x128xf32, #tpu.memory_space<vmem>>, vector<1x64xf32>
    %add3A_20 = vector.broadcast %get3A_19 : vector<1x64xf32> to vector<10112x64xf32>
    %add3A_21 = arith.addf %mul3A_16, %add3A_20 : vector<10112x64xf32>
    %max3A_22 = arith.constant 0.000000e+00 : f32
    %max3A_23 = vector.broadcast %max3A_22 : f32 to vector<10112x64xf32>
    %max3A_24 = arith.maximumf %add3A_21, %max3A_23 : vector<10112x64xf32>
    %get3A_25 = arith.constant 1 : index
    %get3A_26 = arith.constant 0 : index
    %get3A_27 = arith.constant 0 : index
    %get3A_28 = vector.load %arg0[%get3A_25, %get3A_26, %get3A_27] : memref<2x10112x64xf32, #tpu.memory_space<vmem>>, vector<1x10112x64xf32>
    %get3A_29 = vector.shape_cast %get3A_28 : vector<1x10112x64xf32> to vector<10112x64xf32>
    %mul3A_30 = vector.broadcast %rsqrt3A : vector<10112x1xf32> to vector<10112x64xf32>
    %mul3A_31 = arith.mulf %mul3A_30, %get3A_29 : vector<10112x64xf32>
    %get3A_32 = arith.constant 0 : index
    %get3A_33 = arith.constant 64 : index
    %get3A_34 = vector.load %arg3[%get3A_32, %get3A_33] : memref<1x128xf32, #tpu.memory_space<vmem>>, vector<1x64xf32>
    %add3A_35 = vector.broadcast %get3A_34 : vector<1x64xf32> to vector<10112x64xf32>
    %add3A_36 = arith.addf %mul3A_31, %add3A_35 : vector<10112x64xf32>
    %max3A_37 = arith.constant 0.000000e+00 : f32
    %max3A_38 = vector.broadcast %max3A_37 : f32 to vector<10112x64xf32>
    %max3A_39 = arith.maximumf %add3A_36, %max3A_38 : vector<10112x64xf32>
    %get3A_40 = arith.constant 0 : index
    %get3A_41 = arith.constant 0 : index
    %get3A_42 = vector.load %arg2[%get3A_40, %get3A_41] : memref<128x64xf32, #tpu.memory_space<vmem>>, vector<64x64xf32>
    %dot_general3A = arith.constant dense<0.000000e+00> : vector<10112x64xf32>
    %dot_general3A_43 = tpu.matmul %max3A_24, %get3A_42, %dot_general3A {dimension_numbers = #tpu.dot_dimension_numbers<[1], [0], [0], [1], [0, 0, 1, 1], [], []>, transpose_lhs_hint = false} : vector<10112x64xf32>, vector<64x64xf32>, vector<10112x64xf32> -> vector<10112x64xf32>
    %get3A_44 = arith.constant 64 : index
    %get3A_45 = arith.constant 0 : index
    %get3A_46 = vector.load %arg2[%get3A_44, %get3A_45] : memref<128x64xf32, #tpu.memory_space<vmem>>, vector<64x64xf32>
    %dot_general3A_47 = arith.constant dense<0.000000e+00> : vector<10112x64xf32>
    %dot_general3A_48 = tpu.matmul %max3A_39, %get3A_46, %dot_general3A_47 {dimension_numbers = #tpu.dot_dimension_numbers<[1], [0], [0], [1], [0, 0, 1, 1], [], []>, transpose_lhs_hint = false} : vector<10112x64xf32>, vector<64x64xf32>, vector<10112x64xf32> -> vector<10112x64xf32>
    %add3A_49 = arith.addf %dot_general3A_43, %dot_general3A_48 : vector<10112x64xf32>
    %mul3A_50 = vector.broadcast %rsqrt3A : vector<10112x1xf32> to vector<10112x64xf32>
    %mul3A_51 = arith.mulf %add3A_49, %mul3A_50 : vector<10112x64xf32>
    %slice3A = vector.extract_strided_slice %mul3A_51 {offsets = [0, 0], sizes = [10112, 32], strides = [1, 1]} : vector<10112x64xf32> to vector<10112x32xf32>
    %swap3A = arith.constant 0 : index
    %swap3A_52 = arith.constant 0 : index
    %swap3A_53 = arith.constant 0 : index
    %swap3A_54 = vector.load %arg4[%swap3A, %swap3A_52, %swap3A_53] : memref<2x10112x32xf32, #tpu.memory_space<vmem>>, vector<1x10112x32xf32>
    %swap3A_55 = vector.shape_cast %swap3A_54 : vector<1x10112x32xf32> to vector<10112x32xf32>
    %swap3A_56 = vector.shape_cast %slice3A : vector<10112x32xf32> to vector<1x10112x32xf32>
    tpu.vector_store %arg4[%swap3A, %swap3A_52, %swap3A_53], %swap3A_56 {strides = array<i32>} : memref<2x10112x32xf32, #tpu.memory_space<vmem>>, vector<1x10112x32xf32>,
    %slice3A_57 = vector.extract_strided_slice %mul3A_51 {offsets = [0, 32], sizes = [10112, 32], strides = [1, 1]} : vector<10112x64xf32> to vector<10112x32xf32>
    %swap3A_58 = arith.constant 1 : index
    %swap3A_59 = arith.constant 0 : index
    %swap3A_60 = arith.constant 0 : index
    %swap3A_61 = vector.load %arg4[%swap3A_58, %swap3A_59, %swap3A_60] : memref<2x10112x32xf32, #tpu.memory_space<vmem>>, vector<1x10112x32xf32>
    %swap3A_62 = vector.shape_cast %swap3A_61 : vector<1x10112x32xf32> to vector<10112x32xf32>
    %swap3A_63 = vector.shape_cast %slice3A_57 : vector<10112x32xf32> to vector<1x10112x32xf32>
    tpu.vector_store %arg4[%swap3A_58, %swap3A_59, %swap3A_60], %swap3A_63 {strides = array<i32>} : memref<2x10112x32xf32, #tpu.memory_space<vmem>>, vector<1x10112x32xf32>,
    return
  }
}

module attributes {stable_mosaic.version = 14 : i64} {
  func.func @body(%arg0: memref<2x10112x32xf32, #tpu.memory_space<vmem>>, %arg1: memref<2x10112x16xf32, #tpu.memory_space<vmem>>, %arg2: memref<1x10000xi32, #tpu.memory_space<vmem>>, %arg3: memref<256x11xf32, #tpu.memory_space<vmem>>, %arg4: memref<1x64xf32, #tpu.memory_space<vmem>>, %arg5: memref<75x2048xf32, #tpu.memory_space<vmem>>, %arg6: memref<1x2048xf32, #tpu.memory_space<vmem>>, %arg7: memref<2048x1024xf32, #tpu.memory_space<vmem>>, %arg8: memref<1x1024xf32, #tpu.memory_space<vmem>>, %arg9: memref<1024x128xf32, #tpu.memory_space<vmem>>, %arg10: memref<1x128xf32, #tpu.memory_space<vmem>>, %arg11: memref<6x128x32xf32, #tpu.memory_space<vmem>>, %arg12: memref<6x32xf32, #tpu.memory_space<vmem>>, %arg13: memref<6x32x1xf32, #tpu.memory_space<vmem>>, %arg14: memref<6x1xf32, #tpu.memory_space<vmem>>, %arg15: memref<256x6xf32, #tpu.memory_space<vmem>>) attributes {dimension_semantics = [], scalar_prefetch = 0 : i64, scratch_operands = 0 : i64, tpu.core_type = #tpu.core_type<tc>} {
    %get3A = arith.constant 0 : index
    %get3A_0 = arith.constant 0 : index
    %get3A_1 = arith.constant 0 : index
    %get3A_2 = vector.load %arg1[%get3A, %get3A_0, %get3A_1] : memref<2x10112x16xf32, #tpu.memory_space<vmem>>, vector<1x10112x1xf32>
    %get3A_3 = vector.shape_cast %get3A_2 : vector<1x10112x1xf32> to vector<10112x1xf32>
    %get3A_4 = arith.constant 1 : index
    %get3A_5 = arith.constant 0 : index
    %get3A_6 = arith.constant 0 : index
    %get3A_7 = vector.load %arg1[%get3A_4, %get3A_5, %get3A_6] : memref<2x10112x16xf32, #tpu.memory_space<vmem>>, vector<1x10112x1xf32>
    %get3A_8 = vector.shape_cast %get3A_7 : vector<1x10112x1xf32> to vector<10112x1xf32>
    %add3A = arith.addf %get3A_3, %get3A_8 : vector<10112x1xf32>
    %max3A = arith.constant 9.99999996E-13 : f32
    %max3A_9 = vector.broadcast %max3A : f32 to vector<10112x1xf32>
    %max3A_10 = arith.maximumf %add3A, %max3A_9 : vector<10112x1xf32>
    %rsqrt3A = math.rsqrt %max3A_10 : vector<10112x1xf32>
    %slice3A = vector.extract_strided_slice %rsqrt3A {offsets = [0, 0], sizes = [10000, 1], strides = [1, 1]} : vector<10112x1xf32> to vector<10000x1xf32>
    %get3A_11 = arith.constant 0 : index
    %get3A_12 = arith.constant 0 : index
    %get3A_13 = arith.constant 0 : index
    %get3A_14 = vector.load %arg0[%get3A_11, %get3A_12, %get3A_13] : memref<2x10112x32xf32, #tpu.memory_space<vmem>>, vector<1x10000x32xf32>
    %get3A_15 = vector.shape_cast %get3A_14 : vector<1x10000x32xf32> to vector<10000x32xf32>
    %mul3A = vector.broadcast %slice3A : vector<10000x1xf32> to vector<10000x32xf32>
    %mul3A_16 = arith.mulf %mul3A, %get3A_15 : vector<10000x32xf32>
    %get3A_17 = arith.constant 1 : index
    %get3A_18 = arith.constant 0 : index
    %get3A_19 = arith.constant 0 : index
    %get3A_20 = vector.load %arg0[%get3A_17, %get3A_18, %get3A_19] : memref<2x10112x32xf32, #tpu.memory_space<vmem>>, vector<1x10000x32xf32>
    %get3A_21 = vector.shape_cast %get3A_20 : vector<1x10000x32xf32> to vector<10000x32xf32>
    %mul3A_22 = vector.broadcast %slice3A : vector<10000x1xf32> to vector<10000x32xf32>
    %mul3A_23 = arith.mulf %mul3A_22, %get3A_21 : vector<10000x32xf32>
    %iota3A = tpu.iota {dimensions = array<i32: 0>} : vector<256x10000xi32>
    %get3A_24 = arith.constant 0 : index
    %get3A_25 = arith.constant 0 : index
    %get3A_26 = vector.load %arg2[%get3A_24, %get3A_25] : memref<1x10000xi32, #tpu.memory_space<vmem>>, vector<1x10000xi32>
    %eq3A = vector.broadcast %get3A_26 : vector<1x10000xi32> to vector<256x10000xi32>
    %eq3A_27 = arith.cmpi eq, %eq3A, %iota3A : vector<256x10000xi32>
    %convert_element_type3A = arith.extui %eq3A_27 : vector<256x10000xi1> to vector<256x10000xi32>
    %convert_element_type3A_28 = arith.sitofp %convert_element_type3A : vector<256x10000xi32> to vector<256x10000xf32>
    %reduce_sum3A = arith.constant dense<0.000000e+00> : vector<256xf32>
    %reduce_sum3A_29 = vector.multi_reduction <add>, %convert_element_type3A_28, %reduce_sum3A [1] : vector<256x10000xf32> to vector<256xf32>
    %broadcast_in_dim3A = vector.shape_cast %reduce_sum3A_29 : vector<256xf32> to vector<256x1xf32>
    %dot_general3A = arith.constant dense<0.000000e+00> : vector<256x32xf32>
    %dot_general3A_30 = tpu.matmul %convert_element_type3A_28, %mul3A_16, %dot_general3A {dimension_numbers = #tpu.dot_dimension_numbers<[1], [0], [0], [1], [0, 0, 1, 1], [], []>, transpose_lhs_hint = false} : vector<256x10000xf32>, vector<10000x32xf32>, vector<256x32xf32> -> vector<256x32xf32>
    %get3A_31 = arith.constant 0 : index
    %get3A_32 = arith.constant 0 : index
    %get3A_33 = vector.load %arg4[%get3A_31, %get3A_32] : memref<1x64xf32, #tpu.memory_space<vmem>>, vector<1x32xf32>
    %mul3A_34 = vector.broadcast %broadcast_in_dim3A : vector<256x1xf32> to vector<256x32xf32>
    %mul3A_35 = vector.broadcast %get3A_33 : vector<1x32xf32> to vector<256x32xf32>
    %mul3A_36 = arith.mulf %mul3A_34, %mul3A_35 : vector<256x32xf32>
    %add3A_37 = arith.addf %dot_general3A_30, %mul3A_36 : vector<256x32xf32>
    %dot_general3A_38 = arith.constant dense<0.000000e+00> : vector<256x32xf32>
    %dot_general3A_39 = tpu.matmul %convert_element_type3A_28, %mul3A_23, %dot_general3A_38 {dimension_numbers = #tpu.dot_dimension_numbers<[1], [0], [0], [1], [0, 0, 1, 1], [], []>, transpose_lhs_hint = false} : vector<256x10000xf32>, vector<10000x32xf32>, vector<256x32xf32> -> vector<256x32xf32>
    %get3A_40 = arith.constant 0 : index
    %get3A_41 = arith.constant 32 : index
    %get3A_42 = vector.load %arg4[%get3A_40, %get3A_41] : memref<1x64xf32, #tpu.memory_space<vmem>>, vector<1x32xf32>
    %mul3A_43 = vector.broadcast %broadcast_in_dim3A : vector<256x1xf32> to vector<256x32xf32>
    %mul3A_44 = vector.broadcast %get3A_42 : vector<1x32xf32> to vector<256x32xf32>
    %mul3A_45 = arith.mulf %mul3A_43, %mul3A_44 : vector<256x32xf32>
    %add3A_46 = arith.addf %dot_general3A_39, %mul3A_45 : vector<256x32xf32>
    %get3A_47 = arith.constant 0 : index
    %get3A_48 = arith.constant 0 : index
    %get3A_49 = vector.load %arg5[%get3A_47, %get3A_48] : memref<75x2048xf32, #tpu.memory_space<vmem>>, vector<32x2048xf32>
    %dot_general3A_50 = arith.constant dense<0.000000e+00> : vector<256x2048xf32>
    %dot_general3A_51 = tpu.matmul %add3A_37, %get3A_49, %dot_general3A_50 {dimension_numbers = #tpu.dot_dimension_numbers<[1], [0], [0], [1], [0, 0, 1, 1], [], []>, transpose_lhs_hint = false} : vector<256x32xf32>, vector<32x2048xf32>, vector<256x2048xf32> -> vector<256x2048xf32>
    %get3A_52 = arith.constant 32 : index
    %get3A_53 = arith.constant 0 : index
    %get3A_54 = vector.load %arg5[%get3A_52, %get3A_53] : memref<75x2048xf32, #tpu.memory_space<vmem>>, vector<32x2048xf32>
    %dot_general3A_55 = arith.constant dense<0.000000e+00> : vector<256x2048xf32>
    %dot_general3A_56 = tpu.matmul %add3A_46, %get3A_54, %dot_general3A_55 {dimension_numbers = #tpu.dot_dimension_numbers<[1], [0], [0], [1], [0, 0, 1, 1], [], []>, transpose_lhs_hint = false} : vector<256x32xf32>, vector<32x2048xf32>, vector<256x2048xf32> -> vector<256x2048xf32>
    %add3A_57 = arith.addf %dot_general3A_51, %dot_general3A_56 : vector<256x2048xf32>
    %get3A_58 = arith.constant 0 : index
    %get3A_59 = arith.constant 0 : index
    %get3A_60 = vector.load %arg3[%get3A_58, %get3A_59] : memref<256x11xf32, #tpu.memory_space<vmem>>, vector<256x11xf32>
    %get3A_61 = arith.constant 64 : index
    %get3A_62 = arith.constant 0 : index
    %get3A_63 = vector.load %arg5[%get3A_61, %get3A_62] : memref<75x2048xf32, #tpu.memory_space<vmem>>, vector<11x2048xf32>
    %dot_general3A_64 = arith.constant dense<0.000000e+00> : vector<256x2048xf32>
    %dot_general3A_65 = tpu.matmul %get3A_60, %get3A_63, %dot_general3A_64 {dimension_numbers = #tpu.dot_dimension_numbers<[1], [0], [0], [1], [0, 0, 1, 1], [], []>, transpose_lhs_hint = false} : vector<256x11xf32>, vector<11x2048xf32>, vector<256x2048xf32> -> vector<256x2048xf32>
    %add3A_66 = arith.addf %add3A_57, %dot_general3A_65 : vector<256x2048xf32>
    %get3A_67 = arith.constant 0 : index
    %get3A_68 = arith.constant 0 : index
    %get3A_69 = vector.load %arg6[%get3A_67, %get3A_68] : memref<1x2048xf32, #tpu.memory_space<vmem>>, vector<1x2048xf32>
    %add3A_70 = vector.broadcast %get3A_69 : vector<1x2048xf32> to vector<256x2048xf32>
    %add3A_71 = arith.addf %add3A_66, %add3A_70 : vector<256x2048xf32>
    %max3A_72 = arith.constant 0.000000e+00 : f32
    %max3A_73 = vector.broadcast %max3A_72 : f32 to vector<256x2048xf32>
    %max3A_74 = arith.maximumf %add3A_71, %max3A_73 : vector<256x2048xf32>
    %get3A_75 = arith.constant 0 : index
    %get3A_76 = arith.constant 0 : index
    %get3A_77 = vector.load %arg7[%get3A_75, %get3A_76] : memref<2048x1024xf32, #tpu.memory_space<vmem>>, vector<2048x1024xf32>
    %dot_general3A_78 = arith.constant dense<0.000000e+00> : vector<256x1024xf32>
    %dot_general3A_79 = tpu.matmul %max3A_74, %get3A_77, %dot_general3A_78 {dimension_numbers = #tpu.dot_dimension_numbers<[1], [0], [0], [1], [0, 0, 1, 1], [], []>, transpose_lhs_hint = false} : vector<256x2048xf32>, vector<2048x1024xf32>, vector<256x1024xf32> -> vector<256x1024xf32>
    %get3A_80 = arith.constant 0 : index
    %get3A_81 = arith.constant 0 : index
    %get3A_82 = vector.load %arg8[%get3A_80, %get3A_81] : memref<1x1024xf32, #tpu.memory_space<vmem>>, vector<1x1024xf32>
    %add3A_83 = vector.broadcast %get3A_82 : vector<1x1024xf32> to vector<256x1024xf32>
    %add3A_84 = arith.addf %dot_general3A_79, %add3A_83 : vector<256x1024xf32>
    %max3A_85 = arith.constant 0.000000e+00 : f32
    %max3A_86 = vector.broadcast %max3A_85 : f32 to vector<256x1024xf32>
    %max3A_87 = arith.maximumf %add3A_84, %max3A_86 : vector<256x1024xf32>
    %get3A_88 = arith.constant 0 : index
    %get3A_89 = arith.constant 0 : index
    %get3A_90 = vector.load %arg9[%get3A_88, %get3A_89] : memref<1024x128xf32, #tpu.memory_space<vmem>>, vector<1024x128xf32>
    %dot_general3A_91 = arith.constant dense<0.000000e+00> : vector<256x128xf32>
    %dot_general3A_92 = tpu.matmul %max3A_87, %get3A_90, %dot_general3A_91 {dimension_numbers = #tpu.dot_dimension_numbers<[1], [0], [0], [1], [0, 0, 1, 1], [], []>, transpose_lhs_hint = false} : vector<256x1024xf32>, vector<1024x128xf32>, vector<256x128xf32> -> vector<256x128xf32>
    %get3A_93 = arith.constant 0 : index
    %get3A_94 = arith.constant 0 : index
    %get3A_95 = vector.load %arg10[%get3A_93, %get3A_94] : memref<1x128xf32, #tpu.memory_space<vmem>>, vector<1x128xf32>
    %add3A_96 = vector.broadcast %get3A_95 : vector<1x128xf32> to vector<256x128xf32>
    %add3A_97 = arith.addf %dot_general3A_92, %add3A_96 : vector<256x128xf32>
    %max3A_98 = arith.constant 0.000000e+00 : f32
    %max3A_99 = vector.broadcast %max3A_98 : f32 to vector<256x128xf32>
    %max3A_100 = arith.maximumf %add3A_97, %max3A_99 : vector<256x128xf32>
    %get3A_101 = arith.constant 0 : index
    %get3A_102 = arith.constant 0 : index
    %get3A_103 = arith.constant 0 : index
    %get3A_104 = vector.load %arg11[%get3A_101, %get3A_102, %get3A_103] : memref<6x128x32xf32, #tpu.memory_space<vmem>>, vector<1x128x32xf32>
    %get3A_105 = vector.shape_cast %get3A_104 : vector<1x128x32xf32> to vector<128x32xf32>
    %dot_general3A_106 = arith.constant dense<0.000000e+00> : vector<256x32xf32>
    %dot_general3A_107 = tpu.matmul %max3A_100, %get3A_105, %dot_general3A_106 {dimension_numbers = #tpu.dot_dimension_numbers<[1], [0], [0], [1], [0, 0, 1, 1], [], []>, transpose_lhs_hint = false} : vector<256x128xf32>, vector<128x32xf32>, vector<256x32xf32> -> vector<256x32xf32>
    %get3A_108 = arith.constant 0 : index
    %get3A_109 = arith.constant 0 : index
    %get3A_110 = vector.load %arg12[%get3A_108, %get3A_109] : memref<6x32xf32, #tpu.memory_space<vmem>>, vector<1x32xf32>
    %add3A_111 = vector.broadcast %get3A_110 : vector<1x32xf32> to vector<256x32xf32>
    %add3A_112 = arith.addf %dot_general3A_107, %add3A_111 : vector<256x32xf32>
    %max3A_113 = arith.constant 0.000000e+00 : f32
    %max3A_114 = vector.broadcast %max3A_113 : f32 to vector<256x32xf32>
    %max3A_115 = arith.maximumf %add3A_112, %max3A_114 : vector<256x32xf32>
    %get3A_116 = arith.constant 0 : index
    %get3A_117 = arith.constant 0 : index
    %get3A_118 = arith.constant 0 : index
    %get3A_119 = vector.load %arg13[%get3A_116, %get3A_117, %get3A_118] : memref<6x32x1xf32, #tpu.memory_space<vmem>>, vector<1x32x1xf32>
    %get3A_120 = vector.shape_cast %get3A_119 : vector<1x32x1xf32> to vector<32x1xf32>
    %dot_general3A_121 = arith.constant dense<0.000000e+00> : vector<256x1xf32>
    %dot_general3A_122 = tpu.matmul %max3A_115, %get3A_120, %dot_general3A_121 {dimension_numbers = #tpu.dot_dimension_numbers<[1], [0], [0], [1], [0, 0, 1, 1], [], []>, transpose_lhs_hint = false} : vector<256x32xf32>, vector<32x1xf32>, vector<256x1xf32> -> vector<256x1xf32>
    %get3A_123 = arith.constant 0 : index
    %get3A_124 = arith.constant 0 : index
    %get3A_125 = vector.load %arg14[%get3A_123, %get3A_124] : memref<6x1xf32, #tpu.memory_space<vmem>>, vector<1x1xf32>
    %add3A_126 = vector.broadcast %get3A_125 : vector<1x1xf32> to vector<256x1xf32>
    %add3A_127 = arith.addf %dot_general3A_122, %add3A_126 : vector<256x1xf32>
    %swap3A = arith.constant 0 : index
    %swap3A_128 = arith.constant 0 : index
    %swap3A_129 = vector.load %arg15[%swap3A, %swap3A_128] : memref<256x6xf32, #tpu.memory_space<vmem>>, vector<256x1xf32>
    tpu.vector_store %arg15[%swap3A, %swap3A_128], %add3A_127 {strides = array<i32>} : memref<256x6xf32, #tpu.memory_space<vmem>>, vector<256x1xf32>,
    %get3A_130 = arith.constant 1 : index
    %get3A_131 = arith.constant 0 : index
    %get3A_132 = arith.constant 0 : index
    %get3A_133 = vector.load %arg11[%get3A_130, %get3A_131, %get3A_132] : memref<6x128x32xf32, #tpu.memory_space<vmem>>, vector<1x128x32xf32>
    %get3A_134 = vector.shape_cast %get3A_133 : vector<1x128x32xf32> to vector<128x32xf32>
    %dot_general3A_135 = arith.constant dense<0.000000e+00> : vector<256x32xf32>
    %dot_general3A_136 = tpu.matmul %max3A_100, %get3A_134, %dot_general3A_135 {dimension_numbers = #tpu.dot_dimension_numbers<[1], [0], [0], [1], [0, 0, 1, 1], [], []>, transpose_lhs_hint = false} : vector<256x128xf32>, vector<128x32xf32>, vector<256x32xf32> -> vector<256x32xf32>
    %get3A_137 = arith.constant 1 : index
    %get3A_138 = arith.constant 0 : index
    %get3A_139 = vector.load %arg12[%get3A_137, %get3A_138] : memref<6x32xf32, #tpu.memory_space<vmem>>, vector<1x32xf32>
    %add3A_140 = vector.broadcast %get3A_139 : vector<1x32xf32> to vector<256x32xf32>
    %add3A_141 = arith.addf %dot_general3A_136, %add3A_140 : vector<256x32xf32>
    %max3A_142 = arith.constant 0.000000e+00 : f32
    %max3A_143 = vector.broadcast %max3A_142 : f32 to vector<256x32xf32>
    %max3A_144 = arith.maximumf %add3A_141, %max3A_143 : vector<256x32xf32>
    %get3A_145 = arith.constant 1 : index
    %get3A_146 = arith.constant 0 : index
    %get3A_147 = arith.constant 0 : index
    %get3A_148 = vector.load %arg13[%get3A_145, %get3A_146, %get3A_147] : memref<6x32x1xf32, #tpu.memory_space<vmem>>, vector<1x32x1xf32>
    %get3A_149 = vector.shape_cast %get3A_148 : vector<1x32x1xf32> to vector<32x1xf32>
    %dot_general3A_150 = arith.constant dense<0.000000e+00> : vector<256x1xf32>
    %dot_general3A_151 = tpu.matmul %max3A_144, %get3A_149, %dot_general3A_150 {dimension_numbers = #tpu.dot_dimension_numbers<[1], [0], [0], [1], [0, 0, 1, 1], [], []>, transpose_lhs_hint = false} : vector<256x32xf32>, vector<32x1xf32>, vector<256x1xf32> -> vector<256x1xf32>
    %get3A_152 = arith.constant 1 : index
    %get3A_153 = arith.constant 0 : index
    %get3A_154 = vector.load %arg14[%get3A_152, %get3A_153] : memref<6x1xf32, #tpu.memory_space<vmem>>, vector<1x1xf32>
    %add3A_155 = vector.broadcast %get3A_154 : vector<1x1xf32> to vector<256x1xf32>
    %add3A_156 = arith.addf %dot_general3A_151, %add3A_155 : vector<256x1xf32>
    %swap3A_157 = arith.constant 0 : index
    %swap3A_158 = arith.constant 1 : index
    %swap3A_159 = vector.load %arg15[%swap3A_157, %swap3A_158] : memref<256x6xf32, #tpu.memory_space<vmem>>, vector<256x1xf32>
    tpu.vector_store %arg15[%swap3A_157, %swap3A_158], %add3A_156 {strides = array<i32>} : memref<256x6xf32, #tpu.memory_space<vmem>>, vector<256x1xf32>,
    %get3A_160 = arith.constant 2 : index
    %get3A_161 = arith.constant 0 : index
    %get3A_162 = arith.constant 0 : index
    %get3A_163 = vector.load %arg11[%get3A_160, %get3A_161, %get3A_162] : memref<6x128x32xf32, #tpu.memory_space<vmem>>, vector<1x128x32xf32>
    %get3A_164 = vector.shape_cast %get3A_163 : vector<1x128x32xf32> to vector<128x32xf32>
    %dot_general3A_165 = arith.constant dense<0.000000e+00> : vector<256x32xf32>
    %dot_general3A_166 = tpu.matmul %max3A_100, %get3A_164, %dot_general3A_165 {dimension_numbers = #tpu.dot_dimension_numbers<[1], [0], [0], [1], [0, 0, 1, 1], [], []>, transpose_lhs_hint = false} : vector<256x128xf32>, vector<128x32xf32>, vector<256x32xf32> -> vector<256x32xf32>
    %get3A_167 = arith.constant 2 : index
    %get3A_168 = arith.constant 0 : index
    %get3A_169 = vector.load %arg12[%get3A_167, %get3A_168] : memref<6x32xf32, #tpu.memory_space<vmem>>, vector<1x32xf32>
    %add3A_170 = vector.broadcast %get3A_169 : vector<1x32xf32> to vector<256x32xf32>
    %add3A_171 = arith.addf %dot_general3A_166, %add3A_170 : vector<256x32xf32>
    %max3A_172 = arith.constant 0.000000e+00 : f32
    %max3A_173 = vector.broadcast %max3A_172 : f32 to vector<256x32xf32>
    %max3A_174 = arith.maximumf %add3A_171, %max3A_173 : vector<256x32xf32>
    %get3A_175 = arith.constant 2 : index
    %get3A_176 = arith.constant 0 : index
    %get3A_177 = arith.constant 0 : index
    %get3A_178 = vector.load %arg13[%get3A_175, %get3A_176, %get3A_177] : memref<6x32x1xf32, #tpu.memory_space<vmem>>, vector<1x32x1xf32>
    %get3A_179 = vector.shape_cast %get3A_178 : vector<1x32x1xf32> to vector<32x1xf32>
    %dot_general3A_180 = arith.constant dense<0.000000e+00> : vector<256x1xf32>
    %dot_general3A_181 = tpu.matmul %max3A_174, %get3A_179, %dot_general3A_180 {dimension_numbers = #tpu.dot_dimension_numbers<[1], [0], [0], [1], [0, 0, 1, 1], [], []>, transpose_lhs_hint = false} : vector<256x32xf32>, vector<32x1xf32>, vector<256x1xf32> -> vector<256x1xf32>
    %get3A_182 = arith.constant 2 : index
    %get3A_183 = arith.constant 0 : index
    %get3A_184 = vector.load %arg14[%get3A_182, %get3A_183] : memref<6x1xf32, #tpu.memory_space<vmem>>, vector<1x1xf32>
    %add3A_185 = vector.broadcast %get3A_184 : vector<1x1xf32> to vector<256x1xf32>
    %add3A_186 = arith.addf %dot_general3A_181, %add3A_185 : vector<256x1xf32>
    %swap3A_187 = arith.constant 0 : index
    %swap3A_188 = arith.constant 2 : index
    %swap3A_189 = vector.load %arg15[%swap3A_187, %swap3A_188] : memref<256x6xf32, #tpu.memory_space<vmem>>, vector<256x1xf32>
    tpu.vector_store %arg15[%swap3A_187, %swap3A_188], %add3A_186 {strides = array<i32>} : memref<256x6xf32, #tpu.memory_space<vmem>>, vector<256x1xf32>,
    %get3A_190 = arith.constant 3 : index
    %get3A_191 = arith.constant 0 : index
    %get3A_192 = arith.constant 0 : index
    %get3A_193 = vector.load %arg11[%get3A_190, %get3A_191, %get3A_192] : memref<6x128x32xf32, #tpu.memory_space<vmem>>, vector<1x128x32xf32>
    %get3A_194 = vector.shape_cast %get3A_193 : vector<1x128x32xf32> to vector<128x32xf32>
    %dot_general3A_195 = arith.constant dense<0.000000e+00> : vector<256x32xf32>
    %dot_general3A_196 = tpu.matmul %max3A_100, %get3A_194, %dot_general3A_195 {dimension_numbers = #tpu.dot_dimension_numbers<[1], [0], [0], [1], [0, 0, 1, 1], [], []>, transpose_lhs_hint = false} : vector<256x128xf32>, vector<128x32xf32>, vector<256x32xf32> -> vector<256x32xf32>
    %get3A_197 = arith.constant 3 : index
    %get3A_198 = arith.constant 0 : index
    %get3A_199 = vector.load %arg12[%get3A_197, %get3A_198] : memref<6x32xf32, #tpu.memory_space<vmem>>, vector<1x32xf32>
    %add3A_200 = vector.broadcast %get3A_199 : vector<1x32xf32> to vector<256x32xf32>
    %add3A_201 = arith.addf %dot_general3A_196, %add3A_200 : vector<256x32xf32>
    %max3A_202 = arith.constant 0.000000e+00 : f32
    %max3A_203 = vector.broadcast %max3A_202 : f32 to vector<256x32xf32>
    %max3A_204 = arith.maximumf %add3A_201, %max3A_203 : vector<256x32xf32>
    %get3A_205 = arith.constant 3 : index
    %get3A_206 = arith.constant 0 : index
    %get3A_207 = arith.constant 0 : index
    %get3A_208 = vector.load %arg13[%get3A_205, %get3A_206, %get3A_207] : memref<6x32x1xf32, #tpu.memory_space<vmem>>, vector<1x32x1xf32>
    %get3A_209 = vector.shape_cast %get3A_208 : vector<1x32x1xf32> to vector<32x1xf32>
    %dot_general3A_210 = arith.constant dense<0.000000e+00> : vector<256x1xf32>
    %dot_general3A_211 = tpu.matmul %max3A_204, %get3A_209, %dot_general3A_210 {dimension_numbers = #tpu.dot_dimension_numbers<[1], [0], [0], [1], [0, 0, 1, 1], [], []>, transpose_lhs_hint = false} : vector<256x32xf32>, vector<32x1xf32>, vector<256x1xf32> -> vector<256x1xf32>
    %get3A_212 = arith.constant 3 : index
    %get3A_213 = arith.constant 0 : index
    %get3A_214 = vector.load %arg14[%get3A_212, %get3A_213] : memref<6x1xf32, #tpu.memory_space<vmem>>, vector<1x1xf32>
    %add3A_215 = vector.broadcast %get3A_214 : vector<1x1xf32> to vector<256x1xf32>
    %add3A_216 = arith.addf %dot_general3A_211, %add3A_215 : vector<256x1xf32>
    %swap3A_217 = arith.constant 0 : index
    %swap3A_218 = arith.constant 3 : index
    %swap3A_219 = vector.load %arg15[%swap3A_217, %swap3A_218] : memref<256x6xf32, #tpu.memory_space<vmem>>, vector<256x1xf32>
    tpu.vector_store %arg15[%swap3A_217, %swap3A_218], %add3A_216 {strides = array<i32>} : memref<256x6xf32, #tpu.memory_space<vmem>>, vector<256x1xf32>,
    %get3A_220 = arith.constant 4 : index
    %get3A_221 = arith.constant 0 : index
    %get3A_222 = arith.constant 0 : index
    %get3A_223 = vector.load %arg11[%get3A_220, %get3A_221, %get3A_222] : memref<6x128x32xf32, #tpu.memory_space<vmem>>, vector<1x128x32xf32>
    %get3A_224 = vector.shape_cast %get3A_223 : vector<1x128x32xf32> to vector<128x32xf32>
    %dot_general3A_225 = arith.constant dense<0.000000e+00> : vector<256x32xf32>
    %dot_general3A_226 = tpu.matmul %max3A_100, %get3A_224, %dot_general3A_225 {dimension_numbers = #tpu.dot_dimension_numbers<[1], [0], [0], [1], [0, 0, 1, 1], [], []>, transpose_lhs_hint = false} : vector<256x128xf32>, vector<128x32xf32>, vector<256x32xf32> -> vector<256x32xf32>
    %get3A_227 = arith.constant 4 : index
    %get3A_228 = arith.constant 0 : index
    %get3A_229 = vector.load %arg12[%get3A_227, %get3A_228] : memref<6x32xf32, #tpu.memory_space<vmem>>, vector<1x32xf32>
    %add3A_230 = vector.broadcast %get3A_229 : vector<1x32xf32> to vector<256x32xf32>
    %add3A_231 = arith.addf %dot_general3A_226, %add3A_230 : vector<256x32xf32>
    %max3A_232 = arith.constant 0.000000e+00 : f32
    %max3A_233 = vector.broadcast %max3A_232 : f32 to vector<256x32xf32>
    %max3A_234 = arith.maximumf %add3A_231, %max3A_233 : vector<256x32xf32>
    %get3A_235 = arith.constant 4 : index
    %get3A_236 = arith.constant 0 : index
    %get3A_237 = arith.constant 0 : index
    %get3A_238 = vector.load %arg13[%get3A_235, %get3A_236, %get3A_237] : memref<6x32x1xf32, #tpu.memory_space<vmem>>, vector<1x32x1xf32>
    %get3A_239 = vector.shape_cast %get3A_238 : vector<1x32x1xf32> to vector<32x1xf32>
    %dot_general3A_240 = arith.constant dense<0.000000e+00> : vector<256x1xf32>
    %dot_general3A_241 = tpu.matmul %max3A_234, %get3A_239, %dot_general3A_240 {dimension_numbers = #tpu.dot_dimension_numbers<[1], [0], [0], [1], [0, 0, 1, 1], [], []>, transpose_lhs_hint = false} : vector<256x32xf32>, vector<32x1xf32>, vector<256x1xf32> -> vector<256x1xf32>
    %get3A_242 = arith.constant 4 : index
    %get3A_243 = arith.constant 0 : index
    %get3A_244 = vector.load %arg14[%get3A_242, %get3A_243] : memref<6x1xf32, #tpu.memory_space<vmem>>, vector<1x1xf32>
    %add3A_245 = vector.broadcast %get3A_244 : vector<1x1xf32> to vector<256x1xf32>
    %add3A_246 = arith.addf %dot_general3A_241, %add3A_245 : vector<256x1xf32>
    %swap3A_247 = arith.constant 0 : index
    %swap3A_248 = arith.constant 4 : index
    %swap3A_249 = vector.load %arg15[%swap3A_247, %swap3A_248] : memref<256x6xf32, #tpu.memory_space<vmem>>, vector<256x1xf32>
    tpu.vector_store %arg15[%swap3A_247, %swap3A_248], %add3A_246 {strides = array<i32>} : memref<256x6xf32, #tpu.memory_space<vmem>>, vector<256x1xf32>,
    %get3A_250 = arith.constant 5 : index
    %get3A_251 = arith.constant 0 : index
    %get3A_252 = arith.constant 0 : index
    %get3A_253 = vector.load %arg11[%get3A_250, %get3A_251, %get3A_252] : memref<6x128x32xf32, #tpu.memory_space<vmem>>, vector<1x128x32xf32>
    %get3A_254 = vector.shape_cast %get3A_253 : vector<1x128x32xf32> to vector<128x32xf32>
    %dot_general3A_255 = arith.constant dense<0.000000e+00> : vector<256x32xf32>
    %dot_general3A_256 = tpu.matmul %max3A_100, %get3A_254, %dot_general3A_255 {dimension_numbers = #tpu.dot_dimension_numbers<[1], [0], [0], [1], [0, 0, 1, 1], [], []>, transpose_lhs_hint = false} : vector<256x128xf32>, vector<128x32xf32>, vector<256x32xf32> -> vector<256x32xf32>
    %get3A_257 = arith.constant 5 : index
    %get3A_258 = arith.constant 0 : index
    %get3A_259 = vector.load %arg12[%get3A_257, %get3A_258] : memref<6x32xf32, #tpu.memory_space<vmem>>, vector<1x32xf32>
    %add3A_260 = vector.broadcast %get3A_259 : vector<1x32xf32> to vector<256x32xf32>
    %add3A_261 = arith.addf %dot_general3A_256, %add3A_260 : vector<256x32xf32>
    %max3A_262 = arith.constant 0.000000e+00 : f32
    %max3A_263 = vector.broadcast %max3A_262 : f32 to vector<256x32xf32>
    %max3A_264 = arith.maximumf %add3A_261, %max3A_263 : vector<256x32xf32>
    %get3A_265 = arith.constant 5 : index
    %get3A_266 = arith.constant 0 : index
    %get3A_267 = arith.constant 0 : index
    %get3A_268 = vector.load %arg13[%get3A_265, %get3A_266, %get3A_267] : memref<6x32x1xf32, #tpu.memory_space<vmem>>, vector<1x32x1xf32>
    %get3A_269 = vector.shape_cast %get3A_268 : vector<1x32x1xf32> to vector<32x1xf32>
    %dot_general3A_270 = arith.constant dense<0.000000e+00> : vector<256x1xf32>
    %dot_general3A_271 = tpu.matmul %max3A_264, %get3A_269, %dot_general3A_270 {dimension_numbers = #tpu.dot_dimension_numbers<[1], [0], [0], [1], [0, 0, 1, 1], [], []>, transpose_lhs_hint = false} : vector<256x32xf32>, vector<32x1xf32>, vector<256x1xf32> -> vector<256x1xf32>
    %get3A_272 = arith.constant 5 : index
    %get3A_273 = arith.constant 0 : index
    %get3A_274 = vector.load %arg14[%get3A_272, %get3A_273] : memref<6x1xf32, #tpu.memory_space<vmem>>, vector<1x1xf32>
    %add3A_275 = vector.broadcast %get3A_274 : vector<1x1xf32> to vector<256x1xf32>
    %add3A_276 = arith.addf %dot_general3A_271, %add3A_275 : vector<256x1xf32>
    %swap3A_277 = arith.constant 0 : index
    %swap3A_278 = arith.constant 5 : index
    %swap3A_279 = vector.load %arg15[%swap3A_277, %swap3A_278] : memref<256x6xf32, #tpu.memory_space<vmem>>, vector<256x1xf32>
    tpu.vector_store %arg15[%swap3A_277, %swap3A_278], %add3A_276 {strides = array<i32>} : memref<256x6xf32, #tpu.memory_space<vmem>>, vector<256x1xf32>,
    return
  }
}

</mosaic_0001>

<sc_bundles>
// kernel: kernel.12.cloned.1.call-start
scs
__scs_entry_jumppad:
0x0: {  	(pc) =	sbr.rel $0x88, $3  }
0x1: {  	(tag) =	ssettag $0x0;
	lr =	simm.s32 $0x1  }
0x2: {  	[smem:$0x3F8F] =	sst lr;
	_ =	strace $0xD0000000  }
0x3: {  	_ = 	snop  }
0x4: {  	_ = 	snop  }
0x5: {  	_ = 	snop  }
0x6: {  	_ = 	snop  }
0x7: {  	_ = 	snop  }
__scs_overlays_trampoline_lowered:
0x8: {  	[smem:$0x3F9E] =	sst s0  }
0x9: {  	[smem:$0x3F9F] =	sst s1  }
0xa: {  	[smem:$0x3FA0] =	sst s2  }
0xb: {  	[smem:$0x3FA1] =	sst s3  }
0xc: {  	[smem:$0x3FA2] =	sst s4  }
0xd: {  	[smem:$0x3FA3] =	sst s5  }
0xe: {  	[smem:$0x3FA4] =	sst s6  }
0xf: {  	[smem:$0x3FA5] =	sst s7  }
0x10: {  	[smem:$0x3FA6] =	sst s8  }
0x11: {  	[smem:$0x3FA7] =	sst s9;
	s0 =	simm.s32 @!p0 $0x0  }
0x12: {  	s1 =	sld [smem:$0x3F8D];
	s0 =	simm.s32 @p0 $0x1  }
0x13: {  	[smem:$0x3FA8] =	sst s0;
	s0 =	simm.s32 @!p1 $0x0  }
0x14: {  	s2 =	sld [smem:$0x3F8C];
	s0 =	simm.s32 @p1 $0x1  }
0x15: {  	[smem:$0x3FA9] =	sst s0;
	s0 =	simm.s32 @!p2 $0x0  }
0x16: {  	s3 =	sld [smem:$0x3FDB];
	s0 =	simm.s32 @p2 $0x1  }
0x17: {  	s4 =	simm.s32 $0x1BF5;
	[smem:$0x3FAB] =	sst s0  }
0x18: {  	s0 =	sld [smem:$0x3F8E];
	_ =	swait.ge [sflag:s4], $0x0  }
0x19: {  	s7 =	sld [smem:$0x3F8F]  }
0x1a: {  	s8 =	sadd.s32 $0xFFFFE003, lr  }
0x1b: {  	s9 =	sadd.s32 $0xFFFFFEF7, lr;
	s5 =	simm.s32 $0xFFFFFFFF;
	p2 =	slt.u32 s8, $0xFFFFF086  }
0x1c: {  	p1 =	slt.u32 s9, $0xF7A;
	s5 =	simm.s32 @!p2 $0x0  }
0x1d: {  	s5 =	simm.s32 @p1 $0x1;
	p0 =	seq.s32 s7, s2  }
0x1e: {  	s7 =	smul.u32 @!p0 $0xF7A, s2;
	p2 =	seq.s32 @!p0 s5, $0x0  }
0x1f: {  	s9 =	smul.u32 $0xF7A, s1;
	s8 =	simm.s32 @!p0 $0x1BF5;
	p2 =	por !p2, p0  }
0x20: {  	[sflag:s8] =	ssyncset.s32 @!p0 $0xFFFFF086;
	s6 =	sadd.s32 @!p0 s3, s7;
	s7 =	simm.s32 @!p0 $0x108  }
0x21: {  	s3 =	sadd.s32 s3, s9;
	s6 =	sadd.s32 @!p0 $0x88, s6;
	s7 =	simm.s32 @p2 $0x1082  }
0x22: {  	[simem:s7], [sflag:s8] =	dma.local @!p0 [hbm:s6], $0xF7A  }
0x23: {  	s9 =	sor.u32 $0xD0000000, s2;
	s6 =	simm.s32 $0x108;
	_ =	swait.ge @!p0 [sflag:s8], $0x0  }
0x24: {  	s3 =	sadd.s32 $0x88, s3;
	s6 =	simm.s32 @!p1 $0x1082;
	[sflag:s4] =	ssyncset.s32 $0xFFFFF086  }
0x25: {  	[simem:s6], [sflag:s4] =	dma.local [hbm:s3], $0xF7A  }
0x26: {  	[smem:$0x3F8F] =	sst s1;
	(tag) =	ssettag s2;
	_ =	strace s9  }
0x27: {  	s1 =	sld [smem:$0x3F9F]  }
0x28: {  	s2 =	sld [smem:$0x3FA0]  }
0x29: {  	s4 =	sld [smem:$0x3FA2]  }
0x2a: {  	p0 =	seq.s32 s5, $0x0;
	s5 =	sld [smem:$0x3FA3]  }
0x2b: {  	s6 =	sld [smem:$0x3FA4]  }
0x2c: {  	s7 =	sld [smem:$0x3FA5]  }
0x2d: {  	s3 =	simm.s32 $0x108;
	s8 =	sld [smem:$0x3FA6]  }
0x2e: {  	s3 =	simm.s32 @!p0 $0x1082;
	s9 =	sld [smem:$0x3FA7]  }
0x2f: {  	lr =	sadd.s32 s0, s3;
	s0 =	sld [smem:$0x3F9E]  }
0x30: {  	s3 =	sld [smem:$0x3FA1]  }
0x31: {  	[smem:$0x3FAA] =	sst s10  }
0x32: {  	s10 =	sld [smem:$0x3FA8];
	_ =	sdelay $0x3  }
0x33: {  	p0 =	seq.s32 s10, $0x1;
	s10 =	sld [smem:$0x3FAA];
	_ =	sdelay $0x3  }
0x34: {  	[smem:$0x3FAA] =	sst s10  }
0x35: {  	s10 =	sld [smem:$0x3FA9];
	_ =	sdelay $0x3  }
0x36: {  	p1 =	seq.s32 s10, $0x1;
	s10 =	sld [smem:$0x3FAA];
	_ =	sdelay $0x3  }
0x37: {  	[smem:$0x3FAA] =	sst s10  }
0x38: {  	s10 =	sld [smem:$0x3FAB]  }
0x39: {  	_ = 	snop;
	(pc) =	sbr.ind lr, $3  }
0x3a: {  	_ = 	snop  }
0x3b: {  	_ = 	snop  }
0x3c: {  	p2 =	seq.s32 s10, $0x1;
	s10 =	sld [smem:$0x3FAA]  }
0x3d: {  	_ =	shalt  }
0x3e: {  	_ =	shalt  }
0x3f: {  	_ =	shalt  }
0x40: {  	_ =	shalt  }
0x41: {  	_ =	shalt  }
0x42: {  	_ =	shalt  }
0x43: {  	_ =	shalt  }
0x44: {  	_ =	shalt  }
0x45: {  	_ =	shalt  }
0x46: {  	_ =	shalt  }
0x47: {  	_ =	shalt  }
0x48: {  	_ =	shalt  }
0x49: {  	_ =	shalt  }
0x4a: {  	_ =	shalt  }
0x4b: {  	_ =	shalt  }
0x4c: {  	_ =	shalt  }
0x4d: {  	_ =	shalt  }
0x4e: {  	_ =	shalt  }
0x4f: {  	_ =	shalt  }
0x50: {  	_ =	shalt  }
0x51: {  	_ =	shalt  }
0x52: {  	_ =	shalt  }
0x53: {  	_ =	shalt  }
0x54: {  	_ =	shalt  }
0x55: {  	_ =	shalt  }
0x56: {  	_ =	shalt  }
0x57: {  	_ =	shalt  }
0x58: {  	_ =	shalt  }
0x59: {  	_ =	shalt  }
0x5a: {  	_ =	shalt  }
0x5b: {  	_ =	shalt  }
0x5c: {  	_ =	shalt  }
0x5d: {  	_ =	shalt  }
0x5e: {  	_ =	shalt  }
0x5f: {  	_ =	shalt  }
0x60: {  	_ =	shalt  }
0x61: {  	_ =	shalt  }
0x62: {  	_ =	shalt  }
0x63: {  	_ =	shalt  }
0x64: {  	_ =	shalt  }
0x65: {  	_ =	shalt  }
0x66: {  	_ =	shalt  }
0x67: {  	_ =	shalt  }
0x68: {  	_ =	shalt  }
0x69: {  	_ =	shalt  }
0x6a: {  	_ =	shalt  }
0x6b: {  	_ =	shalt  }
0x6c: {  	_ =	shalt  }
0x6d: {  	_ =	shalt  }
0x6e: {  	_ =	shalt  }
0x6f: {  	_ =	shalt  }
0x70: {  	_ =	shalt  }
0x71: {  	_ =	shalt  }
0x72: {  	_ =	shalt  }
0x73: {  	_ =	shalt  }
0x74: {  	_ =	shalt  }
0x75: {  	_ =	shalt  }
0x76: {  	_ =	shalt  }
0x77: {  	_ =	shalt  }
0x78: {  	_ =	shalt  }
0x79: {  	_ =	shalt  }
0x7a: {  	_ =	shalt  }
0x7b: {  	_ =	shalt  }
0x7c: {  	_ =	shalt  }
0x7d: {  	_ =	shalt  }
0x7e: {  	_ =	shalt  }
0x7f: {  	_ =	shalt  }
0x80: {  	_ =	shalt  }
0x81: {  	_ =	shalt  }
0x82: {  	_ =	shalt  }
0x83: {  	_ =	shalt  }
0x84: {  	_ =	shalt  }
0x85: {  	_ =	shalt  }
0x86: {  	_ =	shalt  }
0x87: {  	_ =	shalt  }
.Lfunc_end0:
.L_simem_size_0:
called_computation.1_lowered:
.L_overlay_start_0:
0x88: {  	s2 =	sld [smem:$0x3FD9]  }
0x89: {  	s3 =	sld [smem:$0x3FFE];
	_ =	sdelay $0x1  }
0x8a: {  	s1 =	srdreg.scid  }
0x8b: {  	s0 =	sand.u32 $0x1, s1  }
0x8c: {  	s16 =	sshll.u32 s0, $0xA;
	s2 =	sadd.s32 s3, s2  }
0x8d: {  	s2 =	sadd.s32 s2, s16  }
0x8e: {  	[smem:$0x3FB6] =	sst s2  }
0x8f: {  	_ = 	snop  }
0x90: {  	(tm) =	ssettm $0x1  }
0x91: {  	s17 =	sld [smem:$0x3FFB];
	_ =	sdelay $0x3  }
0x92: {  	_ =	strace s17  }
0x93: {  	s2 =	sld [smem:$0x3FFC];
	_ =	sdelay $0x3  }
0x94: {  	_ =	strace s2  }
0x95: {  	s2 =	sld [smem:$0x3FFD];
	_ =	sdelay $0x3  }
0x96: {  	_ =	strace s2  }
0x97: {  	_ =	strace $0x8FFFFFFF  }
0x98: {  	s18 =	sld [smem:$0x3FDB];
	_ =	sdelay $0x1  }
0x99: {  	s19 =	simm.s32 $_scs_section_size  }
0x9a: {  	s4 =	simm.s32 $_size__tile_overlayer_lowered;
	s5 =	simm.s32 $_tile_overlayer_lowered  }
0x9b: {  	s22 =	simm.s32 $0x1BFF;
	s21 =	sshll.u32 s5, $0x1;
	s2 =	sadd.s32 s19, s18  }
0x9c: {  	s6 =	simm.s32 $0x0;
	s20 =	sshll.u32 s4, $0x1;
	s4 =	sadd.s32 s21, s2  }
0x9d: {  	[timem:s6], [sflag:s22] =	dma.local [hbm:s4], s20  }
0x9e: {  	_ =	swait.ge [sflag:s22], s20  }
0x9f: {  	s3 =	ssub.s32 $0x0, s20;
	[sflag:s22] =	ssyncset.done $0x0  }
0xa0: {  	[sflag:s22] =	ssyncadd.s32 s3;
	_ =	sdelay $0x1  }
0xa1: {  	s23 =	simm.s32 $0x1B8B  }
0xa2: {  	_ =	swait.ge [sflag:s23], $0x1  }
0xa3: {  	[sflag:s23] =	ssyncset.done $0x0  }
0xa4: {  	s25 =	simm.s32 $0x1B8E;
	s24 =	sld [smem:$0x3FFE];
	[sflag:s23] =	ssyncadd.s32 $0xFFFFFFFF  }
0xa5: {  	s26 =	simm.s32 $execute0_lowered;
	[smem:$0x3FD2] =	sst s25  }
0xa6: {  	s4 =	sshll.u32 s26, $0x1;
	_ =	strace $0x80000049;
	[dreg:$0x1] =	wrdreg $0xFFFFFFFF  }
0xa7: {  	s28 =	simm.s32 $_size_execute0_lowered;
	s2 =	sadd.s32 s2, s4;
	[dreg:$0x0] =	wrdreg $0x0  }
0xa8: {  	s4 =	sshll.u32 s28, $0x1;
	[dreg:$0x2] =	wrdreg s2  }
0xa9: {  	[dreg:$0x3] =	wrdreg s4  }
0xaa: {  	[dreg:$0x4] =	wrdreg $0xC0  }
0xab: {  	_ =	task [dreg:s6], $0x5FFFF  }
0xac: {  	[dreg:$0x1] =	wrdreg $0xFFFFFFFF  }
0xad: {  	[dreg:$0x0] =	wrdreg $0x60  }
0xae: {  	[dreg:$0x2] =	wrdreg s24  }
0xaf: {  	[dreg:$0x3] =	wrdreg $0x122000  }
0xb0: {  	[dreg:$0x4] =	wrdreg $0x9  }
0xb1: {  	_ =	task.clear_ibuf [dreg:s6], $0x5FFFF;
	_ =	strace $0x90000049  }
0xb2: {  	s29 =	simm.s32 $0x9;
	_ =	strace $0x8000004B  }
0xb3: {  	_ =	swait.ge [sflag:s29], $0x1  }
0xb4: {  	[sflag:s29] =	ssyncadd.s32 $0xFFFFFFFF  }
0xb5: {  	_ =	strace $0x9000004B  }
0xb6: {  	_ =	sfence  }
0xb7: {  	s30 =	sld [smem:$0x0];
	_ =	sdelay $0x2  }
0xb8: {  	s31 =	sshll.u32 s1, $0xD;
	s1 =	sshrl.u32 s1, $0x2  }
0xb9: {  	s3 =	sand.u32 $0x4000, s31;
	s1 =	sadd.s32 s1, s30  }
0xba: {  	s0 =	sor.u32 s3, s0;
	s1 =	sshll.u32 s1, $0x11  }
0xbb: {  	s0 =	sor.u32 s1, s0  }
0xbc: {  	s0 =	sadd.s32 $0x8F2B, s0  }
0xbd: {  	[sflag:s0] =	ssyncadd.remote.s32 $0x1  }
0xbe: {  	_ =	sfence.sel $0xFFFF  }
0xbf: {  	[dreg:$0x0] =	wrdreg $0xFFFFFFFF;
	(pc) =	sbr.abs _section_cstart, $3  }
0xc0: {  	[dreg:$0x1] =	wrdreg $0xFFFFFFFF  }
0xc1: {  	_ =	task.clear_ibuf [dreg:s6], $0x2FFFF;
	_ =	strace $0x9FFFFFFF  }
0xc2: {  	(tm) =	ssettm $0x7FFFFFFF  }
0xc3: {  	_ =	shalt  }
tec
execute0_lowered:
.L_overlay_start_1:
0x0: {  	(tag) =	ssettag $0x1  }
0x1: {  	s4 =	rddreg [dreg:$0x0]  }
0x2: {  	s2 =	rddreg [dreg:$0x1]  }
0x3: {  	s0 =	rddreg [dreg:$0x2];
	s1 =	stileid.u32  }
0x4: {  	s3 =	simm.s32 $0x0;
	s6 =	srdreg.scid;
	s13 =	simm.s32 $0x5100  }
0x5: {  	s14 =	simm.s32 $0x80;
	s15 =	simm.s32 $0xC200;
	s16 =	simm.s32 $0xE200  }
0x6: {  	s17 =	simm.s32 $0x10200;
	s18 =	simm.s32 $0x1;
	s19 =	simm.s32 $0x3  }
0x7: {  	s20 =	simm.s32 $0x2;
	s21 =	simm.s32 $0x4;
	s5 =	smul.u32 $0xA20, s1  }
0x8: {  	s22 =	simm.s32 $0xA100;
	s23 =	simm.s32 $0xA180;
	s7 =	smul.u32 $0x27800, s1  }
0x9: {  	[smem:$0x7FF] =	sst s3;
	s6 =	sand.u32 $0x1, s6;
	s10 =	smul.u32 $0x9E00, s1  }
0xa: {  	_ =	strace $0x8000004A;
	s30 =	smul.u32 $0x13C00, s6;
	s6 =	ssub.s32 $0x2, s6  }
0xb: {  	s8 =	sadd.s32 s5, s4;
	s7 =	sshrl.u32 s7, $0x2;
	s31 =	sshrl.u32 s6, $0x1  }
0xc: {  	s25 =	sshrl.u32 s10, $0x3;
	s11 =	sadd.s32 s30, s4;
	s7 =	sadd.s32 s7, s2  }
0xd: {  	s12 =	ssub.s32 s6, s31;
	s4 =	sadd.s32 s10, s2;
	s5 =	sadd.s32 $0x4000, s7  }
0xe: {  	s6 =	sadd.s32 $0x8000, s7;
	s7 =	sadd.s32 $0x17C00, s8;
	s8 =	sadd.s32 $0x3C00, s8  }
0xf: {  	s9 =	sadd.s32 $0x70E00, s11;
	s24 =	sadd.s32 $0x98600, s11;
	s10 =	smax.u32 s12, $0x1  }
0x10: {  	v0 =	vimm.f32 $0.0e+00;
	s11 =	simm.s32 $0xA200;
	s12 =	simm.s32 $0x5;
	s24 =	sadd.s32 s25, s24  }
.LBB2_1:
0x11: {  	s26 =	simm.s32 $0x100;
	s25 =	simm.s32 $0x0  }
.LBB2_2:
0x12: {  	p0 =	sne.s32 s26, $0xFF00;
	[tilespmem:s25+$0xA230] =	vst v0;
	s28 =	smov.u32 s26;
	s26 =	sadd.s32 $0x100, s26  }
.Ltmp0:
0x13: {  	[tilespmem:s25+$0xA220] =	vst v0;
	(pc) =	sbr.rel @p0 .LBB2_2-.Ltmp0, $3  }
0x14: {  	[tilespmem:s25+$0xA200] =	vst v0  }
0x15: {  	[tilespmem:s25+$0xA210] =	vst v0;
	_ =	sdelay $0x1  }
0x16: {  	s25 =	sshra.s32 s28, $0x2  }
0x17: {  	[tilespmem:s25+$0xA230] =	vst v0  }
0x18: {  	[tilespmem:s25+$0xA220] =	vst v0  }
0x19: {  	[tilespmem:s25+$0xA200] =	vst v0  }
0x1a: {  	[tilespmem:s25+$0xA210] =	vst v0  }
0x1b: {  	[spmem:s4] =	stream.linear.scatter [tilespmem:s11], [sflag:$0x5], $0x4000, $0x38;
	[tilespmem:$0x1C000] =	vst v63  }
0x1c: {  	_ =	swait.ge [sflag:s12], $0x4000  }
0x1d: {  	[sflag:s12] =	ssyncset.done $0x0  }
0x1e: {  	[sflag:s12] =	ssyncadd.s32 $0xFFFFC000  }
0x1f: {  	[spmem:s5] =	stream.linear.scatter [tilespmem:s11], [sflag:$0x5], $0x4000, $0x38;
	[tilespmem:$0x1C000] =	vst v63  }
0x20: {  	_ =	swait.ge [sflag:s12], $0x4000  }
0x21: {  	[sflag:s12] =	ssyncset.done $0x0  }
0x22: {  	[sflag:s12] =	ssyncadd.s32 $0xFFFFC000  }
0x23: {  	[spmem:s6] =	stream.linear.scatter [tilespmem:s11], [sflag:$0x5], $0x1E00, $0x38;
	[tilespmem:$0x1C000] =	vst v63  }
0x24: {  	_ =	swait.ge [sflag:s12], $0x1E00  }
0x25: {  	[sflag:s12] =	ssyncset.done $0x0  }
0x26: {  	[sflag:s12] =	ssyncadd.s32 $0xFFFFE200  }
0x27: {  	s28 =	simm.s32 $0x0;
	[bflag:$0x0] =	sbarrier.arrive $0xFFFF  }
0x28: {  	[tilespmem:s28], [sflag:$0x5] =	stream.linear.gather [hbm4b:s7+s28], $0x5100, $0x38;
	[tilespmem:$0x1C000] =	vst v63  }
0x29: {  	_ =	swait.ge [sflag:s12], $0x5100  }
0x2a: {  	[sflag:s12] =	ssyncset.done $0x0  }
0x2b: {  	[sflag:s12] =	ssyncadd.s32 $0xFFFFAF00  }
0x2c: {  	[tilespmem:s13], [sflag:$0x5] =	stream.linear.gather [hbm4b:s8+s28], $0x5100, $0x38;
	[tilespmem:$0x1C000] =	vst v63  }
0x2d: {  	_ =	swait.ge [sflag:s12], $0x5100  }
0x2e: {  	[sflag:s12] =	ssyncset.done $0x0  }
0x2f: {  	[sflag:s12] =	ssyncadd.s32 $0xFFFFAF00  }
0x30: {  	[tilespmem:s11], [sflag:$0x1] =	stream.indirect.gather [hbm4b:s9+s14], $0x40, s28, s14, $0xb8;
	[tilespmem:$0x1C000] =	vst v63  }
0x31: {  	_ = 	snop  }
0x32: {  	[tilespmem:s15], [sflag:$0x1] =	stream.indirect.gather [hbm4b:s9+s14], $0x40, s14, s14, $0xb8;
	[tilespmem:$0x1C000] =	vst v63  }
0x33: {  	s29 =	simm.s32 $0x100  }
0x34: {  	[tilespmem:s16], [sflag:$0x2] =	stream.indirect.gather [hbm4b:s9+s14], $0x40, s29, s14, $0xb8;
	[tilespmem:$0x1C000] =	vst v63  }
0x35: {  	s30 =	simm.s32 $0x180  }
0x36: {  	[tilespmem:s17], [sflag:$0x2] =	stream.indirect.gather [hbm4b:s9+s14], $0x40, s30, s14, $0xb8;
	[tilespmem:$0x1C000] =	vst v63  }
0x37: {  	_ =	swait.ge [sflag:s18], $0x4000  }
0x38: {  	[sflag:s18] =	ssyncset.done $0x0  }
0x39: {  	s31 =	simm.s32 $0x5100;
	[sflag:s18] =	ssyncadd.s32 $0xFFFFC000  }
0x3a: {  	[spmem:s2] =	stream.indirect.scatter.add.f32 [tilespmem:s11], [sflag:$0x3], $0x40, s31, s14, $0xb8;
	[tilespmem:$0x1C000] =	vst v63  }
0x3b: {  	s26 =	simm.s32 $0x5180  }
0x3c: {  	[spmem:s2] =	stream.indirect.scatter.add.f32 [tilespmem:s15], [sflag:$0x3], $0x40, s26, s14, $0xb8;
	[tilespmem:$0x1C000] =	vst v63  }
0x3d: {  	_ =	swait.ge [sflag:s19], $0x4000  }
0x3e: {  	[sflag:s19] =	ssyncset.done $0x0  }
0x3f: {  	s28 =	simm.s32 $0x200;
	[sflag:s19] =	ssyncadd.s32 $0xFFFFC000  }
0x40: {  	[tilespmem:s11], [sflag:$0x1] =	stream.indirect.gather [hbm4b:s9+s14], $0x40, s28, s14, $0xb8;
	[tilespmem:$0x1C000] =	vst v63  }
0x41: {  	s29 =	simm.s32 $0x280  }
0x42: {  	[tilespmem:s15], [sflag:$0x1] =	stream.indirect.gather [hbm4b:s9+s14], $0x40, s29, s14, $0xb8;
	[tilespmem:$0x1C000] =	vst v63  }
0x43: {  	_ =	swait.ge [sflag:s20], $0x4000  }
0x44: {  	[sflag:s20] =	ssyncset.done $0x0  }
0x45: {  	s30 =	simm.s32 $0x5200;
	[sflag:s20] =	ssyncadd.s32 $0xFFFFC000  }
0x46: {  	[spmem:s2] =	stream.indirect.scatter.add.f32 [tilespmem:s16], [sflag:$0x4], $0x40, s30, s14, $0xb8;
	[tilespmem:$0x1C000] =	vst v63  }
0x47: {  	s31 =	simm.s32 $0x5280  }
0x48: {  	[spmem:s2] =	stream.indirect.scatter.add.f32 [tilespmem:s17], [sflag:$0x4], $0x40, s31, s14, $0xb8;
	[tilespmem:$0x1C000] =	vst v63  }
0x49: {  	_ =	swait.ge [sflag:s21], $0x4000  }
0x4a: {  	s25 =	simm.s32 $0x800;
	s26 =	simm.s32 $0x1000;
	[sflag:s21] =	ssyncset.done $0x0  }
.LBB2_4:
0x4b: {  	s28 =	sshra.s32 s25, $0x2  }
0x4c: {  	[sflag:s21] =	ssyncadd.s32 $0xFFFFC000;
	s25 =	smov.u32 s26;
	s29 =	sadd.s32 $0x800, s26  }
0x4d: {  	p0 =	sne.s32 s26, $0x13800;
	s26 =	sadd.s32 $0x100, s28  }
0x4e: {  	[tilespmem:s16], [sflag:$0x2] =	stream.indirect.gather [hbm4b:s9+s14], $0x40, s26, s14, $0xb8;
	[tilespmem:$0x1C000] =	vst v63  }
0x4f: {  	s26 =	sadd.s32 $0x180, s28  }
0x50: {  	[tilespmem:s17], [sflag:$0x2] =	stream.indirect.gather [hbm4b:s9+s14], $0x40, s26, s14, $0xb8;
	[tilespmem:$0x1C000] =	vst v63  }
0x51: {  	_ =	swait.ge [sflag:s18], $0x4000  }
0x52: {  	[sflag:s18] =	ssyncset.done $0x0  }
0x53: {  	s26 =	sadd.s32 $0x5100, s28;
	[sflag:s18] =	ssyncadd.s32 $0xFFFFC000  }
0x54: {  	[spmem:s2] =	stream.indirect.scatter.add.f32 [tilespmem:s11], [sflag:$0x3], $0x40, s26, s14, $0xb8;
	[tilespmem:$0x1C000] =	vst v63  }
0x55: {  	s26 =	sadd.s32 $0x5180, s28  }
0x56: {  	[spmem:s2] =	stream.indirect.scatter.add.f32 [tilespmem:s15], [sflag:$0x3], $0x40, s26, s14, $0xb8;
	[tilespmem:$0x1C000] =	vst v63  }
0x57: {  	_ =	swait.ge [sflag:s19], $0x4000  }
0x58: {  	[sflag:s19] =	ssyncset.done $0x0  }
0x59: {  	s26 =	sadd.s32 $0x200, s28;
	[sflag:s19] =	ssyncadd.s32 $0xFFFFC000  }
0x5a: {  	[tilespmem:s11], [sflag:$0x1] =	stream.indirect.gather [hbm4b:s9+s14], $0x40, s26, s14, $0xb8;
	[tilespmem:$0x1C000] =	vst v63  }
0x5b: {  	s26 =	sadd.s32 $0x280, s28  }
0x5c: {  	[tilespmem:s15], [sflag:$0x1] =	stream.indirect.gather [hbm4b:s9+s14], $0x40, s26, s14, $0xb8;
	[tilespmem:$0x1C000] =	vst v63  }
0x5d: {  	_ =	swait.ge [sflag:s20], $0x4000  }
0x5e: {  	[sflag:s20] =	ssyncset.done $0x0  }
0x5f: {  	s26 =	sadd.s32 $0x5200, s28;
	[sflag:s20] =	ssyncadd.s32 $0xFFFFC000  }
0x60: {  	[spmem:s2] =	stream.indirect.scatter.add.f32 [tilespmem:s16], [sflag:$0x4], $0x40, s26, s14, $0xb8;
	[tilespmem:$0x1C000] =	vst v63  }
.Ltmp1:
0x61: {  	_ = 	snop;
	(pc) =	sbr.rel @p0 .LBB2_4-.Ltmp1, $4  }
0x62: {  	s26 =	sadd.s32 $0x5280, s28  }
0x63: {  	[spmem:s2] =	stream.indirect.scatter.add.f32 [tilespmem:s17], [sflag:$0x4], $0x40, s26, s14, $0xb8;
	[tilespmem:$0x1C000] =	vst v63  }
0x64: {  	_ =	swait.ge [sflag:s21], $0x4000  }
0x65: {  	s26 =	smov.u32 s29;
	[sflag:s21] =	ssyncset.done $0x0  }
0x66: {  	s25 =	sshra.s32 s25, $0x2  }
0x67: {  	[sflag:s21] =	ssyncadd.s32 $0xFFFFC000;
	s26 =	sadd.s32 $0x100, s25  }
0x68: {  	[tilespmem:s16], [sflag:$0x2] =	stream.indirect.gather [hbm4b:s9+s14], $0x40, s26, s14, $0xb8;
	[tilespmem:$0x1C000] =	vst v63  }
0x69: {  	s28 =	sadd.s32 $0x180, s25  }
0x6a: {  	[tilespmem:s17], [sflag:$0x2] =	stream.indirect.gather [hbm4b:s9+s14], $0x40, s28, s14, $0xb8;
	[tilespmem:$0x1C000] =	vst v63  }
0x6b: {  	_ =	swait.ge [sflag:s18], $0x4000  }
0x6c: {  	[sflag:s18] =	ssyncset.done $0x0  }
0x6d: {  	s29 =	sadd.s32 $0x5100, s25;
	[sflag:s18] =	ssyncadd.s32 $0xFFFFC000  }
0x6e: {  	[spmem:s2] =	stream.indirect.scatter.add.f32 [tilespmem:s11], [sflag:$0x3], $0x40, s29, s14, $0xb8;
	[tilespmem:$0x1C000] =	vst v63  }
0x6f: {  	s30 =	sadd.s32 $0x5180, s25  }
0x70: {  	[spmem:s2] =	stream.indirect.scatter.add.f32 [tilespmem:s15], [sflag:$0x3], $0x40, s30, s14, $0xb8;
	[tilespmem:$0x1C000] =	vst v63  }
0x71: {  	_ =	swait.ge [sflag:s19], $0x4000  }
0x72: {  	[sflag:s19] =	ssyncset.done $0x0  }
0x73: {  	s31 =	sadd.s32 $0x200, s25;
	[sflag:s19] =	ssyncadd.s32 $0xFFFFC000  }
0x74: {  	[tilespmem:s11], [sflag:$0x1] =	stream.indirect.gather [hbm4b:s9+s14], $0x40, s31, s14, $0xb8;
	[tilespmem:$0x1C000] =	vst v63  }
0x75: {  	s28 =	sadd.s32 $0x280, s25  }
0x76: {  	[tilespmem:s15], [sflag:$0x1] =	stream.indirect.gather [hbm4b:s9+s14], $0x40, s28, s14, $0xb8;
	[tilespmem:$0x1C000] =	vst v63  }
0x77: {  	_ =	swait.ge [sflag:s20], $0x4000  }
0x78: {  	[sflag:s20] =	ssyncset.done $0x0  }
0x79: {  	s29 =	sadd.s32 $0x5200, s25;
	[sflag:s20] =	ssyncadd.s32 $0xFFFFC000  }
0x7a: {  	[spmem:s2] =	stream.indirect.scatter.add.f32 [tilespmem:s16], [sflag:$0x4], $0x40, s29, s14, $0xb8;
	[tilespmem:$0x1C000] =	vst v63  }
0x7b: {  	s25 =	sadd.s32 $0x5280, s25  }
0x7c: {  	[spmem:s2] =	stream.indirect.scatter.add.f32 [tilespmem:s17], [sflag:$0x4], $0x40, s25, s14, $0xb8;
	[tilespmem:$0x1C000] =	vst v63  }
0x7d: {  	_ =	swait.ge [sflag:s21], $0x4000  }
0x7e: {  	[sflag:s21] =	ssyncset.done $0x0  }
0x7f: {  	[sflag:s21] =	ssyncadd.s32 $0xFFFFC000  }
0x80: {  	_ =	swait.ge [sflag:s18], $0x4000  }
0x81: {  	[sflag:s18] =	ssyncset.done $0x0  }
0x82: {  	[sflag:s18] =	ssyncadd.s32 $0xFFFFC000  }
0x83: {  	[spmem:s2] =	stream.indirect.scatter.add.f32 [tilespmem:s11], [sflag:$0x3], $0x40, s22, s14, $0xb8;
	[tilespmem:$0x1C000] =	vst v63  }
0x84: {  	_ = 	snop  }
0x85: {  	[spmem:s2] =	stream.indirect.scatter.add.f32 [tilespmem:s15], [sflag:$0x3], $0x40, s23, s14, $0xb8;
	[tilespmem:$0x1C000] =	vst v63  }
0x86: {  	s3 =	sadd.s32 $0x1, s3;
	_ =	swait.ge [sflag:s19], $0x4000  }
0x87: {  	p0 =	sne.s32 s3, s10;
	[sflag:s19] =	ssyncset.done $0x0  }
0x88: {  	s30 =	sshll.u32 s1, $0x6;
	s31 =	sshrl.u32 s4, $0x3;
	[sflag:s19] =	ssyncadd.s32 $0xFFFFC000  }
.Ltmp2:
0x89: {  	s25 =	sor.u32 $0x1C05, s30;
	[bflag:$0x0] =	sbarrier.arrive $0xFFFF;
	(pc) =	sbr.rel @p0 .LBB2_1-.Ltmp2, $4  }
0x8a: {  	[hbm:s24], [sflag:s25] =	dma.local [spmem:s31], $0x13C0  }
0x8b: {  	_ =	swait.ge [sflag:s12], $0x13C0  }
0x8c: {  	[sflag:s12] =	ssyncset.done $0x0  }
0x8d: {  	[sflag:s12] =	ssyncadd.s32 $0xFFFFEC40  }
0x8e: {  	_ =	sfence.sel $0x180000  }
0x8f: {  	[bflag:$0x0] =	sbarrier.arrive $0xFFFF  }
0x90: {  	p0 =	sne.s32 s1, $0x0;
	_ =	strace $0x9000004A  }
0x91: {  	s0 =	sadd.s32 @!p0 $0x100000, s0;
	[bflag:$0x2] =	sbarrier.arrive $0xFFFF  }
0x92: {  	[sflag:s0] =	ssyncadd.tile.s32 @!p0 $0x1;
	_ =	shalt  }
.Lfunc_end2:
_tile_overlayer_lowered:
.L_overlay_start_2:
0x93: {  	(tag) =	ssettag $0x2  }
0x94: {  	s0 =	rddreg [dreg:$0x0];
	s2 =	stileid.u32  }
0x95: {  	s1 =	rddreg [dreg:$0x1];
	p0 =	sne.s32 s2, $0x0  }
0x96: {  	s3 =	rddreg [dreg:$0x2];
	[bflag:$0x3] =	sbarrier.arrive $0xFFFF;
	s2 =	simm.s32 @!p0 $0x1C05  }
0x97: {  	[timem:s3], [sflag:s2] =	dma.local @!p0 [hbm:s0], s1  }
0x98: {  	s0 =	simm.s32 @!p0 $0x5  }
0x99: {  	_ =	swait.ge @!p0 [sflag:s0], s1  }
0x9a: {  	s1 =	ssub.s32 @!p0 $0x0, s1;
	[sflag:s0] =	ssyncset.done @!p0 $0x0  }
0x9b: {  	[sflag:s0] =	ssyncadd.s32 @!p0 s1  }
0x9c: {  	[bflag:$0x3] =	sbarrier.arrive $0xFFFF  }
0x9d: {  	_ =	shalt  }

// kernel: kernel.15.cloned.1.call-start
scs
__scs_entry_jumppad:
0x0: {  	(pc) =	sbr.rel $0x88, $3  }
0x1: {  	(tag) =	ssettag $0x0;
	lr =	simm.s32 $0x1  }
0x2: {  	[smem:$0x3F8F] =	sst lr;
	_ =	strace $0xD0000000  }
0x3: {  	_ = 	snop  }
0x4: {  	_ = 	snop  }
0x5: {  	_ = 	snop  }
0x6: {  	_ = 	snop  }
0x7: {  	_ = 	snop  }
__scs_overlays_trampoline_lowered:
0x8: {  	[smem:$0x3F9E] =	sst s0  }
0x9: {  	[smem:$0x3F9F] =	sst s1  }
0xa: {  	[smem:$0x3FA0] =	sst s2  }
0xb: {  	[smem:$0x3FA1] =	sst s3  }
0xc: {  	[smem:$0x3FA2] =	sst s4  }
0xd: {  	[smem:$0x3FA3] =	sst s5  }
0xe: {  	[smem:$0x3FA4] =	sst s6  }
0xf: {  	[smem:$0x3FA5] =	sst s7  }
0x10: {  	[smem:$0x3FA6] =	sst s8  }
0x11: {  	[smem:$0x3FA7] =	sst s9;
	s0 =	simm.s32 @!p0 $0x0  }
0x12: {  	s1 =	sld [smem:$0x3F8D];
	s0 =	simm.s32 @p0 $0x1  }
0x13: {  	[smem:$0x3FA8] =	sst s0;
	s0 =	simm.s32 @!p1 $0x0  }
0x14: {  	s2 =	sld [smem:$0x3F8C];
	s0 =	simm.s32 @p1 $0x1  }
0x15: {  	[smem:$0x3FA9] =	sst s0;
	s0 =	simm.s32 @!p2 $0x0  }
0x16: {  	s3 =	sld [smem:$0x3FDB];
	s0 =	simm.s32 @p2 $0x1  }
0x17: {  	s4 =	simm.s32 $0x1BF5;
	[smem:$0x3FAB] =	sst s0  }
0x18: {  	s0 =	sld [smem:$0x3F8E];
	_ =	swait.ge [sflag:s4], $0x0  }
0x19: {  	s7 =	sld [smem:$0x3F8F]  }
0x1a: {  	s8 =	sadd.s32 $0xFFFFE003, lr  }
0x1b: {  	s9 =	sadd.s32 $0xFFFFFEF7, lr;
	s5 =	simm.s32 $0xFFFFFFFF;
	p2 =	slt.u32 s8, $0xFFFFF086  }
0x1c: {  	p1 =	slt.u32 s9, $0xF7A;
	s5 =	simm.s32 @!p2 $0x0  }
0x1d: {  	s5 =	simm.s32 @p1 $0x1;
	p0 =	seq.s32 s7, s2  }
0x1e: {  	s7 =	smul.u32 @!p0 $0xF7A, s2;
	p2 =	seq.s32 @!p0 s5, $0x0  }
0x1f: {  	s9 =	smul.u32 $0xF7A, s1;
	s8 =	simm.s32 @!p0 $0x1BF5;
	p2 =	por !p2, p0  }
0x20: {  	[sflag:s8] =	ssyncset.s32 @!p0 $0xFFFFF086;
	s6 =	sadd.s32 @!p0 s3, s7;
	s7 =	simm.s32 @!p0 $0x108  }
0x21: {  	s3 =	sadd.s32 s3, s9;
	s6 =	sadd.s32 @!p0 $0x88, s6;
	s7 =	simm.s32 @p2 $0x1082  }
0x22: {  	[simem:s7], [sflag:s8] =	dma.local @!p0 [hbm:s6], $0xF7A  }
0x23: {  	s9 =	sor.u32 $0xD0000000, s2;
	s6 =	simm.s32 $0x108;
	_ =	swait.ge @!p0 [sflag:s8], $0x0  }
0x24: {  	s3 =	sadd.s32 $0x88, s3;
	s6 =	simm.s32 @!p1 $0x1082;
	[sflag:s4] =	ssyncset.s32 $0xFFFFF086  }
0x25: {  	[simem:s6], [sflag:s4] =	dma.local [hbm:s3], $0xF7A  }
0x26: {  	[smem:$0x3F8F] =	sst s1;
	(tag) =	ssettag s2;
	_ =	strace s9  }
0x27: {  	s1 =	sld [smem:$0x3F9F]  }
0x28: {  	s2 =	sld [smem:$0x3FA0]  }
0x29: {  	s4 =	sld [smem:$0x3FA2]  }
0x2a: {  	p0 =	seq.s32 s5, $0x0;
	s5 =	sld [smem:$0x3FA3]  }
0x2b: {  	s6 =	sld [smem:$0x3FA4]  }
0x2c: {  	s7 =	sld [smem:$0x3FA5]  }
0x2d: {  	s3 =	simm.s32 $0x108;
	s8 =	sld [smem:$0x3FA6]  }
0x2e: {  	s3 =	simm.s32 @!p0 $0x1082;
	s9 =	sld [smem:$0x3FA7]  }
0x2f: {  	lr =	sadd.s32 s0, s3;
	s0 =	sld [smem:$0x3F9E]  }
0x30: {  	s3 =	sld [smem:$0x3FA1]  }
0x31: {  	[smem:$0x3FAA] =	sst s10  }
0x32: {  	s10 =	sld [smem:$0x3FA8];
	_ =	sdelay $0x3  }
0x33: {  	p0 =	seq.s32 s10, $0x1;
	s10 =	sld [smem:$0x3FAA];
	_ =	sdelay $0x3  }
0x34: {  	[smem:$0x3FAA] =	sst s10  }
0x35: {  	s10 =	sld [smem:$0x3FA9];
	_ =	sdelay $0x3  }
0x36: {  	p1 =	seq.s32 s10, $0x1;
	s10 =	sld [smem:$0x3FAA];
	_ =	sdelay $0x3  }
0x37: {  	[smem:$0x3FAA] =	sst s10  }
0x38: {  	s10 =	sld [smem:$0x3FAB]  }
0x39: {  	_ = 	snop;
	(pc) =	sbr.ind lr, $3  }
0x3a: {  	_ = 	snop  }
0x3b: {  	_ = 	snop  }
0x3c: {  	p2 =	seq.s32 s10, $0x1;
	s10 =	sld [smem:$0x3FAA]  }
0x3d: {  	_ =	shalt  }
0x3e: {  	_ =	shalt  }
0x3f: {  	_ =	shalt  }
0x40: {  	_ =	shalt  }
0x41: {  	_ =	shalt  }
0x42: {  	_ =	shalt  }
0x43: {  	_ =	shalt  }
0x44: {  	_ =	shalt  }
0x45: {  	_ =	shalt  }
0x46: {  	_ =	shalt  }
0x47: {  	_ =	shalt  }
0x48: {  	_ =	shalt  }
0x49: {  	_ =	shalt  }
0x4a: {  	_ =	shalt  }
0x4b: {  	_ =	shalt  }
0x4c: {  	_ =	shalt  }
0x4d: {  	_ =	shalt  }
0x4e: {  	_ =	shalt  }
0x4f: {  	_ =	shalt  }
0x50: {  	_ =	shalt  }
0x51: {  	_ =	shalt  }
0x52: {  	_ =	shalt  }
0x53: {  	_ =	shalt  }
0x54: {  	_ =	shalt  }
0x55: {  	_ =	shalt  }
0x56: {  	_ =	shalt  }
0x57: {  	_ =	shalt  }
0x58: {  	_ =	shalt  }
0x59: {  	_ =	shalt  }
0x5a: {  	_ =	shalt  }
0x5b: {  	_ =	shalt  }
0x5c: {  	_ =	shalt  }
0x5d: {  	_ =	shalt  }
0x5e: {  	_ =	shalt  }
0x5f: {  	_ =	shalt  }
0x60: {  	_ =	shalt  }
0x61: {  	_ =	shalt  }
0x62: {  	_ =	shalt  }
0x63: {  	_ =	shalt  }
0x64: {  	_ =	shalt  }
0x65: {  	_ =	shalt  }
0x66: {  	_ =	shalt  }
0x67: {  	_ =	shalt  }
0x68: {  	_ =	shalt  }
0x69: {  	_ =	shalt  }
0x6a: {  	_ =	shalt  }
0x6b: {  	_ =	shalt  }
0x6c: {  	_ =	shalt  }
0x6d: {  	_ =	shalt  }
0x6e: {  	_ =	shalt  }
0x6f: {  	_ =	shalt  }
0x70: {  	_ =	shalt  }
0x71: {  	_ =	shalt  }
0x72: {  	_ =	shalt  }
0x73: {  	_ =	shalt  }
0x74: {  	_ =	shalt  }
0x75: {  	_ =	shalt  }
0x76: {  	_ =	shalt  }
0x77: {  	_ =	shalt  }
0x78: {  	_ =	shalt  }
0x79: {  	_ =	shalt  }
0x7a: {  	_ =	shalt  }
0x7b: {  	_ =	shalt  }
0x7c: {  	_ =	shalt  }
0x7d: {  	_ =	shalt  }
0x7e: {  	_ =	shalt  }
0x7f: {  	_ =	shalt  }
0x80: {  	_ =	shalt  }
0x81: {  	_ =	shalt  }
0x82: {  	_ =	shalt  }
0x83: {  	_ =	shalt  }
0x84: {  	_ =	shalt  }
0x85: {  	_ =	shalt  }
0x86: {  	_ =	shalt  }
0x87: {  	_ =	shalt  }
.Lfunc_end0:
.L_simem_size_0:
called_computation.2_lowered:
.L_overlay_start_0:
0x88: {  	s2 =	sld [smem:$0x3FD9]  }
0x89: {  	s3 =	sld [smem:$0x3FFE];
	_ =	sdelay $0x1  }
0x8a: {  	s1 =	srdreg.scid  }
0x8b: {  	s0 =	sand.u32 $0x1, s1  }
0x8c: {  	s16 =	sshll.u32 s0, $0xA;
	s2 =	sadd.s32 s3, s2  }
0x8d: {  	s2 =	sadd.s32 s2, s16  }
0x8e: {  	[smem:$0x3FB6] =	sst s2  }
0x8f: {  	_ = 	snop  }
0x90: {  	(tm) =	ssettm $0x1  }
0x91: {  	s17 =	sld [smem:$0x3FFB];
	_ =	sdelay $0x3  }
0x92: {  	_ =	strace s17  }
0x93: {  	s2 =	sld [smem:$0x3FFC];
	_ =	sdelay $0x3  }
0x94: {  	_ =	strace s2  }
0x95: {  	s2 =	sld [smem:$0x3FFD];
	_ =	sdelay $0x3  }
0x96: {  	_ =	strace s2  }
0x97: {  	_ =	strace $0x8FFFFFFF  }
0x98: {  	s18 =	sld [smem:$0x3FDB];
	_ =	sdelay $0x1  }
0x99: {  	s19 =	simm.s32 $_scs_section_size  }
0x9a: {  	s4 =	simm.s32 $_size__tile_overlayer_lowered;
	s5 =	simm.s32 $_tile_overlayer_lowered  }
0x9b: {  	s22 =	simm.s32 $0x1BFF;
	s21 =	sshll.u32 s5, $0x1;
	s2 =	sadd.s32 s19, s18  }
0x9c: {  	s6 =	simm.s32 $0x0;
	s20 =	sshll.u32 s4, $0x1;
	s4 =	sadd.s32 s21, s2  }
0x9d: {  	[timem:s6], [sflag:s22] =	dma.local [hbm:s4], s20  }
0x9e: {  	_ =	swait.ge [sflag:s22], s20  }
0x9f: {  	s3 =	ssub.s32 $0x0, s20;
	[sflag:s22] =	ssyncset.done $0x0  }
0xa0: {  	[sflag:s22] =	ssyncadd.s32 s3;
	_ =	sdelay $0x1  }
0xa1: {  	s23 =	simm.s32 $0x1B8B  }
0xa2: {  	_ =	swait.ge [sflag:s23], $0x1  }
0xa3: {  	[sflag:s23] =	ssyncset.done $0x0  }
0xa4: {  	s25 =	simm.s32 $0x1B8E;
	s24 =	sld [smem:$0x3FFE];
	[sflag:s23] =	ssyncadd.s32 $0xFFFFFFFF  }
0xa5: {  	s26 =	simm.s32 $execute0_lowered;
	[smem:$0x3FD2] =	sst s25  }
0xa6: {  	s4 =	sshll.u32 s26, $0x1;
	_ =	strace $0x8000004C;
	[dreg:$0x1] =	wrdreg $0xFFFFFFFF  }
0xa7: {  	s28 =	simm.s32 $_size_execute0_lowered;
	s2 =	sadd.s32 s2, s4;
	[dreg:$0x0] =	wrdreg $0x0  }
0xa8: {  	s4 =	sshll.u32 s28, $0x1;
	[dreg:$0x2] =	wrdreg s2  }
0xa9: {  	[dreg:$0x3] =	wrdreg s4  }
0xaa: {  	[dreg:$0x4] =	wrdreg $0xC0  }
0xab: {  	_ =	task [dreg:s6], $0x5FFFF  }
0xac: {  	[dreg:$0x1] =	wrdreg $0xFFFFFFFF  }
0xad: {  	[dreg:$0x0] =	wrdreg $0x60  }
0xae: {  	[dreg:$0x2] =	wrdreg s24  }
0xaf: {  	[dreg:$0x3] =	wrdreg $0xE2000  }
0xb0: {  	[dreg:$0x4] =	wrdreg $0x9  }
0xb1: {  	_ =	task.clear_ibuf [dreg:s6], $0x5FFFF;
	_ =	strace $0x9000004C  }
0xb2: {  	s29 =	simm.s32 $0x9;
	_ =	strace $0x8000004E  }
0xb3: {  	_ =	swait.ge [sflag:s29], $0x1  }
0xb4: {  	[sflag:s29] =	ssyncadd.s32 $0xFFFFFFFF  }
0xb5: {  	_ =	strace $0x9000004E  }
0xb6: {  	_ =	sfence  }
0xb7: {  	s30 =	sld [smem:$0x0];
	_ =	sdelay $0x2  }
0xb8: {  	s31 =	sshll.u32 s1, $0xD;
	s1 =	sshrl.u32 s1, $0x2  }
0xb9: {  	s3 =	sand.u32 $0x4000, s31;
	s1 =	sadd.s32 s1, s30  }
0xba: {  	s0 =	sor.u32 s3, s0;
	s1 =	sshll.u32 s1, $0x11  }
0xbb: {  	s0 =	sor.u32 s1, s0  }
0xbc: {  	s0 =	sadd.s32 $0x8F2B, s0  }
0xbd: {  	[sflag:s0] =	ssyncadd.remote.s32 $0x1  }
0xbe: {  	_ =	sfence.sel $0xFFFF  }
0xbf: {  	[dreg:$0x0] =	wrdreg $0xFFFFFFFF;
	(pc) =	sbr.abs _section_cstart, $3  }
0xc0: {  	[dreg:$0x1] =	wrdreg $0xFFFFFFFF  }
0xc1: {  	_ =	task.clear_ibuf [dreg:s6], $0x2FFFF;
	_ =	strace $0x9FFFFFFF  }
0xc2: {  	(tm) =	ssettm $0x7FFFFFFF  }
0xc3: {  	_ =	shalt  }
tec
execute0_lowered:
.L_overlay_start_1:
0x0: {  	(tag) =	ssettag $0x1  }
0x1: {  	s4 =	rddreg [dreg:$0x0]  }
0x2: {  	s2 =	rddreg [dreg:$0x1]  }
0x3: {  	s0 =	rddreg [dreg:$0x2];
	s1 =	stileid.u32  }
0x4: {  	s3 =	simm.s32 $0x0;
	s6 =	srdreg.scid;
	s13 =	simm.s32 $0x5100  }
0x5: {  	s14 =	simm.s32 $0x80;
	s15 =	simm.s32 $0xB200;
	s16 =	simm.s32 $0xC200  }
0x6: {  	s17 =	simm.s32 $0xD200;
	s18 =	simm.s32 $0x1;
	s19 =	simm.s32 $0x3  }
0x7: {  	s20 =	simm.s32 $0x2;
	s21 =	simm.s32 $0x4;
	s5 =	smul.u32 $0xA20, s1  }
0x8: {  	s22 =	simm.s32 $0xA100;
	s23 =	simm.s32 $0xA180;
	s7 =	smul.u32 $0x13C00, s1  }
0x9: {  	[smem:$0x7FF] =	sst s3;
	s6 =	sand.u32 $0x1, s6;
	s10 =	smul.u32 $0x4F00, s1  }
0xa: {  	_ =	strace $0x8000004D;
	s30 =	smul.u32 $0x9E00, s6;
	s6 =	ssub.s32 $0x2, s6  }
0xb: {  	s8 =	sadd.s32 s5, s4;
	s7 =	sshrl.u32 s7, $0x2;
	s31 =	sshrl.u32 s6, $0x1  }
0xc: {  	s25 =	sshrl.u32 s10, $0x3;
	s11 =	sadd.s32 s30, s4;
	s7 =	sadd.s32 s7, s2  }
0xd: {  	s12 =	ssub.s32 s6, s31;
	s4 =	sadd.s32 s10, s2;
	s5 =	sadd.s32 $0x2000, s7  }
0xe: {  	s6 =	sadd.s32 $0x4000, s7;
	s7 =	sadd.s32 $0x17C00, s8;
	s8 =	sadd.s32 $0x3C00, s8  }
0xf: {  	s9 =	sadd.s32 $0x70E00, s11;
	s24 =	sadd.s32 $0x84A00, s11;
	s10 =	smax.u32 s12, $0x1  }
0x10: {  	v0 =	vimm.f32 $0.0e+00;
	s11 =	simm.s32 $0xA200;
	s12 =	simm.s32 $0x5;
	s24 =	sadd.s32 s25, s24  }
.LBB2_1:
0x11: {  	s25 =	simm.s32 $0x80;
	s26 =	simm.s32 $0x0  }
.LBB2_2:
0x12: {  	p0 =	sne.s32 s25, $0x7F80;
	[tilespmem:s26+$0xA200] =	vst v0;
	s28 =	smov.u32 s25;
	s25 =	sadd.s32 $0x80, s25  }
.Ltmp0:
0x13: {  	[tilespmem:s26+$0xA210] =	vst v0;
	(pc) =	sbr.rel @p0 .LBB2_2-.Ltmp0, $2  }
0x14: {  	_ =	sdelay $0x2  }
0x15: {  	s26 =	sshra.s32 s28, $0x2  }
0x16: {  	[tilespmem:s26+$0xA200] =	vst v0  }
0x17: {  	[tilespmem:s26+$0xA210] =	vst v0  }
0x18: {  	[spmem:s4] =	stream.linear.scatter [tilespmem:s11], [sflag:$0x5], $0x2000, $0x38;
	[tilespmem:$0x13100] =	vst v63  }
0x19: {  	_ =	swait.ge [sflag:s12], $0x2000  }
0x1a: {  	[sflag:s12] =	ssyncset.done $0x0  }
0x1b: {  	[sflag:s12] =	ssyncadd.s32 $0xFFFFE000  }
0x1c: {  	[spmem:s5] =	stream.linear.scatter [tilespmem:s11], [sflag:$0x5], $0x2000, $0x38;
	[tilespmem:$0x13100] =	vst v63  }
0x1d: {  	_ =	swait.ge [sflag:s12], $0x2000  }
0x1e: {  	[sflag:s12] =	ssyncset.done $0x0  }
0x1f: {  	[sflag:s12] =	ssyncadd.s32 $0xFFFFE000  }
0x20: {  	[spmem:s6] =	stream.linear.scatter [tilespmem:s11], [sflag:$0x5], $0xF00, $0x38;
	[tilespmem:$0x13100] =	vst v63  }
0x21: {  	_ =	swait.ge [sflag:s12], $0xF00  }
0x22: {  	[sflag:s12] =	ssyncset.done $0x0  }
0x23: {  	[sflag:s12] =	ssyncadd.s32 $0xFFFFF100  }
0x24: {  	s25 =	simm.s32 $0x0;
	[bflag:$0x0] =	sbarrier.arrive $0xFFFF  }
0x25: {  	[tilespmem:s25], [sflag:$0x5] =	stream.linear.gather [hbm4b:s7+s25], $0x5100, $0x38;
	[tilespmem:$0x13100] =	vst v63  }
0x26: {  	_ =	swait.ge [sflag:s12], $0x5100  }
0x27: {  	[sflag:s12] =	ssyncset.done $0x0  }
0x28: {  	[sflag:s12] =	ssyncadd.s32 $0xFFFFAF00  }
0x29: {  	[tilespmem:s13], [sflag:$0x5] =	stream.linear.gather [hbm4b:s8+s25], $0x5100, $0x38;
	[tilespmem:$0x13100] =	vst v63  }
0x2a: {  	_ =	swait.ge [sflag:s12], $0x5100  }
0x2b: {  	[sflag:s12] =	ssyncset.done $0x0  }
0x2c: {  	[sflag:s12] =	ssyncadd.s32 $0xFFFFAF00  }
0x2d: {  	[tilespmem:s11], [sflag:$0x1] =	stream.indirect.gather [hbm4b:s9+s14], $0x20, s25, s14, $0xb8;
	[tilespmem:$0x13100] =	vst v63  }
0x2e: {  	_ = 	snop  }
0x2f: {  	[tilespmem:s15], [sflag:$0x1] =	stream.indirect.gather [hbm4b:s9+s14], $0x20, s14, s14, $0xb8;
	[tilespmem:$0x13100] =	vst v63  }
0x30: {  	s29 =	simm.s32 $0x100  }
0x31: {  	[tilespmem:s16], [sflag:$0x2] =	stream.indirect.gather [hbm4b:s9+s14], $0x20, s29, s14, $0xb8;
	[tilespmem:$0x13100] =	vst v63  }
0x32: {  	s30 =	simm.s32 $0x180  }
0x33: {  	[tilespmem:s17], [sflag:$0x2] =	stream.indirect.gather [hbm4b:s9+s14], $0x20, s30, s14, $0xb8;
	[tilespmem:$0x13100] =	vst v63  }
0x34: {  	_ =	swait.ge [sflag:s18], $0x2000  }
0x35: {  	[sflag:s18] =	ssyncset.done $0x0  }
0x36: {  	s31 =	simm.s32 $0x5100;
	[sflag:s18] =	ssyncadd.s32 $0xFFFFE000  }
0x37: {  	[spmem:s2] =	stream.indirect.scatter.add.f32 [tilespmem:s11], [sflag:$0x3], $0x20, s31, s14, $0xb8;
	[tilespmem:$0x13100] =	vst v63  }
0x38: {  	s26 =	simm.s32 $0x5180  }
0x39: {  	[spmem:s2] =	stream.indirect.scatter.add.f32 [tilespmem:s15], [sflag:$0x3], $0x20, s26, s14, $0xb8;
	[tilespmem:$0x13100] =	vst v63  }
0x3a: {  	_ =	swait.ge [sflag:s19], $0x2000  }
0x3b: {  	[sflag:s19] =	ssyncset.done $0x0  }
0x3c: {  	s28 =	simm.s32 $0x200;
	[sflag:s19] =	ssyncadd.s32 $0xFFFFE000  }
0x3d: {  	[tilespmem:s11], [sflag:$0x1] =	stream.indirect.gather [hbm4b:s9+s14], $0x20, s28, s14, $0xb8;
	[tilespmem:$0x13100] =	vst v63  }
0x3e: {  	s29 =	simm.s32 $0x280  }
0x3f: {  	[tilespmem:s15], [sflag:$0x1] =	stream.indirect.gather [hbm4b:s9+s14], $0x20, s29, s14, $0xb8;
	[tilespmem:$0x13100] =	vst v63  }
0x40: {  	_ =	swait.ge [sflag:s20], $0x2000  }
0x41: {  	[sflag:s20] =	ssyncset.done $0x0  }
0x42: {  	s30 =	simm.s32 $0x5200;
	[sflag:s20] =	ssyncadd.s32 $0xFFFFE000  }
0x43: {  	[spmem:s2] =	stream.indirect.scatter.add.f32 [tilespmem:s16], [sflag:$0x4], $0x20, s30, s14, $0xb8;
	[tilespmem:$0x13100] =	vst v63  }
0x44: {  	s31 =	simm.s32 $0x5280  }
0x45: {  	[spmem:s2] =	stream.indirect.scatter.add.f32 [tilespmem:s17], [sflag:$0x4], $0x20, s31, s14, $0xb8;
	[tilespmem:$0x13100] =	vst v63  }
0x46: {  	_ =	swait.ge [sflag:s21], $0x2000  }
0x47: {  	s25 =	simm.s32 $0x800;
	s26 =	simm.s32 $0x1000;
	[sflag:s21] =	ssyncset.done $0x0  }
.LBB2_4:
0x48: {  	s28 =	sshra.s32 s25, $0x2  }
0x49: {  	[sflag:s21] =	ssyncadd.s32 $0xFFFFE000;
	s25 =	smov.u32 s26;
	s29 =	sadd.s32 $0x800, s26  }
0x4a: {  	p0 =	sne.s32 s26, $0x13800;
	s26 =	sadd.s32 $0x100, s28  }
0x4b: {  	[tilespmem:s16], [sflag:$0x2] =	stream.indirect.gather [hbm4b:s9+s14], $0x20, s26, s14, $0xb8;
	[tilespmem:$0x13100] =	vst v63  }
0x4c: {  	s26 =	sadd.s32 $0x180, s28  }
0x4d: {  	[tilespmem:s17], [sflag:$0x2] =	stream.indirect.gather [hbm4b:s9+s14], $0x20, s26, s14, $0xb8;
	[tilespmem:$0x13100] =	vst v63  }
0x4e: {  	_ =	swait.ge [sflag:s18], $0x2000  }
0x4f: {  	[sflag:s18] =	ssyncset.done $0x0  }
0x50: {  	s26 =	sadd.s32 $0x5100, s28;
	[sflag:s18] =	ssyncadd.s32 $0xFFFFE000  }
0x51: {  	[spmem:s2] =	stream.indirect.scatter.add.f32 [tilespmem:s11], [sflag:$0x3], $0x20, s26, s14, $0xb8;
	[tilespmem:$0x13100] =	vst v63  }
0x52: {  	s26 =	sadd.s32 $0x5180, s28  }
0x53: {  	[spmem:s2] =	stream.indirect.scatter.add.f32 [tilespmem:s15], [sflag:$0x3], $0x20, s26, s14, $0xb8;
	[tilespmem:$0x13100] =	vst v63  }
0x54: {  	_ =	swait.ge [sflag:s19], $0x2000  }
0x55: {  	[sflag:s19] =	ssyncset.done $0x0  }
0x56: {  	s26 =	sadd.s32 $0x200, s28;
	[sflag:s19] =	ssyncadd.s32 $0xFFFFE000  }
0x57: {  	[tilespmem:s11], [sflag:$0x1] =	stream.indirect.gather [hbm4b:s9+s14], $0x20, s26, s14, $0xb8;
	[tilespmem:$0x13100] =	vst v63  }
0x58: {  	s26 =	sadd.s32 $0x280, s28  }
0x59: {  	[tilespmem:s15], [sflag:$0x1] =	stream.indirect.gather [hbm4b:s9+s14], $0x20, s26, s14, $0xb8;
	[tilespmem:$0x13100] =	vst v63  }
0x5a: {  	_ =	swait.ge [sflag:s20], $0x2000  }
0x5b: {  	[sflag:s20] =	ssyncset.done $0x0  }
0x5c: {  	s26 =	sadd.s32 $0x5200, s28;
	[sflag:s20] =	ssyncadd.s32 $0xFFFFE000  }
0x5d: {  	[spmem:s2] =	stream.indirect.scatter.add.f32 [tilespmem:s16], [sflag:$0x4], $0x20, s26, s14, $0xb8;
	[tilespmem:$0x13100] =	vst v63  }
.Ltmp1:
0x5e: {  	_ = 	snop;
	(pc) =	sbr.rel @p0 .LBB2_4-.Ltmp1, $4  }
0x5f: {  	s26 =	sadd.s32 $0x5280, s28  }
0x60: {  	[spmem:s2] =	stream.indirect.scatter.add.f32 [tilespmem:s17], [sflag:$0x4], $0x20, s26, s14, $0xb8;
	[tilespmem:$0x13100] =	vst v63  }
0x61: {  	_ =	swait.ge [sflag:s21], $0x2000  }
0x62: {  	s26 =	smov.u32 s29;
	[sflag:s21] =	ssyncset.done $0x0  }
0x63: {  	s25 =	sshra.s32 s25, $0x2  }
0x64: {  	[sflag:s21] =	ssyncadd.s32 $0xFFFFE000;
	s26 =	sadd.s32 $0x100, s25  }
0x65: {  	[tilespmem:s16], [sflag:$0x2] =	stream.indirect.gather [hbm4b:s9+s14], $0x20, s26, s14, $0xb8;
	[tilespmem:$0x13100] =	vst v63  }
0x66: {  	s28 =	sadd.s32 $0x180, s25  }
0x67: {  	[tilespmem:s17], [sflag:$0x2] =	stream.indirect.gather [hbm4b:s9+s14], $0x20, s28, s14, $0xb8;
	[tilespmem:$0x13100] =	vst v63  }
0x68: {  	_ =	swait.ge [sflag:s18], $0x2000  }
0x69: {  	[sflag:s18] =	ssyncset.done $0x0  }
0x6a: {  	s29 =	sadd.s32 $0x5100, s25;
	[sflag:s18] =	ssyncadd.s32 $0xFFFFE000  }
0x6b: {  	[spmem:s2] =	stream.indirect.scatter.add.f32 [tilespmem:s11], [sflag:$0x3], $0x20, s29, s14, $0xb8;
	[tilespmem:$0x13100] =	vst v63  }
0x6c: {  	s30 =	sadd.s32 $0x5180, s25  }
0x6d: {  	[spmem:s2] =	stream.indirect.scatter.add.f32 [tilespmem:s15], [sflag:$0x3], $0x20, s30, s14, $0xb8;
	[tilespmem:$0x13100] =	vst v63  }
0x6e: {  	_ =	swait.ge [sflag:s19], $0x2000  }
0x6f: {  	[sflag:s19] =	ssyncset.done $0x0  }
0x70: {  	s31 =	sadd.s32 $0x200, s25;
	[sflag:s19] =	ssyncadd.s32 $0xFFFFE000  }
0x71: {  	[tilespmem:s11], [sflag:$0x1] =	stream.indirect.gather [hbm4b:s9+s14], $0x20, s31, s14, $0xb8;
	[tilespmem:$0x13100] =	vst v63  }
0x72: {  	s28 =	sadd.s32 $0x280, s25  }
0x73: {  	[tilespmem:s15], [sflag:$0x1] =	stream.indirect.gather [hbm4b:s9+s14], $0x20, s28, s14, $0xb8;
	[tilespmem:$0x13100] =	vst v63  }
0x74: {  	_ =	swait.ge [sflag:s20], $0x2000  }
0x75: {  	[sflag:s20] =	ssyncset.done $0x0  }
0x76: {  	s29 =	sadd.s32 $0x5200, s25;
	[sflag:s20] =	ssyncadd.s32 $0xFFFFE000  }
0x77: {  	[spmem:s2] =	stream.indirect.scatter.add.f32 [tilespmem:s16], [sflag:$0x4], $0x20, s29, s14, $0xb8;
	[tilespmem:$0x13100] =	vst v63  }
0x78: {  	s25 =	sadd.s32 $0x5280, s25  }
0x79: {  	[spmem:s2] =	stream.indirect.scatter.add.f32 [tilespmem:s17], [sflag:$0x4], $0x20, s25, s14, $0xb8;
	[tilespmem:$0x13100] =	vst v63  }
0x7a: {  	_ =	swait.ge [sflag:s21], $0x2000  }
0x7b: {  	[sflag:s21] =	ssyncset.done $0x0  }
0x7c: {  	[sflag:s21] =	ssyncadd.s32 $0xFFFFE000  }
0x7d: {  	_ =	swait.ge [sflag:s18], $0x2000  }
0x7e: {  	[sflag:s18] =	ssyncset.done $0x0  }
0x7f: {  	[sflag:s18] =	ssyncadd.s32 $0xFFFFE000  }
0x80: {  	[spmem:s2] =	stream.indirect.scatter.add.f32 [tilespmem:s11], [sflag:$0x3], $0x20, s22, s14, $0xb8;
	[tilespmem:$0x13100] =	vst v63  }
0x81: {  	_ = 	snop  }
0x82: {  	[spmem:s2] =	stream.indirect.scatter.add.f32 [tilespmem:s15], [sflag:$0x3], $0x20, s23, s14, $0xb8;
	[tilespmem:$0x13100] =	vst v63  }
0x83: {  	s3 =	sadd.s32 $0x1, s3;
	_ =	swait.ge [sflag:s19], $0x2000  }
0x84: {  	p0 =	sne.s32 s3, s10;
	[sflag:s19] =	ssyncset.done $0x0  }
0x85: {  	s30 =	sshll.u32 s1, $0x6;
	s31 =	sshrl.u32 s4, $0x3;
	[sflag:s19] =	ssyncadd.s32 $0xFFFFE000  }
.Ltmp2:
0x86: {  	s25 =	sor.u32 $0x1C05, s30;
	[bflag:$0x0] =	sbarrier.arrive $0xFFFF;
	(pc) =	sbr.rel @p0 .LBB2_1-.Ltmp2, $4  }
0x87: {  	[hbm:s24], [sflag:s25] =	dma.local [spmem:s31], $0x9E0  }
0x88: {  	_ =	swait.ge [sflag:s12], $0x9E0  }
0x89: {  	[sflag:s12] =	ssyncset.done $0x0  }
0x8a: {  	[sflag:s12] =	ssyncadd.s32 $0xFFFFF620  }
0x8b: {  	_ =	sfence.sel $0x180000  }
0x8c: {  	[bflag:$0x0] =	sbarrier.arrive $0xFFFF  }
0x8d: {  	p0 =	sne.s32 s1, $0x0;
	_ =	strace $0x9000004D  }
0x8e: {  	s0 =	sadd.s32 @!p0 $0x100000, s0;
	[bflag:$0x2] =	sbarrier.arrive $0xFFFF  }
0x8f: {  	[sflag:s0] =	ssyncadd.tile.s32 @!p0 $0x1;
	_ =	shalt  }
.Lfunc_end2:
_tile_overlayer_lowered:
.L_overlay_start_2:
0x90: {  	(tag) =	ssettag $0x2  }
0x91: {  	s0 =	rddreg [dreg:$0x0];
	s2 =	stileid.u32  }
0x92: {  	s1 =	rddreg [dreg:$0x1];
	p0 =	sne.s32 s2, $0x0  }
0x93: {  	s3 =	rddreg [dreg:$0x2];
	[bflag:$0x3] =	sbarrier.arrive $0xFFFF;
	s2 =	simm.s32 @!p0 $0x1C05  }
0x94: {  	[timem:s3], [sflag:s2] =	dma.local @!p0 [hbm:s0], s1  }
0x95: {  	s0 =	simm.s32 @!p0 $0x5  }
0x96: {  	_ =	swait.ge @!p0 [sflag:s0], s1  }
0x97: {  	s1 =	ssub.s32 @!p0 $0x0, s1;
	[sflag:s0] =	ssyncset.done @!p0 $0x0  }
0x98: {  	[sflag:s0] =	ssyncadd.s32 @!p0 s1  }
0x99: {  	[bflag:$0x3] =	sbarrier.arrive $0xFFFF  }
0x9a: {  	_ =	shalt  }

// kernel: kernel.9.cloned.1.call-start
scs
__scs_entry_jumppad:
0x0: {  	(pc) =	sbr.rel $0x88, $3  }
0x1: {  	(tag) =	ssettag $0x0;
	lr =	simm.s32 $0x1  }
0x2: {  	[smem:$0x3F8F] =	sst lr;
	_ =	strace $0xD0000000  }
0x3: {  	_ = 	snop  }
0x4: {  	_ = 	snop  }
0x5: {  	_ = 	snop  }
0x6: {  	_ = 	snop  }
0x7: {  	_ = 	snop  }
__scs_overlays_trampoline_lowered:
0x8: {  	[smem:$0x3F9E] =	sst s0  }
0x9: {  	[smem:$0x3F9F] =	sst s1  }
0xa: {  	[smem:$0x3FA0] =	sst s2  }
0xb: {  	[smem:$0x3FA1] =	sst s3  }
0xc: {  	[smem:$0x3FA2] =	sst s4  }
0xd: {  	[smem:$0x3FA3] =	sst s5  }
0xe: {  	[smem:$0x3FA4] =	sst s6  }
0xf: {  	[smem:$0x3FA5] =	sst s7  }
0x10: {  	[smem:$0x3FA6] =	sst s8  }
0x11: {  	[smem:$0x3FA7] =	sst s9;
	s0 =	simm.s32 @!p0 $0x0  }
0x12: {  	s1 =	sld [smem:$0x3F8D];
	s0 =	simm.s32 @p0 $0x1  }
0x13: {  	[smem:$0x3FA8] =	sst s0;
	s0 =	simm.s32 @!p1 $0x0  }
0x14: {  	s2 =	sld [smem:$0x3F8C];
	s0 =	simm.s32 @p1 $0x1  }
0x15: {  	[smem:$0x3FA9] =	sst s0;
	s0 =	simm.s32 @!p2 $0x0  }
0x16: {  	s3 =	sld [smem:$0x3FDB];
	s0 =	simm.s32 @p2 $0x1  }
0x17: {  	s4 =	simm.s32 $0x1BF5;
	[smem:$0x3FAB] =	sst s0  }
0x18: {  	s0 =	sld [smem:$0x3F8E];
	_ =	swait.ge [sflag:s4], $0x0  }
0x19: {  	s7 =	sld [smem:$0x3F8F]  }
0x1a: {  	s8 =	sadd.s32 $0xFFFFE003, lr  }
0x1b: {  	s9 =	sadd.s32 $0xFFFFFEF7, lr;
	s5 =	simm.s32 $0xFFFFFFFF;
	p2 =	slt.u32 s8, $0xFFFFF086  }
0x1c: {  	p1 =	slt.u32 s9, $0xF7A;
	s5 =	simm.s32 @!p2 $0x0  }
0x1d: {  	s5 =	simm.s32 @p1 $0x1;
	p0 =	seq.s32 s7, s2  }
0x1e: {  	s7 =	smul.u32 @!p0 $0xF7A, s2;
	p2 =	seq.s32 @!p0 s5, $0x0  }
0x1f: {  	s9 =	smul.u32 $0xF7A, s1;
	s8 =	simm.s32 @!p0 $0x1BF5;
	p2 =	por !p2, p0  }
0x20: {  	[sflag:s8] =	ssyncset.s32 @!p0 $0xFFFFF086;
	s6 =	sadd.s32 @!p0 s3, s7;
	s7 =	simm.s32 @!p0 $0x108  }
0x21: {  	s3 =	sadd.s32 s3, s9;
	s6 =	sadd.s32 @!p0 $0x88, s6;
	s7 =	simm.s32 @p2 $0x1082  }
0x22: {  	[simem:s7], [sflag:s8] =	dma.local @!p0 [hbm:s6], $0xF7A  }
0x23: {  	s9 =	sor.u32 $0xD0000000, s2;
	s6 =	simm.s32 $0x108;
	_ =	swait.ge @!p0 [sflag:s8], $0x0  }
0x24: {  	s3 =	sadd.s32 $0x88, s3;
	s6 =	simm.s32 @!p1 $0x1082;
	[sflag:s4] =	ssyncset.s32 $0xFFFFF086  }
0x25: {  	[simem:s6], [sflag:s4] =	dma.local [hbm:s3], $0xF7A  }
0x26: {  	[smem:$0x3F8F] =	sst s1;
	(tag) =	ssettag s2;
	_ =	strace s9  }
0x27: {  	s1 =	sld [smem:$0x3F9F]  }
0x28: {  	s2 =	sld [smem:$0x3FA0]  }
0x29: {  	s4 =	sld [smem:$0x3FA2]  }
0x2a: {  	p0 =	seq.s32 s5, $0x0;
	s5 =	sld [smem:$0x3FA3]  }
0x2b: {  	s6 =	sld [smem:$0x3FA4]  }
0x2c: {  	s7 =	sld [smem:$0x3FA5]  }
0x2d: {  	s3 =	simm.s32 $0x108;
	s8 =	sld [smem:$0x3FA6]  }
0x2e: {  	s3 =	simm.s32 @!p0 $0x1082;
	s9 =	sld [smem:$0x3FA7]  }
0x2f: {  	lr =	sadd.s32 s0, s3;
	s0 =	sld [smem:$0x3F9E]  }
0x30: {  	s3 =	sld [smem:$0x3FA1]  }
0x31: {  	[smem:$0x3FAA] =	sst s10  }
0x32: {  	s10 =	sld [smem:$0x3FA8];
	_ =	sdelay $0x3  }
0x33: {  	p0 =	seq.s32 s10, $0x1;
	s10 =	sld [smem:$0x3FAA];
	_ =	sdelay $0x3  }
0x34: {  	[smem:$0x3FAA] =	sst s10  }
0x35: {  	s10 =	sld [smem:$0x3FA9];
	_ =	sdelay $0x3  }
0x36: {  	p1 =	seq.s32 s10, $0x1;
	s10 =	sld [smem:$0x3FAA];
	_ =	sdelay $0x3  }
0x37: {  	[smem:$0x3FAA] =	sst s10  }
0x38: {  	s10 =	sld [smem:$0x3FAB]  }
0x39: {  	_ = 	snop;
	(pc) =	sbr.ind lr, $3  }
0x3a: {  	_ = 	snop  }
0x3b: {  	_ = 	snop  }
0x3c: {  	p2 =	seq.s32 s10, $0x1;
	s10 =	sld [smem:$0x3FAA]  }
0x3d: {  	_ =	shalt  }
0x3e: {  	_ =	shalt  }
0x3f: {  	_ =	shalt  }
0x40: {  	_ =	shalt  }
0x41: {  	_ =	shalt  }
0x42: {  	_ =	shalt  }
0x43: {  	_ =	shalt  }
0x44: {  	_ =	shalt  }
0x45: {  	_ =	shalt  }
0x46: {  	_ =	shalt  }
0x47: {  	_ =	shalt  }
0x48: {  	_ =	shalt  }
0x49: {  	_ =	shalt  }
0x4a: {  	_ =	shalt  }
0x4b: {  	_ =	shalt  }
0x4c: {  	_ =	shalt  }
0x4d: {  	_ =	shalt  }
0x4e: {  	_ =	shalt  }
0x4f: {  	_ =	shalt  }
0x50: {  	_ =	shalt  }
0x51: {  	_ =	shalt  }
0x52: {  	_ =	shalt  }
0x53: {  	_ =	shalt  }
0x54: {  	_ =	shalt  }
0x55: {  	_ =	shalt  }
0x56: {  	_ =	shalt  }
0x57: {  	_ =	shalt  }
0x58: {  	_ =	shalt  }
0x59: {  	_ =	shalt  }
0x5a: {  	_ =	shalt  }
0x5b: {  	_ =	shalt  }
0x5c: {  	_ =	shalt  }
0x5d: {  	_ =	shalt  }
0x5e: {  	_ =	shalt  }
0x5f: {  	_ =	shalt  }
0x60: {  	_ =	shalt  }
0x61: {  	_ =	shalt  }
0x62: {  	_ =	shalt  }
0x63: {  	_ =	shalt  }
0x64: {  	_ =	shalt  }
0x65: {  	_ =	shalt  }
0x66: {  	_ =	shalt  }
0x67: {  	_ =	shalt  }
0x68: {  	_ =	shalt  }
0x69: {  	_ =	shalt  }
0x6a: {  	_ =	shalt  }
0x6b: {  	_ =	shalt  }
0x6c: {  	_ =	shalt  }
0x6d: {  	_ =	shalt  }
0x6e: {  	_ =	shalt  }
0x6f: {  	_ =	shalt  }
0x70: {  	_ =	shalt  }
0x71: {  	_ =	shalt  }
0x72: {  	_ =	shalt  }
0x73: {  	_ =	shalt  }
0x74: {  	_ =	shalt  }
0x75: {  	_ =	shalt  }
0x76: {  	_ =	shalt  }
0x77: {  	_ =	shalt  }
0x78: {  	_ =	shalt  }
0x79: {  	_ =	shalt  }
0x7a: {  	_ =	shalt  }
0x7b: {  	_ =	shalt  }
0x7c: {  	_ =	shalt  }
0x7d: {  	_ =	shalt  }
0x7e: {  	_ =	shalt  }
0x7f: {  	_ =	shalt  }
0x80: {  	_ =	shalt  }
0x81: {  	_ =	shalt  }
0x82: {  	_ =	shalt  }
0x83: {  	_ =	shalt  }
0x84: {  	_ =	shalt  }
0x85: {  	_ =	shalt  }
0x86: {  	_ =	shalt  }
0x87: {  	_ =	shalt  }
.Lfunc_end0:
.L_simem_size_0:
called_computation_lowered:
.L_overlay_start_0:
0x88: {  	s2 =	sld [smem:$0x3FD9]  }
0x89: {  	s3 =	sld [smem:$0x3FFE];
	_ =	sdelay $0x1  }
0x8a: {  	s1 =	srdreg.scid  }
0x8b: {  	s0 =	sand.u32 $0x1, s1  }
0x8c: {  	s17 =	sshll.u32 s0, $0xA;
	s2 =	sadd.s32 s3, s2  }
0x8d: {  	s2 =	sadd.s32 s2, s17  }
0x8e: {  	[smem:$0x3FB6] =	sst s2  }
0x8f: {  	_ = 	snop  }
0x90: {  	s2 =	sld [smem:$0x3FD0];
	(tm) =	ssettm $0x1  }
0x91: {  	s18 =	sld [smem:$0x3FFB];
	_ =	sdelay $0x3  }
0x92: {  	_ =	strace s18  }
0x93: {  	s3 =	sld [smem:$0x3FFC];
	_ =	sdelay $0x3  }
0x94: {  	_ =	strace s3  }
0x95: {  	s3 =	sld [smem:$0x3FFD];
	_ =	sdelay $0x3  }
0x96: {  	_ =	strace s3  }
0x97: {  	_ =	strace $0x8FFFFFFF  }
0x98: {  	s19 =	sld [smem:$0x3FDB];
	_ =	sdelay $0x1  }
0x99: {  	s4 =	simm.s32 $_scs_section_size  }
0x9a: {  	s5 =	simm.s32 $_size__tile_overlayer_lowered;
	s6 =	simm.s32 $_tile_overlayer_lowered  }
0x9b: {  	s22 =	simm.s32 $0x1BFF;
	s21 =	sshll.u32 s6, $0x1;
	s3 =	sadd.s32 s4, s19  }
0x9c: {  	s7 =	simm.s32 $0x0;
	s20 =	sshll.u32 s5, $0x1;
	s5 =	sadd.s32 s21, s3  }
0x9d: {  	[timem:s7], [sflag:s22] =	dma.local [hbm:s5], s20  }
0x9e: {  	_ =	swait.ge [sflag:s22], s20  }
0x9f: {  	s4 =	ssub.s32 $0x0, s20;
	[sflag:s22] =	ssyncset.done $0x0  }
0xa0: {  	[sflag:s22] =	ssyncadd.s32 s4;
	_ =	sdelay $0x1  }
0xa1: {  	s23 =	simm.s32 $0x1B8B  }
0xa2: {  	_ =	swait.ge [sflag:s23], $0x1  }
0xa3: {  	[sflag:s23] =	ssyncset.done $0x0  }
0xa4: {  	s25 =	simm.s32 $0x1B8E;
	s24 =	sld [smem:$0x3FFE];
	[sflag:s23] =	ssyncadd.s32 $0xFFFFFFFF  }
0xa5: {  	s26 =	simm.s32 $execute0_lowered;
	[smem:$0x3FD2] =	sst s25  }
0xa6: {  	s5 =	sshll.u32 s26, $0x1;
	_ =	strace $0x80000046;
	[dreg:$0x1] =	wrdreg $0xFFFFFFFF  }
0xa7: {  	s28 =	simm.s32 $_size_execute0_lowered;
	s3 =	sadd.s32 s3, s5;
	[dreg:$0x0] =	wrdreg $0x0  }
0xa8: {  	s5 =	sshll.u32 s28, $0x1;
	[dreg:$0x2] =	wrdreg s3  }
0xa9: {  	[dreg:$0x3] =	wrdreg s5  }
0xaa: {  	[dreg:$0x4] =	wrdreg $0xC0  }
0xab: {  	_ =	task [dreg:s7], $0x5FFFF  }
0xac: {  	[dreg:$0x1] =	wrdreg $0xFFFFFFFF  }
0xad: {  	[dreg:$0x0] =	wrdreg $0x60  }
0xae: {  	[dreg:$0x2] =	wrdreg s24  }
0xaf: {  	[dreg:$0x3] =	wrdreg s2  }
0xb0: {  	[dreg:$0x4] =	wrdreg $0x38800  }
0xb1: {  	[dreg:$0x5] =	wrdreg $0x9  }
0xb2: {  	_ =	task.clear_ibuf [dreg:s7], $0x6FFFF;
	_ =	strace $0x90000046  }
0xb3: {  	s29 =	simm.s32 $0x9;
	_ =	strace $0x80000048  }
0xb4: {  	_ =	swait.ge [sflag:s29], $0x1  }
0xb5: {  	[sflag:s29] =	ssyncadd.s32 $0xFFFFFFFF  }
0xb6: {  	_ =	strace $0x90000048  }
0xb7: {  	_ =	sfence  }
0xb8: {  	s30 =	sld [smem:$0x0];
	_ =	sdelay $0x2  }
0xb9: {  	s31 =	sshll.u32 s1, $0xD;
	s1 =	sshrl.u32 s1, $0x2  }
0xba: {  	s3 =	sand.u32 $0x4000, s31;
	s1 =	sadd.s32 s1, s30  }
0xbb: {  	s0 =	sor.u32 s3, s0;
	s1 =	sshll.u32 s1, $0x11  }
0xbc: {  	s0 =	sor.u32 s1, s0  }
0xbd: {  	s0 =	sadd.s32 $0x8F2B, s0  }
0xbe: {  	[sflag:s0] =	ssyncadd.remote.s32 $0x1  }
0xbf: {  	_ =	sfence.sel $0xFFFF  }
0xc0: {  	[dreg:$0x0] =	wrdreg $0xFFFFFFFF;
	(pc) =	sbr.abs _section_cstart, $3  }
0xc1: {  	[dreg:$0x1] =	wrdreg $0xFFFFFFFF  }
0xc2: {  	_ =	task.clear_ibuf [dreg:s7], $0x2FFFF;
	_ =	strace $0x9FFFFFFF  }
0xc3: {  	(tm) =	ssettm $0x7FFFFFFF  }
tec
execute0_lowered:
.L_overlay_start_1:
0x0: {  	(tag) =	ssettag $0x1  }
0x1: {  	s5 =	rddreg [dreg:$0x0]  }
0x2: {  	s2 =	rddreg [dreg:$0x1]  }
0x3: {  	s3 =	rddreg [dreg:$0x2]  }
0x4: {  	s0 =	rddreg [dreg:$0x3];
	s1 =	stileid.u32  }
0x5: {  	s6 =	srdreg.scid;
	s7 =	smul.u32 $0xA20, s1  }
0x6: {  	s4 =	simm.s32 $0x0;
	s10 =	sand.u32 $0x1, s6;
	s8 =	smul.u32 $0x9E00, s1  }
0x7: {  	[smem:$0x7FF] =	sst s4;
	s12 =	smul.u32 $0x2780, s1;
	s19 =	sshll.u32 s1, $0x6  }
0x8: {  	s6 =	smul.u32 $0x4F00, s10;
	_ =	strace $0x80000047;
	s29 =	ssub.s32 $0x2, s10  }
0x9: {  	s16 =	smul.u32 $0x510, s10;
	s11 =	sadd.s32 s7, s5;
	s30 =	sshrl.u32 s29, $0x1  }
0xa: {  	s31 =	sshrl.u32 s8, $0x2;
	s18 =	sshrl.u32 s12, $0x3;
	s13 =	sadd.s32 s6, s5  }
0xb: {  	s14 =	ssub.s32 s29, s30;
	s5 =	sadd.s32 s12, s3;
	s9 =	sadd.s32 s31, s3  }
0xc: {  	s15 =	sadd.s32 $0x3C00, s11;
	s11 =	simm.s32 $0x2880;
	s12 =	simm.s32 $0x1  }
0xd: {  	s6 =	sadd.s32 $0x800, s9;
	s7 =	sadd.s32 $0x1000, s9;
	s8 =	sadd.s32 $0x1800, s9  }
0xe: {  	s9 =	sadd.s32 $0x2000, s9;
	s17 =	sadd.s32 $0xDE00, s13;
	s10 =	smax.u32 s14, $0x1  }
0xf: {  	s13 =	simm.s32 $0x3080;
	s14 =	sadd.s32 s16, s15;
	s15 =	simm.s32 $0x80  }
0x10: {  	v0 =	vimm.f32 $0.0e+00;
	s16 =	sadd.s32 s18, s17;
	s17 =	sor.u32 $0x1C01, s19;
	s18 =	sshrl.u32 s5, $0x3  }
.LBB2_1:
0x11: {  	s19 =	simm.s32 $0x40;
	s20 =	simm.s32 $0x0  }
.LBB2_2:
0x12: {  	p0 =	sne.s32 s19, $0x1FC0;
	[tilespmem:s20+$0x2880] =	vst v0;
	s20 =	smov.u32 s19;
	s19 =	sadd.s32 $0x40, s19  }
.Ltmp0:
0x13: {  	(pc) =	sbr.rel @p0 .LBB2_2-.Ltmp0, $2  }
0x14: {  	_ =	sdelay $0x2  }
0x15: {  	s20 =	sshra.s32 s20, $0x2  }
0x16: {  	[tilespmem:s20+$0x2880] =	vst v0  }
0x17: {  	[spmem:s5] =	stream.linear.scatter [tilespmem:s11], [sflag:$0x1], $0x800, $0x38;
	[tilespmem:$0x6000] =	vst v63  }
0x18: {  	_ =	swait.ge [sflag:s12], $0x800  }
0x19: {  	[sflag:s12] =	ssyncset.done $0x0  }
0x1a: {  	[sflag:s12] =	ssyncadd.s32 $0xFFFFF800  }
0x1b: {  	[spmem:s6] =	stream.linear.scatter [tilespmem:s11], [sflag:$0x1], $0x800, $0x38;
	[tilespmem:$0x6000] =	vst v63  }
0x1c: {  	_ =	swait.ge [sflag:s12], $0x800  }
0x1d: {  	[sflag:s12] =	ssyncset.done $0x0  }
0x1e: {  	[sflag:s12] =	ssyncadd.s32 $0xFFFFF800  }
0x1f: {  	[spmem:s7] =	stream.linear.scatter [tilespmem:s11], [sflag:$0x1], $0x800, $0x38;
	[tilespmem:$0x6000] =	vst v63  }
0x20: {  	_ =	swait.ge [sflag:s12], $0x800  }
0x21: {  	[sflag:s12] =	ssyncset.done $0x0  }
0x22: {  	[sflag:s12] =	ssyncadd.s32 $0xFFFFF800  }
0x23: {  	[spmem:s8] =	stream.linear.scatter [tilespmem:s11], [sflag:$0x1], $0x800, $0x38;
	[tilespmem:$0x6000] =	vst v63  }
0x24: {  	_ =	swait.ge [sflag:s12], $0x800  }
0x25: {  	[sflag:s12] =	ssyncset.done $0x0  }
0x26: {  	[sflag:s12] =	ssyncadd.s32 $0xFFFFF800  }
0x27: {  	[spmem:s9] =	stream.linear.scatter [tilespmem:s11], [sflag:$0x1], $0x780, $0x38;
	[tilespmem:$0x6000] =	vst v63  }
0x28: {  	_ =	swait.ge [sflag:s12], $0x780  }
0x29: {  	[sflag:s12] =	ssyncset.done $0x0  }
0x2a: {  	s19 =	simm.s32 $0x0;
	[sflag:s12] =	ssyncadd.s32 $0xFFFFF880  }
0x2b: {  	[tilespmem:s13], [sflag:$0x1] =	stream.linear.gather [hbm4b:s2+s19], $0x800, $0x38;
	[tilespmem:$0x6000] =	vst v63  }
0x2c: {  	_ =	swait.ge [sflag:s12], $0x800  }
0x2d: {  	[sflag:s12] =	ssyncset.done $0x0  }
0x2e: {  	[sflag:s12] =	ssyncadd.s32 $0xFFFFF800  }
0x2f: {  	[bflag:$0x0] =	sbarrier.arrive $0xFFFF  }
0x30: {  	[tilespmem:s19], [sflag:$0x1] =	stream.linear.gather [hbm4b:s14+s19], $0x2880, $0x38;
	[tilespmem:$0x6000] =	vst v63  }
0x31: {  	_ =	swait.ge [sflag:s12], $0x2880  }
0x32: {  	[sflag:s12] =	ssyncset.done $0x0  }
0x33: {  	s31 =	simm.s32 $0x0;
	[sflag:s12] =	ssyncadd.s32 $0xFFFFD780  }
0x34: {  	[spmem:s3] =	stream.indirect.scatter.add.f32 [tilespmem:s13], [sflag:$0x1], $0x10, s31, s15, $0xb8;
	[tilespmem:$0x6000] =	vst v63  }
0x35: {  	_ =	swait.ge [sflag:s12], $0x800  }
0x36: {  	s19 =	simm.s32 $0x200;
	[sflag:s12] =	ssyncset.done $0x0  }
.LBB2_4:
0x37: {  	s20 =	sshra.s32 s19, $0x2;
	[sflag:s12] =	ssyncadd.s32 $0xFFFFF800;
	p0 =	sne.s32 s19, $0xA000  }
0x38: {  	[spmem:s3] =	stream.indirect.scatter.add.f32 [tilespmem:s13], [sflag:$0x1], $0x10, s20, s15, $0xb8;
	[tilespmem:$0x6000] =	vst v63  }
.Ltmp1:
0x39: {  	_ = 	snop;
	(pc) =	sbr.rel @p0 .LBB2_4-.Ltmp1, $4  }
0x3a: {  	_ = 	snop  }
0x3b: {  	s19 =	sadd.s32 $0x200, s19  }
0x3c: {  	_ =	swait.ge [sflag:s12], $0x800  }
0x3d: {  	[sflag:s12] =	ssyncset.done $0x0  }
0x3e: {  	s4 =	sadd.s32 $0x1, s4  }
0x3f: {  	[sflag:s12] =	ssyncadd.s32 $0xFFFFF800;
	p0 =	sne.s32 s4, s10  }
.Ltmp2:
0x40: {  	[bflag:$0x0] =	sbarrier.arrive $0xFFFF;
	(pc) =	sbr.rel @p0 .LBB2_1-.Ltmp2, $4  }
0x41: {  	[hbm:s16], [sflag:s17] =	dma.local [spmem:s18], $0x4F0  }
0x42: {  	_ =	swait.ge [sflag:s12], $0x4F0  }
0x43: {  	[sflag:s12] =	ssyncset.done $0x0  }
0x44: {  	[sflag:s12] =	ssyncadd.s32 $0xFFFFFB10  }
0x45: {  	_ =	sfence.sel $0x180000  }
0x46: {  	[bflag:$0x0] =	sbarrier.arrive $0xFFFF  }
0x47: {  	p0 =	sne.s32 s1, $0x0;
	_ =	strace $0x90000047  }
0x48: {  	s0 =	sadd.s32 @!p0 $0x100000, s0;
	[bflag:$0x2] =	sbarrier.arrive $0xFFFF  }
0x49: {  	[sflag:s0] =	ssyncadd.tile.s32 @!p0 $0x1;
	_ =	shalt  }
.Lfunc_end2:
_tile_overlayer_lowered:
.L_overlay_start_2:
0x4a: {  	(tag) =	ssettag $0x2  }
0x4b: {  	s0 =	rddreg [dreg:$0x0];
	s2 =	stileid.u32  }
0x4c: {  	s1 =	rddreg [dreg:$0x1];
	p0 =	sne.s32 s2, $0x0  }
0x4d: {  	s3 =	rddreg [dreg:$0x2];
	[bflag:$0x3] =	sbarrier.arrive $0xFFFF;
	s2 =	simm.s32 @!p0 $0x1C01  }
0x4e: {  	[timem:s3], [sflag:s2] =	dma.local @!p0 [hbm:s0], s1  }
0x4f: {  	s0 =	simm.s32 @!p0 $0x1  }
0x50: {  	_ =	swait.ge @!p0 [sflag:s0], s1  }
0x51: {  	s1 =	ssub.s32 @!p0 $0x0, s1;
	[sflag:s0] =	ssyncset.done @!p0 $0x0  }
0x52: {  	[sflag:s0] =	ssyncadd.s32 @!p0 s1  }
0x53: {  	[bflag:$0x3] =	sbarrier.arrive $0xFFFF  }
0x54: {  	_ =	shalt  }

</sc_bundles>
